<compile_context>
chip_gen: v7x
topology: tpu7x:2x2x1
jax: 0.10.2.dev20260603
libtpu: 0.0.44.dev20260713+nightly
codegen_flags: <defaults>
</compile_context>

<pallas_src>
import dataclasses
import functools

import jax
import jax.numpy as jnp
from jax import lax
from jax.experimental import pallas as pl
from jax.experimental.pallas import tpu as pltpu
from jax.experimental.pallas import tpu_sc as plsc

N_NODES = 10000
N_EDGES = 320000
D = 128
CLS = 10
N_GRAPHS = 64

NC = 2
NS = 16
EDGES_PER_CORE = N_EDGES // NC
EDGES_PER_TILE = EDGES_PER_CORE // NS
BLK = 80
NBLK = EDGES_PER_TILE // BLK
N_PAD = 10240
ROWS_PER_TILE = N_PAD // NS

_sc_mesh = plsc.VectorSubcoreMesh(core_axis_name="c", subcore_axis_name="s")

_sc_cp = pltpu.CompilerParams()
if "needs_layout_passes" in pltpu.CompilerParams.__dataclass_fields__:
    _sc_cp = dataclasses.replace(_sc_cp, needs_layout_passes=False)


L = 16
NGROUP = EDGES_PER_TILE // L


@functools.partial(
    pl.kernel,
    out_type=jax.ShapeDtypeStruct((NC * N_PAD,), jnp.float32),
    mesh=_sc_mesh,
    compiler_params=_sc_cp,
    scratch_types=[
        pltpu.VMEM((EDGES_PER_TILE,), jnp.int32),
        pltpu.VMEM((N_PAD,), jnp.float32),
        pltpu.VMEM((L, ROWS_PER_TILE), jnp.float32),
        pltpu.VMEM((ROWS_PER_TILE,), jnp.float32),
        pltpu.VMEM_SHARED((NS, N_PAD), jnp.float32),
    ],
)
def _degree_sc(dst_hbm, out_hbm, dst_t, acc_t, red_in, red_out, shr):
    c = lax.axis_index("c")
    s = lax.axis_index("s")
    base = c * EDGES_PER_CORE + s * EDGES_PER_TILE
    pltpu.sync_copy(dst_hbm.at[pl.ds(base, EDGES_PER_TILE)], dst_t)

    @pl.loop(0, N_PAD, step=L)
    def _(i):
        acc_t[pl.ds(i, L)] = jnp.zeros((L,), jnp.float32)

    ones_v = jnp.full((L,), 1.0, jnp.float32)

    @pl.loop(0, NGROUP)
    def _(g):
        idx = dst_t[pl.ds(g * L, L)]
        plsc.addupdate_scatter(acc_t, [idx], ones_v)

    pltpu.sync_copy(acc_t, shr.at[s])
    plsc.subcore_barrier()

    col0 = s * ROWS_PER_TILE
    pltpu.sync_copy(shr.at[:, pl.ds(col0, ROWS_PER_TILE)], red_in)

    @pl.loop(0, ROWS_PER_TILE, step=L)
    def _(w):
        tot = jnp.zeros((L,), jnp.float32)
        for r in range(NS):
            tot = tot + red_in[r, pl.ds(w, L)]
        red_out[pl.ds(w, L)] = tot

    pltpu.sync_copy(red_out, out_hbm.at[pl.ds(c * N_PAD + col0, ROWS_PER_TILE)])


GBLK = 120
NFULL = EDGES_PER_TILE // GBLK
TAIL = EDGES_PER_TILE - NFULL * GBLK
NSLOT = 3
NITER = (NFULL - NSLOT - 2) // NSLOT


@functools.partial(
    pl.kernel,
    out_type=jax.ShapeDtypeStruct((NC * N_PAD, D), jnp.float32),
    mesh=_sc_mesh,
    scratch_types=(
        [pltpu.VMEM((2, GBLK), jnp.int32)] * NSLOT
        + [pltpu.VMEM((2, TAIL), jnp.int32)]
        + [pltpu.VMEM((GBLK, D), jnp.float32)] * NSLOT
        + [pltpu.VMEM_SHARED((N_PAD, D), jnp.float32)]
        + [pltpu.SemaphoreType.DMA] * (2 * NSLOT)
    ),
)
def _agg_sc(hs_hbm, pf_hbm, pt_hbm, zeros_hbm, out_hbm,
            ix0, ix1, ix2, ixt,
            rows0, rows1, rows2, acc_sh, g0, g1, g2, s0, s1, s2):
    c = lax.axis_index("c")
    s = lax.axis_index("s")
    r0 = s * ROWS_PER_TILE
    pltpu.sync_copy(zeros_hbm.at[pl.ds(r0, ROWS_PER_TILE)],
                    acc_sh.at[pl.ds(r0, ROWS_PER_TILE)])
    plsc.subcore_barrier()
    w = c * NS + s
    slots = ((ix0, rows0, g0, s0), (ix1, rows1, g1, s1), (ix2, rows2, g2, s2))

    def fetch_idx(ix, j):
        pltpu.sync_copy(pf_hbm.at[pl.ds(2 * (w * NFULL + j), 2)], ix)

    def start_gather(ix, rows, sem):
        pltpu.async_copy(hs_hbm.at[ix.at[0]], rows, sem)

    def wait_gather(ix, rows, sem):
        pltpu.make_async_copy(hs_hbm.at[ix.at[0]], rows, sem).wait()

    def start_scatter(rows, ix, sem):
        pltpu.async_copy(rows, acc_sh.at[ix.at[1]], sem, add=True)

    def drain_scatter(rows, sem):
        pltpu.make_async_copy(zeros_hbm.at[pl.ds(0, GBLK)], rows, sem).wait()

    for b, (ix, rows, g, _) in enumerate(slots):
        fetch_idx(ix, b)
        start_gather(ix, rows, g)
    wait_gather(ix0, rows0, g0)
    start_scatter(rows0, ix0, s0)
    wait_gather(ix1, rows1, g1)
    start_scatter(rows1, ix1, s1)

    def group(j, b):
        ix, rows, g, sc = slots[b]
        ixp, rowsp, gp, scp = slots[(b - 1) % NSLOT]
        drain_scatter(rows, sc)
        fetch_idx(ix, j)
        start_gather(ix, rows, g)
        wait_gather(ixp, rowsp, gp)
        start_scatter(rowsp, ixp, scp)

    @pl.loop(0, NITER)
    def _(k):
        j = NSLOT * k + NSLOT
        group(j, 0)
        group(j + 1, 1)
        group(j + 2, 2)

    group(NFULL - 2, 0)
    group(NFULL - 1, 1)
    wait_gather(ix1, rows1, g1)
    start_scatter(rows1, ix1, s1)
    drain_scatter(rows2, s2)
    drain_scatter(rows0, s0)
    drain_scatter(rows1, s1)

    pltpu.sync_copy(pt_hbm.at[pl.ds(2 * w, 2)], ixt)
    pltpu.async_copy(hs_hbm.at[ixt.at[0]], rows0.at[pl.ds(0, TAIL)], g0).wait()
    pltpu.sync_copy(rows0.at[pl.ds(0, TAIL)], acc_sh.at[ixt.at[1]], add=True)

    plsc.subcore_barrier()
    pltpu.sync_copy(acc_sh.at[pl.ds(r0, ROWS_PER_TILE)],
                    out_hbm.at[pl.ds(c * N_PAD + r0, ROWS_PER_TILE)])


R = 1280
GRID = -(-N_NODES // R)
OFF = N_PAD // R


def _hs1_body(x_ref, w_ref, p0_ref, p1_ref, hs_ref, dinv_ref):
    deg = p0_ref[...] + p1_ref[...] + 1.0
    dinv = lax.rsqrt(deg)
    dinv_ref[...] = dinv
    h = jnp.dot(x_ref[...], w_ref[...], preferred_element_type=jnp.float32)
    hs_ref[...] = h * dinv


_hs1_call = pl.pallas_call(
    _hs1_body,
    grid=(GRID,),
    in_specs=[
        pl.BlockSpec((R, D), lambda i: (i, 0)),
        pl.BlockSpec((D, D), lambda i: (0, 0)),
        pl.BlockSpec((R, 1), lambda i: (i, 0)),
        pl.BlockSpec((R, 1), lambda i: (OFF + i, 0)),
    ],
    out_specs=[
        pl.BlockSpec((R, D), lambda i: (i, 0)),
        pl.BlockSpec((R, 1), lambda i: (i, 0)),
    ],
    out_shape=[
        jax.ShapeDtypeStruct((N_NODES, D), jnp.float32),
        jax.ShapeDtypeStruct((N_NODES, 1), jnp.float32),
    ],
)


def _mid_body(a0_ref, a1_ref, hs_ref, dinv_ref, w_ref, b_ref, out_ref):
    dinv = dinv_ref[...]
    pre = dinv * (a0_ref[...] + a1_ref[...] + hs_ref[...]) + b_ref[...]
    f = jnp.maximum(pre, 0.0)
    out_ref[...] = jnp.dot(f, w_ref[...],
                           preferred_element_type=jnp.float32) * dinv


_mid_call = pl.pallas_call(
    _mid_body,
    grid=(GRID,),
    in_specs=[
        pl.BlockSpec((R, D), lambda i: (i, 0)),
        pl.BlockSpec((R, D), lambda i: (OFF + i, 0)),
        pl.BlockSpec((R, D), lambda i: (i, 0)),
        pl.BlockSpec((R, 1), lambda i: (i, 0)),
        pl.BlockSpec((D, D), lambda i: (0, 0)),
        pl.BlockSpec((1, D), lambda i: (0, 0)),
    ],
    out_specs=pl.BlockSpec((R, D), lambda i: (i, 0)),
    out_shape=jax.ShapeDtypeStruct((N_NODES, D), jnp.float32),
)


def _final_body(a0_ref, a1_ref, hs_ref, dinv_ref, b_ref, batch_ref,
                wfc_ref, bfc_ref, out_ref, pooled_ref, sums, cnts):
    i = pl.program_id(0)

    @pl.when(i == 0)
    def _init():
        sums[...] = jnp.zeros_like(sums)
        cnts[...] = jnp.zeros_like(cnts)

    dinv = dinv_ref[...]
    pre = dinv * (a0_ref[...] + a1_ref[...] + hs_ref[...]) + b_ref[...]
    h2 = jnp.maximum(pre, 0.0)
    rid = i * R + lax.broadcasted_iota(jnp.int32, (R, 1), 0)
    valid = rid < N_NODES
    h2 = jnp.where(valid, h2, 0.0)
    onehot = ((batch_ref[...] ==
               lax.broadcasted_iota(jnp.int32, (R, N_GRAPHS), 1)) & valid
              ).astype(jnp.float32)
    dn = (((0,), (0,)), ((), ()))
    sums[...] += lax.dot_general(onehot, h2, dn,
                                 preferred_element_type=jnp.float32)
    cnts[...] += lax.dot_general(onehot, jnp.ones((R, D), jnp.float32), dn,
                                 preferred_element_type=jnp.float32)

    @pl.when(i == pl.num_programs(0) - 1)
    def _fini():
        pooled = sums[...] / jnp.maximum(cnts[...], 1.0)
        pooled_ref[...] = pooled
        out_ref[...] = jnp.dot(pooled, wfc_ref[...],
                               preferred_element_type=jnp.float32) + bfc_ref[...]


_final_call = pl.pallas_call(
    _final_body,
    grid=(GRID,),
    in_specs=[
        pl.BlockSpec((R, D), lambda i: (i, 0)),
        pl.BlockSpec((R, D), lambda i: (OFF + i, 0)),
        pl.BlockSpec((R, D), lambda i: (i, 0)),
        pl.BlockSpec((R, 1), lambda i: (i, 0)),
        pl.BlockSpec((1, D), lambda i: (0, 0)),
        pl.BlockSpec((R, 1), lambda i: (i, 0)),
        pl.BlockSpec((D, CLS), lambda i: (0, 0)),
        pl.BlockSpec((1, CLS), lambda i: (0, 0)),
    ],
    out_specs=[
        pl.BlockSpec((N_GRAPHS, CLS), lambda i: (0, 0)),
        pl.BlockSpec((N_GRAPHS, D), lambda i: (0, 0)),
    ],
    out_shape=[
        jax.ShapeDtypeStruct((N_GRAPHS, CLS), jnp.float32),
        jax.ShapeDtypeStruct((N_GRAPHS, D), jnp.float32),
    ],
    scratch_shapes=[
        pltpu.VMEM((N_GRAPHS, D), jnp.float32),
        pltpu.VMEM((N_GRAPHS, D), jnp.float32),
    ],
)


NW = NC * NS


def _pack_edge_blocks(ei32):
    per_tile = ei32.reshape(2, NW, EDGES_PER_TILE)
    full = per_tile[:, :, :NFULL * GBLK].reshape(2, NW, NFULL, GBLK)
    pf = jnp.transpose(full, (1, 2, 0, 3)).reshape(NW * NFULL * 2, GBLK)
    tail = per_tile[:, :, NFULL * GBLK:]
    pt = jnp.transpose(tail, (1, 0, 2)).reshape(NW * 2, TAIL)
    return pf, pt


def kernel(x, edge_index, batch, W1, b1, W2, b2, Wfc, bfc):
    ei32 = edge_index.astype(jnp.int32)
    dst = ei32[1]
    pf, pt = _pack_edge_blocks(ei32)
    batch2 = batch.astype(jnp.int32).reshape(N_NODES, 1)
    zeros_nd = jnp.zeros((N_PAD, D), jnp.float32)

    degp = _degree_sc(dst).reshape(NC * N_PAD, 1)
    hs1, dinv = _hs1_call(x, W1, degp, degp)
    agg1 = _agg_sc(hs1, pf, pt, zeros_nd)
    hs2 = _mid_call(agg1, agg1, hs1, dinv, W2, b1.reshape(1, D))
    agg2 = _agg_sc(hs2, pf, pt, zeros_nd)
    output, pooled = _final_call(agg2, agg2, hs2, dinv,
                                 b2.reshape(1, D), batch2,
                                 Wfc, bfc.reshape(1, CLS))
    return (output, pooled)

# --- scband reference (transcript-rebuilt; emitter-appended) ---
"""Pipeline reference for scband-gcn-88295937671541 (READ-ONLY COPY).

The authoritative reference and input builder live on the scoring server;
editing this copy changes nothing except your own understanding.
"""

import jax, jax.numpy as jnp
import numpy as np

N_NODES = 10000
N_EDGES = 320000
D_FEAT = 128
HIDDEN = 128
CLS = 10
N_GRAPHS = 64


def setup_inputs(seed: int = 0) -> dict:
    key = jax.random.key(seed)
    ks = jax.random.split(key, 10)
    x = jax.random.normal(ks[0], (N_NODES, D_FEAT), dtype=jnp.float32)
    edge_index = jax.random.randint(ks[1], (2, N_EDGES), 0, N_NODES, dtype=jnp.int64)
    batch = jnp.sort(jax.random.randint(ks[2], (N_NODES,), 0, N_GRAPHS, dtype=jnp.int64))
    W1 = jax.random.normal(ks[3], (D_FEAT, HIDDEN), dtype=jnp.float32) / np.sqrt(D_FEAT)
    b1 = jnp.zeros((HIDDEN,), dtype=jnp.float32)
    W2 = jax.random.normal(ks[4], (HIDDEN, HIDDEN), dtype=jnp.float32) / np.sqrt(HIDDEN)
    b2 = jnp.zeros((HIDDEN,), dtype=jnp.float32)
    Wfc = jax.random.normal(ks[5], (HIDDEN, CLS), dtype=jnp.float32) / np.sqrt(HIDDEN)
    bfc = jnp.zeros((CLS,), dtype=jnp.float32)
    return {"x": x, "edge_index": edge_index, "batch": batch,
            "W1": W1, "b1": b1, "W2": W2, "b2": b2, "Wfc": Wfc, "bfc": bfc}


def _gcn_conv(x, src, dst, W, b, n_nodes):
    # PyG GCNConv: self-loops + symmetric normalization D^-1/2 A D^-1/2
    loop = jnp.arange(n_nodes, dtype=src.dtype)
    src_l = jnp.concatenate([src, loop])
    dst_l = jnp.concatenate([dst, loop])
    deg = jnp.zeros((n_nodes,), dtype=x.dtype).at[dst_l].add(1.0)
    dinv = jnp.where(deg > 0, deg ** -0.5, 0.0)
    norm = dinv[src_l] * dinv[dst_l]
    h = x @ W
    msg = h[src_l] * norm[:, None]
    out = jnp.zeros((n_nodes, W.shape[1]), dtype=x.dtype).at[dst_l].add(msg)
    return out + b


def reference(x, edge_index, batch, W1, b1, W2, b2, Wfc, bfc):
    n_nodes = x.shape[0]
    src, dst = edge_index[0], edge_index[1]
    h = _gcn_conv(x, src, dst, W1, b1, n_nodes)
    h = jax.nn.relu(h)
    # dropout is identity in eval mode
    h = _gcn_conv(h, src, dst, W2, b2, n_nodes)
    h = jax.nn.relu(h)
    # global_mean_pool over batch ids
    sums = jax.ops.segment_sum(h, batch, num_segments=N_GRAPHS)
    counts = jax.ops.segment_sum(jnp.ones((n_nodes,), dtype=h.dtype), batch, num_segments=N_GRAPHS)
    pooled = sums / jnp.maximum(counts, 1.0)[:, None]
    output = pooled @ Wfc + bfc
    return (output, pooled)

if __name__ == "__main__":
    import jax
    _d = setup_inputs()
    print(jax.jit(kernel)(*tuple(_d.values())))

</pallas_src>

<mosaic_0001>
#map = affine_map<(d0, d1) -> (0)>
module attributes {stable_mosaic.version = 14 : i64} {
  func.func @_degree_sc(%arg0: i32, %arg1: i32, %arg2: memref<320000xi32, #tpu.memory_space<hbm>>, %arg3: memref<20480xf32, #tpu.memory_space<hbm>>, %arg4: memref<10000xi32, #tpu.memory_space<vmem>>, %arg5: memref<10240xf32, #tpu.memory_space<vmem>>, %arg6: memref<16x640xf32, #tpu.memory_space<vmem>>, %arg7: memref<640xf32, #tpu.memory_space<vmem>>, %arg8: memref<16x10240xf32, #tpu.memory_space<vmem_shared>>) attributes {dimension_semantics = [#tpu.dimension_semantics<core_parallel>, #tpu.dimension_semantics<subcore_parallel>], iteration_bounds = array<i64: 2, 16>, scalar_prefetch = 0 : i64, scratch_operands = 5 : i64, tpu.core_type = #tpu.core_type<sc_vector_subcore>, window_params = [{transform_indices = #map}, {transform_indices = #map}]} {
    %mul3A = arith.constant 160000 : i32
    %mul3A_0 = arith.muli %arg0, %mul3A : i32
    %mul3A_1 = arith.constant 10000 : i32
    %mul3A_2 = arith.muli %arg1, %mul3A_1 : i32
    %add3A = arith.addi %mul3A_0, %mul3A_2 : i32
    "tpu.region"() ({
      %run_scoped3A = tpu.sem_alloc : memref<!tpu.dma_semaphore, #tpu.memory_space<semaphore_mem>>
      %dma_start3A = tpu.memref_slice %arg2[%add3A] : memref<320000xi32, #tpu.memory_space<hbm>> -> memref<10000xi32, #tpu.memory_space<hbm>>
      %dma_start3A_23 = tpu.memref_slice %arg2[%add3A] : memref<320000xi32, #tpu.memory_space<hbm>> -> memref<10000xi32, #tpu.memory_space<hbm>>
      tpu.enqueue_dma source(%dma_start3A_23 : memref<10000xi32, #tpu.memory_space<hbm>>) target(%arg4 : memref<10000xi32, #tpu.memory_space<vmem>>) target_semaphore(%run_scoped3A : memref<!tpu.dma_semaphore, #tpu.memory_space<semaphore_mem>>)
      %dma_wait3A = tpu.memref_slice %arg2[%add3A] : memref<320000xi32, #tpu.memory_space<hbm>> -> memref<10000xi32, #tpu.memory_space<hbm>>
      %dma_wait3A_24 = tpu.memref_slice %arg2[%add3A] : memref<320000xi32, #tpu.memory_space<hbm>> -> memref<10000xi32, #tpu.memory_space<hbm>>
      tpu.wait_dma2 semaphore(%run_scoped3A : memref<!tpu.dma_semaphore, #tpu.memory_space<semaphore_mem>>) src(%dma_wait3A_24 : memref<10000xi32, #tpu.memory_space<hbm>>) dst(%arg4 : memref<10000xi32, #tpu.memory_space<vmem>>)
      tpu.yield
    }) : () -> ()
    %scan3A = arith.constant 0 : i32
    %scan3A_3 = arith.constant 640 : i32
    %scan3A_4 = arith.addi %scan3A, %scan3A_3 : i32
    %scan3A_5 = arith.constant 1 : i32
    scf.for %scan3A_23 = %scan3A to %scan3A_4 step %scan3A_5  : i32 {
      %mul3A_24 = arith.constant 16 : i32
      %mul3A_25 = arith.muli %scan3A_23, %mul3A_24 : i32
      %add3A_26 = arith.constant 0 : i32
      %add3A_27 = arith.addi %add3A_26, %mul3A_25 : i32
      %broadcast_in_dim3A_28 = arith.constant 0.000000e+00 : f32
      %broadcast_in_dim3A_29 = vector.broadcast %broadcast_in_dim3A_28 : f32 to vector<16xf32>
      %swap3A = arith.index_cast %add3A_27 : i32 to index
      %swap3A_30 = tpu.vector_load %arg5[%swap3A] {strides = array<i32>} : memref<10240xf32, #tpu.memory_space<vmem>>, vector<16xf32>,
      tpu.vector_store %arg5[%swap3A], %broadcast_in_dim3A_29 {strides = array<i32>} : memref<10240xf32, #tpu.memory_space<vmem>>, vector<16xf32>,
    }
    %scan3A_6 = arith.constant 640 : i32
    %broadcast_in_dim3A = arith.constant 1.000000e+00 : f32
    %broadcast_in_dim3A_7 = vector.broadcast %broadcast_in_dim3A : f32 to vector<16xf32>
    %scan3A_8 = arith.constant 0 : i32
    %scan3A_9 = arith.constant 625 : i32
    %scan3A_10 = arith.addi %scan3A_8, %scan3A_9 : i32
    %scan3A_11 = arith.constant 1 : i32
    scf.for %scan3A_23 = %scan3A_8 to %scan3A_10 step %scan3A_11  : i32 {
      %mul3A_24 = arith.constant 1 : i32
      %mul3A_25 = arith.muli %scan3A_23, %mul3A_24 : i32
      %add3A_26 = arith.constant 0 : i32
      %add3A_27 = arith.addi %add3A_26, %mul3A_25 : i32
      %mul3A_28 = arith.constant 16 : i32
      %mul3A_29 = arith.muli %add3A_27, %mul3A_28 : i32
      %get3A = arith.index_cast %mul3A_29 : i32 to index
      %get3A_30 = tpu.vector_load %arg4[%get3A] {strides = array<i32>} : memref<10000xi32, #tpu.memory_space<vmem>>, vector<16xi32>,
      tpu.vector_store_idx %arg5[%get3A_30], %broadcast_in_dim3A_7 {add = true} : memref<10240xf32, #tpu.memory_space<vmem>>[vector<16xi32>], vector<16xf32>,
    }
    %scan3A_12 = arith.constant 625 : i32
    "tpu.region"() ({
      %run_scoped3A = tpu.sem_alloc : memref<!tpu.dma_semaphore, #tpu.memory_space<semaphore_mem>>
      %dma_start3A = arith.constant 0 : i32
      %dma_start3A_23 = tpu.memref_slice %arg8[%arg1, %dma_start3A] : memref<16x10240xf32, #tpu.memory_space<vmem_shared>> -> memref<1x10240xf32, #tpu.memory_space<vmem_shared>>
      %dma_start3A_24 = tpu.memref_squeeze %dma_start3A_23 : memref<1x10240xf32, #tpu.memory_space<vmem_shared>> -> memref<10240xf32, #tpu.memory_space<vmem_shared>>
      %dma_start3A_25 = arith.constant 0 : i32
      %dma_start3A_26 = tpu.memref_slice %arg8[%arg1, %dma_start3A_25] : memref<16x10240xf32, #tpu.memory_space<vmem_shared>> -> memref<1x10240xf32, #tpu.memory_space<vmem_shared>>
      %dma_start3A_27 = tpu.memref_squeeze %dma_start3A_26 : memref<1x10240xf32, #tpu.memory_space<vmem_shared>> -> memref<10240xf32, #tpu.memory_space<vmem_shared>>
      tpu.enqueue_dma source(%arg5 : memref<10240xf32, #tpu.memory_space<vmem>>) target(%dma_start3A_27 : memref<10240xf32, #tpu.memory_space<vmem_shared>>) target_semaphore(%run_scoped3A : memref<!tpu.dma_semaphore, #tpu.memory_space<semaphore_mem>>)
      %dma_wait3A = arith.constant 0 : i32
      %dma_wait3A_28 = tpu.memref_slice %arg8[%arg1, %dma_wait3A] : memref<16x10240xf32, #tpu.memory_space<vmem_shared>> -> memref<1x10240xf32, #tpu.memory_space<vmem_shared>>
      %dma_wait3A_29 = tpu.memref_squeeze %dma_wait3A_28 : memref<1x10240xf32, #tpu.memory_space<vmem_shared>> -> memref<10240xf32, #tpu.memory_space<vmem_shared>>
      %dma_wait3A_30 = arith.constant 0 : i32
      %dma_wait3A_31 = tpu.memref_slice %arg8[%arg1, %dma_wait3A_30] : memref<16x10240xf32, #tpu.memory_space<vmem_shared>> -> memref<1x10240xf32, #tpu.memory_space<vmem_shared>>
      %dma_wait3A_32 = tpu.memref_squeeze %dma_wait3A_31 : memref<1x10240xf32, #tpu.memory_space<vmem_shared>> -> memref<10240xf32, #tpu.memory_space<vmem_shared>>
      tpu.wait_dma2 semaphore(%run_scoped3A : memref<!tpu.dma_semaphore, #tpu.memory_space<semaphore_mem>>) src(%arg5 : memref<10240xf32, #tpu.memory_space<vmem>>) dst(%dma_wait3A_32 : memref<10240xf32, #tpu.memory_space<vmem_shared>>)
      tpu.yield
    }) : () -> ()
    %barrier3A = arith.constant 0 : index
    tpu.barrier barrier_id(%barrier3A)
    %mul3A_13 = arith.constant 640 : i32
    %mul3A_14 = arith.muli %arg1, %mul3A_13 : i32
    "tpu.region"() ({
      %run_scoped3A = tpu.sem_alloc : memref<!tpu.dma_semaphore, #tpu.memory_space<semaphore_mem>>
      %dma_start3A = arith.constant 0 : i32
      %dma_start3A_23 = tpu.memref_slice %arg8[%dma_start3A, %mul3A_14] : memref<16x10240xf32, #tpu.memory_space<vmem_shared>> -> memref<16x640xf32, #tpu.memory_space<vmem_shared>>
      %dma_start3A_24 = arith.constant 0 : i32
      %dma_start3A_25 = tpu.memref_slice %arg8[%dma_start3A_24, %mul3A_14] : memref<16x10240xf32, #tpu.memory_space<vmem_shared>> -> memref<16x640xf32, #tpu.memory_space<vmem_shared>>
      tpu.enqueue_dma source(%dma_start3A_25 : memref<16x640xf32, #tpu.memory_space<vmem_shared>>) target(%arg6 : memref<16x640xf32, #tpu.memory_space<vmem>>) target_semaphore(%run_scoped3A : memref<!tpu.dma_semaphore, #tpu.memory_space<semaphore_mem>>)
      %dma_wait3A = arith.constant 0 : i32
      %dma_wait3A_26 = tpu.memref_slice %arg8[%dma_wait3A, %mul3A_14] : memref<16x10240xf32, #tpu.memory_space<vmem_shared>> -> memref<16x640xf32, #tpu.memory_space<vmem_shared>>
      %dma_wait3A_27 = arith.constant 0 : i32
      %dma_wait3A_28 = tpu.memref_slice %arg8[%dma_wait3A_27, %mul3A_14] : memref<16x10240xf32, #tpu.memory_space<vmem_shared>> -> memref<16x640xf32, #tpu.memory_space<vmem_shared>>
      tpu.wait_dma2 semaphore(%run_scoped3A : memref<!tpu.dma_semaphore, #tpu.memory_space<semaphore_mem>>) src(%dma_wait3A_28 : memref<16x640xf32, #tpu.memory_space<vmem_shared>>) dst(%arg6 : memref<16x640xf32, #tpu.memory_space<vmem>>)
      tpu.yield
    }) : () -> ()
    %scan3A_15 = arith.constant 0 : i32
    %scan3A_16 = arith.constant 40 : i32
    %scan3A_17 = arith.addi %scan3A_15, %scan3A_16 : i32
    %scan3A_18 = arith.constant 1 : i32
    scf.for %scan3A_23 = %scan3A_15 to %scan3A_17 step %scan3A_18  : i32 {
      %mul3A_24 = arith.constant 16 : i32
      %mul3A_25 = arith.muli %scan3A_23, %mul3A_24 : i32
      %add3A_26 = arith.constant 0 : i32
      %add3A_27 = arith.addi %add3A_26, %mul3A_25 : i32
      %broadcast_in_dim3A_28 = arith.constant 0.000000e+00 : f32
      %broadcast_in_dim3A_29 = vector.broadcast %broadcast_in_dim3A_28 : f32 to vector<16xf32>
      %get3A = arith.constant 0 : i32
      %get3A_30 = arith.index_cast %get3A : i32 to index
      %get3A_31 = arith.index_cast %add3A_27 : i32 to index
      %get3A_32 = tpu.vector_load %arg6[%get3A_30, %get3A_31] {strides = array<i32>} : memref<16x640xf32, #tpu.memory_space<vmem>>, vector<16xf32>,
      %add3A_33 = arith.addf %broadcast_in_dim3A_29, %get3A_32 : vector<16xf32>
      %get3A_34 = arith.constant 1 : i32
      %get3A_35 = arith.index_cast %get3A_34 : i32 to index
      %get3A_36 = arith.index_cast %add3A_27 : i32 to index
      %get3A_37 = tpu.vector_load %arg6[%get3A_35, %get3A_36] {strides = array<i32>} : memref<16x640xf32, #tpu.memory_space<vmem>>, vector<16xf32>,
      %add3A_38 = arith.addf %add3A_33, %get3A_37 : vector<16xf32>
      %get3A_39 = arith.constant 2 : i32
      %get3A_40 = arith.index_cast %get3A_39 : i32 to index
      %get3A_41 = arith.index_cast %add3A_27 : i32 to index
      %get3A_42 = tpu.vector_load %arg6[%get3A_40, %get3A_41] {strides = array<i32>} : memref<16x640xf32, #tpu.memory_space<vmem>>, vector<16xf32>,
      %add3A_43 = arith.addf %add3A_38, %get3A_42 : vector<16xf32>
      %get3A_44 = arith.constant 3 : i32
      %get3A_45 = arith.index_cast %get3A_44 : i32 to index
      %get3A_46 = arith.index_cast %add3A_27 : i32 to index
      %get3A_47 = tpu.vector_load %arg6[%get3A_45, %get3A_46] {strides = array<i32>} : memref<16x640xf32, #tpu.memory_space<vmem>>, vector<16xf32>,
      %add3A_48 = arith.addf %add3A_43, %get3A_47 : vector<16xf32>
      %get3A_49 = arith.constant 4 : i32
      %get3A_50 = arith.index_cast %get3A_49 : i32 to index
      %get3A_51 = arith.index_cast %add3A_27 : i32 to index
      %get3A_52 = tpu.vector_load %arg6[%get3A_50, %get3A_51] {strides = array<i32>} : memref<16x640xf32, #tpu.memory_space<vmem>>, vector<16xf32>,
      %add3A_53 = arith.addf %add3A_48, %get3A_52 : vector<16xf32>
      %get3A_54 = arith.constant 5 : i32
      %get3A_55 = arith.index_cast %get3A_54 : i32 to index
      %get3A_56 = arith.index_cast %add3A_27 : i32 to index
      %get3A_57 = tpu.vector_load %arg6[%get3A_55, %get3A_56] {strides = array<i32>} : memref<16x640xf32, #tpu.memory_space<vmem>>, vector<16xf32>,
      %add3A_58 = arith.addf %add3A_53, %get3A_57 : vector<16xf32>
      %get3A_59 = arith.constant 6 : i32
      %get3A_60 = arith.index_cast %get3A_59 : i32 to index
      %get3A_61 = arith.index_cast %add3A_27 : i32 to index
      %get3A_62 = tpu.vector_load %arg6[%get3A_60, %get3A_61] {strides = array<i32>} : memref<16x640xf32, #tpu.memory_space<vmem>>, vector<16xf32>,
      %add3A_63 = arith.addf %add3A_58, %get3A_62 : vector<16xf32>
      %get3A_64 = arith.constant 7 : i32
      %get3A_65 = arith.index_cast %get3A_64 : i32 to index
      %get3A_66 = arith.index_cast %add3A_27 : i32 to index
      %get3A_67 = tpu.vector_load %arg6[%get3A_65, %get3A_66] {strides = array<i32>} : memref<16x640xf32, #tpu.memory_space<vmem>>, vector<16xf32>,
      %add3A_68 = arith.addf %add3A_63, %get3A_67 : vector<16xf32>
      %get3A_69 = arith.constant 8 : i32
      %get3A_70 = arith.index_cast %get3A_69 : i32 to index
      %get3A_71 = arith.index_cast %add3A_27 : i32 to index
      %get3A_72 = tpu.vector_load %arg6[%get3A_70, %get3A_71] {strides = array<i32>} : memref<16x640xf32, #tpu.memory_space<vmem>>, vector<16xf32>,
      %add3A_73 = arith.addf %add3A_68, %get3A_72 : vector<16xf32>
      %get3A_74 = arith.constant 9 : i32
      %get3A_75 = arith.index_cast %get3A_74 : i32 to index
      %get3A_76 = arith.index_cast %add3A_27 : i32 to index
      %get3A_77 = tpu.vector_load %arg6[%get3A_75, %get3A_76] {strides = array<i32>} : memref<16x640xf32, #tpu.memory_space<vmem>>, vector<16xf32>,
      %add3A_78 = arith.addf %add3A_73, %get3A_77 : vector<16xf32>
      %get3A_79 = arith.constant 10 : i32
      %get3A_80 = arith.index_cast %get3A_79 : i32 to index
      %get3A_81 = arith.index_cast %add3A_27 : i32 to index
      %get3A_82 = tpu.vector_load %arg6[%get3A_80, %get3A_81] {strides = array<i32>} : memref<16x640xf32, #tpu.memory_space<vmem>>, vector<16xf32>,
      %add3A_83 = arith.addf %add3A_78, %get3A_82 : vector<16xf32>
      %get3A_84 = arith.constant 11 : i32
      %get3A_85 = arith.index_cast %get3A_84 : i32 to index
      %get3A_86 = arith.index_cast %add3A_27 : i32 to index
      %get3A_87 = tpu.vector_load %arg6[%get3A_85, %get3A_86] {strides = array<i32>} : memref<16x640xf32, #tpu.memory_space<vmem>>, vector<16xf32>,
      %add3A_88 = arith.addf %add3A_83, %get3A_87 : vector<16xf32>
      %get3A_89 = arith.constant 12 : i32
      %get3A_90 = arith.index_cast %get3A_89 : i32 to index
      %get3A_91 = arith.index_cast %add3A_27 : i32 to index
      %get3A_92 = tpu.vector_load %arg6[%get3A_90, %get3A_91] {strides = array<i32>} : memref<16x640xf32, #tpu.memory_space<vmem>>, vector<16xf32>,
      %add3A_93 = arith.addf %add3A_88, %get3A_92 : vector<16xf32>
      %get3A_94 = arith.constant 13 : i32
      %get3A_95 = arith.index_cast %get3A_94 : i32 to index
      %get3A_96 = arith.index_cast %add3A_27 : i32 to index
      %get3A_97 = tpu.vector_load %arg6[%get3A_95, %get3A_96] {strides = array<i32>} : memref<16x640xf32, #tpu.memory_space<vmem>>, vector<16xf32>,
      %add3A_98 = arith.addf %add3A_93, %get3A_97 : vector<16xf32>
      %get3A_99 = arith.constant 14 : i32
      %get3A_100 = arith.index_cast %get3A_99 : i32 to index
      %get3A_101 = arith.index_cast %add3A_27 : i32 to index
      %get3A_102 = tpu.vector_load %arg6[%get3A_100, %get3A_101] {strides = array<i32>} : memref<16x640xf32, #tpu.memory_space<vmem>>, vector<16xf32>,
      %add3A_103 = arith.addf %add3A_98, %get3A_102 : vector<16xf32>
      %get3A_104 = arith.constant 15 : i32
      %get3A_105 = arith.index_cast %get3A_104 : i32 to index
      %get3A_106 = arith.index_cast %add3A_27 : i32 to index
      %get3A_107 = tpu.vector_load %arg6[%get3A_105, %get3A_106] {strides = array<i32>} : memref<16x640xf32, #tpu.memory_space<vmem>>, vector<16xf32>,
      %add3A_108 = arith.addf %add3A_103, %get3A_107 : vector<16xf32>
      %swap3A = arith.index_cast %add3A_27 : i32 to index
      %swap3A_109 = tpu.vector_load %arg7[%swap3A] {strides = array<i32>} : memref<640xf32, #tpu.memory_space<vmem>>, vector<16xf32>,
      tpu.vector_store %arg7[%swap3A], %add3A_108 {strides = array<i32>} : memref<640xf32, #tpu.memory_space<vmem>>, vector<16xf32>,
    }
    %scan3A_19 = arith.constant 40 : i32
    %mul3A_20 = arith.constant 10240 : i32
    %mul3A_21 = arith.muli %arg0, %mul3A_20 : i32
    %add3A_22 = arith.addi %mul3A_21, %mul3A_14 : i32
    "tpu.region"() ({
      %run_scoped3A = tpu.sem_alloc : memref<!tpu.dma_semaphore, #tpu.memory_space<semaphore_mem>>
      %dma_start3A = tpu.memref_slice %arg3[%add3A_22] : memref<20480xf32, #tpu.memory_space<hbm>> -> memref<640xf32, #tpu.memory_space<hbm>>
      %dma_start3A_23 = tpu.memref_slice %arg3[%add3A_22] : memref<20480xf32, #tpu.memory_space<hbm>> -> memref<640xf32, #tpu.memory_space<hbm>>
      tpu.enqueue_dma source(%arg7 : memref<640xf32, #tpu.memory_space<vmem>>) target(%dma_start3A_23 : memref<640xf32, #tpu.memory_space<hbm>>) target_semaphore(%run_scoped3A : memref<!tpu.dma_semaphore, #tpu.memory_space<semaphore_mem>>)
      %dma_wait3A = tpu.memref_slice %arg3[%add3A_22] : memref<20480xf32, #tpu.memory_space<hbm>> -> memref<640xf32, #tpu.memory_space<hbm>>
      %dma_wait3A_24 = tpu.memref_slice %arg3[%add3A_22] : memref<20480xf32, #tpu.memory_space<hbm>> -> memref<640xf32, #tpu.memory_space<hbm>>
      tpu.wait_dma2 semaphore(%run_scoped3A : memref<!tpu.dma_semaphore, #tpu.memory_space<semaphore_mem>>) src(%arg7 : memref<640xf32, #tpu.memory_space<vmem>>) dst(%dma_wait3A_24 : memref<640xf32, #tpu.memory_space<hbm>>)
      tpu.yield
    }) : () -> ()
    return
  }
}

#map = affine_map<(d0, d1) -> (0, 0)>
module attributes {stable_mosaic.version = 14 : i64} {
  func.func @_agg_sc(%arg0: i32, %arg1: i32, %arg2: memref<10000x128xf32, #tpu.memory_space<hbm>>, %arg3: memref<5312x120xi32, #tpu.memory_space<hbm>>, %arg4: memref<64x40xi32, #tpu.memory_space<hbm>>, %arg5: memref<10240x128xf32, #tpu.memory_space<hbm>>, %arg6: memref<20480x128xf32, #tpu.memory_space<hbm>>, %arg7: memref<2x120xi32, #tpu.memory_space<vmem>>, %arg8: memref<2x120xi32, #tpu.memory_space<vmem>>, %arg9: memref<2x120xi32, #tpu.memory_space<vmem>>, %arg10: memref<2x40xi32, #tpu.memory_space<vmem>>, %arg11: memref<120x128xf32, #tpu.memory_space<vmem>>, %arg12: memref<120x128xf32, #tpu.memory_space<vmem>>, %arg13: memref<120x128xf32, #tpu.memory_space<vmem>>, %arg14: memref<10240x128xf32, #tpu.memory_space<vmem_shared>>, %arg15: memref<!tpu.dma_semaphore, #tpu.memory_space<semaphore_mem>>, %arg16: memref<!tpu.dma_semaphore, #tpu.memory_space<semaphore_mem>>, %arg17: memref<!tpu.dma_semaphore, #tpu.memory_space<semaphore_mem>>, %arg18: memref<!tpu.dma_semaphore, #tpu.memory_space<semaphore_mem>>, %arg19: memref<!tpu.dma_semaphore, #tpu.memory_space<semaphore_mem>>, %arg20: memref<!tpu.dma_semaphore, #tpu.memory_space<semaphore_mem>>) attributes {dimension_semantics = [#tpu.dimension_semantics<core_parallel>, #tpu.dimension_semantics<subcore_parallel>], iteration_bounds = array<i64: 2, 16>, scalar_prefetch = 0 : i64, scratch_operands = 14 : i64, tpu.core_type = #tpu.core_type<sc_vector_subcore>, window_params = [{transform_indices = #map}, {transform_indices = #map}, {transform_indices = #map}, {transform_indices = #map}, {transform_indices = #map}]} {
    %mul3A = arith.constant 640 : i32
    %mul3A_0 = arith.muli %arg1, %mul3A : i32
    "tpu.region"() ({
      %run_scoped3A_196 = tpu.sem_alloc : memref<!tpu.dma_semaphore, #tpu.memory_space<semaphore_mem>>
      %dma_start3A_197 = arith.constant 0 : i32
      %dma_start3A_198 = tpu.memref_slice %arg14[%mul3A_0, %dma_start3A_197] : memref<10240x128xf32, #tpu.memory_space<vmem_shared>> -> memref<640x128xf32, #tpu.memory_space<vmem_shared>>
      %dma_start3A_199 = arith.constant 0 : i32
      %dma_start3A_200 = tpu.memref_slice %arg5[%mul3A_0, %dma_start3A_199] : memref<10240x128xf32, #tpu.memory_space<hbm>> -> memref<640x128xf32, #tpu.memory_space<hbm>>
      tpu.enqueue_dma source(%dma_start3A_200 : memref<640x128xf32, #tpu.memory_space<hbm>>) target(%dma_start3A_198 : memref<640x128xf32, #tpu.memory_space<vmem_shared>>) target_semaphore(%run_scoped3A_196 : memref<!tpu.dma_semaphore, #tpu.memory_space<semaphore_mem>>)
      %dma_wait3A_201 = arith.constant 0 : i32
      %dma_wait3A_202 = tpu.memref_slice %arg14[%mul3A_0, %dma_wait3A_201] : memref<10240x128xf32, #tpu.memory_space<vmem_shared>> -> memref<640x128xf32, #tpu.memory_space<vmem_shared>>
      %dma_wait3A_203 = arith.constant 0 : i32
      %dma_wait3A_204 = tpu.memref_slice %arg5[%mul3A_0, %dma_wait3A_203] : memref<10240x128xf32, #tpu.memory_space<hbm>> -> memref<640x128xf32, #tpu.memory_space<hbm>>
      tpu.wait_dma2 semaphore(%run_scoped3A_196 : memref<!tpu.dma_semaphore, #tpu.memory_space<semaphore_mem>>) src(%dma_wait3A_204 : memref<640x128xf32, #tpu.memory_space<hbm>>) dst(%dma_wait3A_202 : memref<640x128xf32, #tpu.memory_space<vmem_shared>>)
      tpu.yield
    }) : () -> ()
    %barrier3A = arith.constant 0 : index
    tpu.barrier barrier_id(%barrier3A)
    %mul3A_1 = arith.constant 16 : i32
    %mul3A_2 = arith.muli %arg0, %mul3A_1 : i32
    %add3A = arith.addi %mul3A_2, %arg1 : i32
    %mul3A_3 = arith.constant 83 : i32
    %mul3A_4 = arith.muli %add3A, %mul3A_3 : i32
    %add3A_5 = arith.constant 0 : i32
    %add3A_6 = arith.addi %mul3A_4, %add3A_5 : i32
    %mul3A_7 = arith.constant 2 : i32
    %mul3A_8 = arith.muli %mul3A_7, %add3A_6 : i32
    "tpu.region"() ({
      %run_scoped3A_196 = tpu.sem_alloc : memref<!tpu.dma_semaphore, #tpu.memory_space<semaphore_mem>>
      %dma_start3A_197 = arith.constant 0 : i32
      %dma_start3A_198 = tpu.memref_slice %arg3[%mul3A_8, %dma_start3A_197] : memref<5312x120xi32, #tpu.memory_space<hbm>> -> memref<2x120xi32, #tpu.memory_space<hbm>>
      %dma_start3A_199 = arith.constant 0 : i32
      %dma_start3A_200 = tpu.memref_slice %arg3[%mul3A_8, %dma_start3A_199] : memref<5312x120xi32, #tpu.memory_space<hbm>> -> memref<2x120xi32, #tpu.memory_space<hbm>>
      tpu.enqueue_dma source(%dma_start3A_200 : memref<2x120xi32, #tpu.memory_space<hbm>>) target(%arg7 : memref<2x120xi32, #tpu.memory_space<vmem>>) target_semaphore(%run_scoped3A_196 : memref<!tpu.dma_semaphore, #tpu.memory_space<semaphore_mem>>)
      %dma_wait3A_201 = arith.constant 0 : i32
      %dma_wait3A_202 = tpu.memref_slice %arg3[%mul3A_8, %dma_wait3A_201] : memref<5312x120xi32, #tpu.memory_space<hbm>> -> memref<2x120xi32, #tpu.memory_space<hbm>>
      %dma_wait3A_203 = arith.constant 0 : i32
      %dma_wait3A_204 = tpu.memref_slice %arg3[%mul3A_8, %dma_wait3A_203] : memref<5312x120xi32, #tpu.memory_space<hbm>> -> memref<2x120xi32, #tpu.memory_space<hbm>>
      tpu.wait_dma2 semaphore(%run_scoped3A_196 : memref<!tpu.dma_semaphore, #tpu.memory_space<semaphore_mem>>) src(%dma_wait3A_204 : memref<2x120xi32, #tpu.memory_space<hbm>>) dst(%arg7 : memref<2x120xi32, #tpu.memory_space<vmem>>)
      tpu.yield
    }) : () -> ()
    %dma_start3A = arith.constant 0 : i32
    %dma_start3A_9 = arith.constant 0 : i32
    %dma_start3A_10 = tpu.memref_slice %arg7[%dma_start3A, %dma_start3A_9] : memref<2x120xi32, #tpu.memory_space<vmem>> -> memref<1x120xi32, #tpu.memory_space<vmem>>
    %dma_start3A_11 = tpu.memref_squeeze %dma_start3A_10 : memref<1x120xi32, #tpu.memory_space<vmem>> -> memref<120xi32, #tpu.memory_space<vmem>>
    %dma_start3A_12 = arith.constant 0 : i32
    %dma_start3A_13 = arith.constant 0 : i32
    %dma_start3A_14 = tpu.memref_slice %arg2[%dma_start3A_12, %dma_start3A_13] : memref<10000x128xf32, #tpu.memory_space<hbm>> -> memref<10000x128xf32, #tpu.memory_space<hbm>>
    tpu.enqueue_indirect_dma source(%dma_start3A_14 : memref<10000x128xf32, #tpu.memory_space<hbm>>) target(%arg11 : memref<120x128xf32, #tpu.memory_space<vmem>>) offsets(%dma_start3A_11 : memref<120xi32, #tpu.memory_space<vmem>>) semaphore(%arg15 : memref<!tpu.dma_semaphore, #tpu.memory_space<semaphore_mem>>)
    %mul3A_15 = arith.constant 83 : i32
    %mul3A_16 = arith.muli %add3A, %mul3A_15 : i32
    %add3A_17 = arith.constant 1 : i32
    %add3A_18 = arith.addi %mul3A_16, %add3A_17 : i32
    %mul3A_19 = arith.constant 2 : i32
    %mul3A_20 = arith.muli %mul3A_19, %add3A_18 : i32
    "tpu.region"() ({
      %run_scoped3A_196 = tpu.sem_alloc : memref<!tpu.dma_semaphore, #tpu.memory_space<semaphore_mem>>
      %dma_start3A_197 = arith.constant 0 : i32
      %dma_start3A_198 = tpu.memref_slice %arg3[%mul3A_20, %dma_start3A_197] : memref<5312x120xi32, #tpu.memory_space<hbm>> -> memref<2x120xi32, #tpu.memory_space<hbm>>
      %dma_start3A_199 = arith.constant 0 : i32
      %dma_start3A_200 = tpu.memref_slice %arg3[%mul3A_20, %dma_start3A_199] : memref<5312x120xi32, #tpu.memory_space<hbm>> -> memref<2x120xi32, #tpu.memory_space<hbm>>
      tpu.enqueue_dma source(%dma_start3A_200 : memref<2x120xi32, #tpu.memory_space<hbm>>) target(%arg8 : memref<2x120xi32, #tpu.memory_space<vmem>>) target_semaphore(%run_scoped3A_196 : memref<!tpu.dma_semaphore, #tpu.memory_space<semaphore_mem>>)
      %dma_wait3A_201 = arith.constant 0 : i32
      %dma_wait3A_202 = tpu.memref_slice %arg3[%mul3A_20, %dma_wait3A_201] : memref<5312x120xi32, #tpu.memory_space<hbm>> -> memref<2x120xi32, #tpu.memory_space<hbm>>
      %dma_wait3A_203 = arith.constant 0 : i32
      %dma_wait3A_204 = tpu.memref_slice %arg3[%mul3A_20, %dma_wait3A_203] : memref<5312x120xi32, #tpu.memory_space<hbm>> -> memref<2x120xi32, #tpu.memory_space<hbm>>
      tpu.wait_dma2 semaphore(%run_scoped3A_196 : memref<!tpu.dma_semaphore, #tpu.memory_space<semaphore_mem>>) src(%dma_wait3A_204 : memref<2x120xi32, #tpu.memory_space<hbm>>) dst(%arg8 : memref<2x120xi32, #tpu.memory_space<vmem>>)
      tpu.yield
    }) : () -> ()
    %dma_start3A_21 = arith.constant 0 : i32
    %dma_start3A_22 = arith.constant 0 : i32
    %dma_start3A_23 = tpu.memref_slice %arg8[%dma_start3A_21, %dma_start3A_22] : memref<2x120xi32, #tpu.memory_space<vmem>> -> memref<1x120xi32, #tpu.memory_space<vmem>>
    %dma_start3A_24 = tpu.memref_squeeze %dma_start3A_23 : memref<1x120xi32, #tpu.memory_space<vmem>> -> memref<120xi32, #tpu.memory_space<vmem>>
    %dma_start3A_25 = arith.constant 0 : i32
    %dma_start3A_26 = arith.constant 0 : i32
    %dma_start3A_27 = tpu.memref_slice %arg2[%dma_start3A_25, %dma_start3A_26] : memref<10000x128xf32, #tpu.memory_space<hbm>> -> memref<10000x128xf32, #tpu.memory_space<hbm>>
    tpu.enqueue_indirect_dma source(%dma_start3A_27 : memref<10000x128xf32, #tpu.memory_space<hbm>>) target(%arg12 : memref<120x128xf32, #tpu.memory_space<vmem>>) offsets(%dma_start3A_24 : memref<120xi32, #tpu.memory_space<vmem>>) semaphore(%arg16 : memref<!tpu.dma_semaphore, #tpu.memory_space<semaphore_mem>>)
    %mul3A_28 = arith.constant 83 : i32
    %mul3A_29 = arith.muli %add3A, %mul3A_28 : i32
    %add3A_30 = arith.constant 2 : i32
    %add3A_31 = arith.addi %mul3A_29, %add3A_30 : i32
    %mul3A_32 = arith.constant 2 : i32
    %mul3A_33 = arith.muli %mul3A_32, %add3A_31 : i32
    "tpu.region"() ({
      %run_scoped3A_196 = tpu.sem_alloc : memref<!tpu.dma_semaphore, #tpu.memory_space<semaphore_mem>>
      %dma_start3A_197 = arith.constant 0 : i32
      %dma_start3A_198 = tpu.memref_slice %arg3[%mul3A_33, %dma_start3A_197] : memref<5312x120xi32, #tpu.memory_space<hbm>> -> memref<2x120xi32, #tpu.memory_space<hbm>>
      %dma_start3A_199 = arith.constant 0 : i32
      %dma_start3A_200 = tpu.memref_slice %arg3[%mul3A_33, %dma_start3A_199] : memref<5312x120xi32, #tpu.memory_space<hbm>> -> memref<2x120xi32, #tpu.memory_space<hbm>>
      tpu.enqueue_dma source(%dma_start3A_200 : memref<2x120xi32, #tpu.memory_space<hbm>>) target(%arg9 : memref<2x120xi32, #tpu.memory_space<vmem>>) target_semaphore(%run_scoped3A_196 : memref<!tpu.dma_semaphore, #tpu.memory_space<semaphore_mem>>)
      %dma_wait3A_201 = arith.constant 0 : i32
      %dma_wait3A_202 = tpu.memref_slice %arg3[%mul3A_33, %dma_wait3A_201] : memref<5312x120xi32, #tpu.memory_space<hbm>> -> memref<2x120xi32, #tpu.memory_space<hbm>>
      %dma_wait3A_203 = arith.constant 0 : i32
      %dma_wait3A_204 = tpu.memref_slice %arg3[%mul3A_33, %dma_wait3A_203] : memref<5312x120xi32, #tpu.memory_space<hbm>> -> memref<2x120xi32, #tpu.memory_space<hbm>>
      tpu.wait_dma2 semaphore(%run_scoped3A_196 : memref<!tpu.dma_semaphore, #tpu.memory_space<semaphore_mem>>) src(%dma_wait3A_204 : memref<2x120xi32, #tpu.memory_space<hbm>>) dst(%arg9 : memref<2x120xi32, #tpu.memory_space<vmem>>)
      tpu.yield
    }) : () -> ()
    %dma_start3A_34 = arith.constant 0 : i32
    %dma_start3A_35 = arith.constant 0 : i32
    %dma_start3A_36 = tpu.memref_slice %arg9[%dma_start3A_34, %dma_start3A_35] : memref<2x120xi32, #tpu.memory_space<vmem>> -> memref<1x120xi32, #tpu.memory_space<vmem>>
    %dma_start3A_37 = tpu.memref_squeeze %dma_start3A_36 : memref<1x120xi32, #tpu.memory_space<vmem>> -> memref<120xi32, #tpu.memory_space<vmem>>
    %dma_start3A_38 = arith.constant 0 : i32
    %dma_start3A_39 = arith.constant 0 : i32
    %dma_start3A_40 = tpu.memref_slice %arg2[%dma_start3A_38, %dma_start3A_39] : memref<10000x128xf32, #tpu.memory_space<hbm>> -> memref<10000x128xf32, #tpu.memory_space<hbm>>
    tpu.enqueue_indirect_dma source(%dma_start3A_40 : memref<10000x128xf32, #tpu.memory_space<hbm>>) target(%arg13 : memref<120x128xf32, #tpu.memory_space<vmem>>) offsets(%dma_start3A_37 : memref<120xi32, #tpu.memory_space<vmem>>) semaphore(%arg17 : memref<!tpu.dma_semaphore, #tpu.memory_space<semaphore_mem>>)
    %dma_wait3A = arith.constant 0 : i32
    %dma_wait3A_41 = arith.constant 0 : i32
    %dma_wait3A_42 = tpu.memref_slice %arg7[%dma_wait3A, %dma_wait3A_41] : memref<2x120xi32, #tpu.memory_space<vmem>> -> memref<1x120xi32, #tpu.memory_space<vmem>>
    %dma_wait3A_43 = tpu.memref_squeeze %dma_wait3A_42 : memref<1x120xi32, #tpu.memory_space<vmem>> -> memref<120xi32, #tpu.memory_space<vmem>>
    %dma_wait3A_44 = arith.constant 0 : i32
    %dma_wait3A_45 = arith.constant 0 : i32
    %dma_wait3A_46 = tpu.memref_slice %arg2[%dma_wait3A_44, %dma_wait3A_45] : memref<10000x128xf32, #tpu.memory_space<hbm>> -> memref<10000x128xf32, #tpu.memory_space<hbm>>
    tpu.wait_indirect_dma semaphore(%arg15 : memref<!tpu.dma_semaphore, #tpu.memory_space<semaphore_mem>>) src(%dma_wait3A_46 : memref<10000x128xf32, #tpu.memory_space<hbm>>) dst(%arg11 : memref<120x128xf32, #tpu.memory_space<vmem>>)
    %dma_start3A_47 = arith.constant 1 : i32
    %dma_start3A_48 = arith.constant 0 : i32
    %dma_start3A_49 = tpu.memref_slice %arg7[%dma_start3A_47, %dma_start3A_48] : memref<2x120xi32, #tpu.memory_space<vmem>> -> memref<1x120xi32, #tpu.memory_space<vmem>>
    %dma_start3A_50 = tpu.memref_squeeze %dma_start3A_49 : memref<1x120xi32, #tpu.memory_space<vmem>> -> memref<120xi32, #tpu.memory_space<vmem>>
    %dma_start3A_51 = arith.constant 0 : i32
    %dma_start3A_52 = arith.constant 0 : i32
    %dma_start3A_53 = tpu.memref_slice %arg14[%dma_start3A_51, %dma_start3A_52] : memref<10240x128xf32, #tpu.memory_space<vmem_shared>> -> memref<10240x128xf32, #tpu.memory_space<vmem_shared>>
    tpu.enqueue_indirect_dma source(%arg11 : memref<120x128xf32, #tpu.memory_space<vmem>>) target(%dma_start3A_53 : memref<10240x128xf32, #tpu.memory_space<vmem_shared>>) offsets(%dma_start3A_50 : memref<120xi32, #tpu.memory_space<vmem>>) semaphore(%arg18 : memref<!tpu.dma_semaphore, #tpu.memory_space<semaphore_mem>>) {add = true}
    %dma_wait3A_54 = arith.constant 0 : i32
    %dma_wait3A_55 = arith.constant 0 : i32
    %dma_wait3A_56 = tpu.memref_slice %arg8[%dma_wait3A_54, %dma_wait3A_55] : memref<2x120xi32, #tpu.memory_space<vmem>> -> memref<1x120xi32, #tpu.memory_space<vmem>>
    %dma_wait3A_57 = tpu.memref_squeeze %dma_wait3A_56 : memref<1x120xi32, #tpu.memory_space<vmem>> -> memref<120xi32, #tpu.memory_space<vmem>>
    %dma_wait3A_58 = arith.constant 0 : i32
    %dma_wait3A_59 = arith.constant 0 : i32
    %dma_wait3A_60 = tpu.memref_slice %arg2[%dma_wait3A_58, %dma_wait3A_59] : memref<10000x128xf32, #tpu.memory_space<hbm>> -> memref<10000x128xf32, #tpu.memory_space<hbm>>
    tpu.wait_indirect_dma semaphore(%arg16 : memref<!tpu.dma_semaphore, #tpu.memory_space<semaphore_mem>>) src(%dma_wait3A_60 : memref<10000x128xf32, #tpu.memory_space<hbm>>) dst(%arg12 : memref<120x128xf32, #tpu.memory_space<vmem>>)
    %dma_start3A_61 = arith.constant 1 : i32
    %dma_start3A_62 = arith.constant 0 : i32
    %dma_start3A_63 = tpu.memref_slice %arg8[%dma_start3A_61, %dma_start3A_62] : memref<2x120xi32, #tpu.memory_space<vmem>> -> memref<1x120xi32, #tpu.memory_space<vmem>>
    %dma_start3A_64 = tpu.memref_squeeze %dma_start3A_63 : memref<1x120xi32, #tpu.memory_space<vmem>> -> memref<120xi32, #tpu.memory_space<vmem>>
    %dma_start3A_65 = arith.constant 0 : i32
    %dma_start3A_66 = arith.constant 0 : i32
    %dma_start3A_67 = tpu.memref_slice %arg14[%dma_start3A_65, %dma_start3A_66] : memref<10240x128xf32, #tpu.memory_space<vmem_shared>> -> memref<10240x128xf32, #tpu.memory_space<vmem_shared>>
    tpu.enqueue_indirect_dma source(%arg12 : memref<120x128xf32, #tpu.memory_space<vmem>>) target(%dma_start3A_67 : memref<10240x128xf32, #tpu.memory_space<vmem_shared>>) offsets(%dma_start3A_64 : memref<120xi32, #tpu.memory_space<vmem>>) semaphore(%arg19 : memref<!tpu.dma_semaphore, #tpu.memory_space<semaphore_mem>>) {add = true}
    %scan3A = arith.constant 0 : i32
    %scan3A_68 = arith.constant 26 : i32
    %scan3A_69 = arith.addi %scan3A, %scan3A_68 : i32
    %scan3A_70 = arith.constant 1 : i32
    scf.for %scan3A_196 = %scan3A to %scan3A_69 step %scan3A_70  : i32 {
      %mul3A_197 = arith.constant 1 : i32
      %mul3A_198 = arith.muli %scan3A_196, %mul3A_197 : i32
      %add3A_199 = arith.constant 0 : i32
      %add3A_200 = arith.addi %add3A_199, %mul3A_198 : i32
      %mul3A_201 = arith.constant 3 : i32
      %mul3A_202 = arith.muli %mul3A_201, %add3A_200 : i32
      %add3A_203 = arith.constant 3 : i32
      %add3A_204 = arith.addi %mul3A_202, %add3A_203 : i32
      %dma_wait3A_205 = arith.constant 0 : i32
      %dma_wait3A_206 = arith.constant 0 : i32
      %dma_wait3A_207 = tpu.memref_slice %arg5[%dma_wait3A_205, %dma_wait3A_206] : memref<10240x128xf32, #tpu.memory_space<hbm>> -> memref<120x128xf32, #tpu.memory_space<hbm>>
      %dma_wait3A_208 = arith.constant 0 : i32
      %dma_wait3A_209 = arith.constant 0 : i32
      %dma_wait3A_210 = tpu.memref_slice %arg5[%dma_wait3A_208, %dma_wait3A_209] : memref<10240x128xf32, #tpu.memory_space<hbm>> -> memref<120x128xf32, #tpu.memory_space<hbm>>
      tpu.wait_dma2 semaphore(%arg18 : memref<!tpu.dma_semaphore, #tpu.memory_space<semaphore_mem>>) src(%dma_wait3A_210 : memref<120x128xf32, #tpu.memory_space<hbm>>) dst(%arg11 : memref<120x128xf32, #tpu.memory_space<vmem>>)
      %mul3A_211 = arith.constant 83 : i32
      %mul3A_212 = arith.muli %add3A, %mul3A_211 : i32
      %add3A_213 = arith.addi %mul3A_212, %add3A_204 : i32
      %mul3A_214 = arith.constant 2 : i32
      %mul3A_215 = arith.muli %mul3A_214, %add3A_213 : i32
      "tpu.region"() ({
        %run_scoped3A_305 = tpu.sem_alloc : memref<!tpu.dma_semaphore, #tpu.memory_space<semaphore_mem>>
        %dma_start3A_306 = arith.constant 0 : i32
        %dma_start3A_307 = tpu.memref_slice %arg3[%mul3A_215, %dma_start3A_306] : memref<5312x120xi32, #tpu.memory_space<hbm>> -> memref<2x120xi32, #tpu.memory_space<hbm>>
        %dma_start3A_308 = arith.constant 0 : i32
        %dma_start3A_309 = tpu.memref_slice %arg3[%mul3A_215, %dma_start3A_308] : memref<5312x120xi32, #tpu.memory_space<hbm>> -> memref<2x120xi32, #tpu.memory_space<hbm>>
        tpu.enqueue_dma source(%dma_start3A_309 : memref<2x120xi32, #tpu.memory_space<hbm>>) target(%arg7 : memref<2x120xi32, #tpu.memory_space<vmem>>) target_semaphore(%run_scoped3A_305 : memref<!tpu.dma_semaphore, #tpu.memory_space<semaphore_mem>>)
        %dma_wait3A_310 = arith.constant 0 : i32
        %dma_wait3A_311 = tpu.memref_slice %arg3[%mul3A_215, %dma_wait3A_310] : memref<5312x120xi32, #tpu.memory_space<hbm>> -> memref<2x120xi32, #tpu.memory_space<hbm>>
        %dma_wait3A_312 = arith.constant 0 : i32
        %dma_wait3A_313 = tpu.memref_slice %arg3[%mul3A_215, %dma_wait3A_312] : memref<5312x120xi32, #tpu.memory_space<hbm>> -> memref<2x120xi32, #tpu.memory_space<hbm>>
        tpu.wait_dma2 semaphore(%run_scoped3A_305 : memref<!tpu.dma_semaphore, #tpu.memory_space<semaphore_mem>>) src(%dma_wait3A_313 : memref<2x120xi32, #tpu.memory_space<hbm>>) dst(%arg7 : memref<2x120xi32, #tpu.memory_space<vmem>>)
        tpu.yield
      }) : () -> ()
      %dma_start3A_216 = arith.constant 0 : i32
      %dma_start3A_217 = arith.constant 0 : i32
      %dma_start3A_218 = tpu.memref_slice %arg7[%dma_start3A_216, %dma_start3A_217] : memref<2x120xi32, #tpu.memory_space<vmem>> -> memref<1x120xi32, #tpu.memory_space<vmem>>
      %dma_start3A_219 = tpu.memref_squeeze %dma_start3A_218 : memref<1x120xi32, #tpu.memory_space<vmem>> -> memref<120xi32, #tpu.memory_space<vmem>>
      %dma_start3A_220 = arith.constant 0 : i32
      %dma_start3A_221 = arith.constant 0 : i32
      %dma_start3A_222 = tpu.memref_slice %arg2[%dma_start3A_220, %dma_start3A_221] : memref<10000x128xf32, #tpu.memory_space<hbm>> -> memref<10000x128xf32, #tpu.memory_space<hbm>>
      tpu.enqueue_indirect_dma source(%dma_start3A_222 : memref<10000x128xf32, #tpu.memory_space<hbm>>) target(%arg11 : memref<120x128xf32, #tpu.memory_space<vmem>>) offsets(%dma_start3A_219 : memref<120xi32, #tpu.memory_space<vmem>>) semaphore(%arg15 : memref<!tpu.dma_semaphore, #tpu.memory_space<semaphore_mem>>)
      %dma_wait3A_223 = arith.constant 0 : i32
      %dma_wait3A_224 = arith.constant 0 : i32
      %dma_wait3A_225 = tpu.memref_slice %arg9[%dma_wait3A_223, %dma_wait3A_224] : memref<2x120xi32, #tpu.memory_space<vmem>> -> memref<1x120xi32, #tpu.memory_space<vmem>>
      %dma_wait3A_226 = tpu.memref_squeeze %dma_wait3A_225 : memref<1x120xi32, #tpu.memory_space<vmem>> -> memref<120xi32, #tpu.memory_space<vmem>>
      %dma_wait3A_227 = arith.constant 0 : i32
      %dma_wait3A_228 = arith.constant 0 : i32
      %dma_wait3A_229 = tpu.memref_slice %arg2[%dma_wait3A_227, %dma_wait3A_228] : memref<10000x128xf32, #tpu.memory_space<hbm>> -> memref<10000x128xf32, #tpu.memory_space<hbm>>
      tpu.wait_indirect_dma semaphore(%arg17 : memref<!tpu.dma_semaphore, #tpu.memory_space<semaphore_mem>>) src(%dma_wait3A_229 : memref<10000x128xf32, #tpu.memory_space<hbm>>) dst(%arg13 : memref<120x128xf32, #tpu.memory_space<vmem>>)
      %dma_start3A_230 = arith.constant 1 : i32
      %dma_start3A_231 = arith.constant 0 : i32
      %dma_start3A_232 = tpu.memref_slice %arg9[%dma_start3A_230, %dma_start3A_231] : memref<2x120xi32, #tpu.memory_space<vmem>> -> memref<1x120xi32, #tpu.memory_space<vmem>>
      %dma_start3A_233 = tpu.memref_squeeze %dma_start3A_232 : memref<1x120xi32, #tpu.memory_space<vmem>> -> memref<120xi32, #tpu.memory_space<vmem>>
      %dma_start3A_234 = arith.constant 0 : i32
      %dma_start3A_235 = arith.constant 0 : i32
      %dma_start3A_236 = tpu.memref_slice %arg14[%dma_start3A_234, %dma_start3A_235] : memref<10240x128xf32, #tpu.memory_space<vmem_shared>> -> memref<10240x128xf32, #tpu.memory_space<vmem_shared>>
      tpu.enqueue_indirect_dma source(%arg13 : memref<120x128xf32, #tpu.memory_space<vmem>>) target(%dma_start3A_236 : memref<10240x128xf32, #tpu.memory_space<vmem_shared>>) offsets(%dma_start3A_233 : memref<120xi32, #tpu.memory_space<vmem>>) semaphore(%arg20 : memref<!tpu.dma_semaphore, #tpu.memory_space<semaphore_mem>>) {add = true}
      %add3A_237 = arith.constant 1 : i32
      %add3A_238 = arith.addi %add3A_204, %add3A_237 : i32
      %dma_wait3A_239 = arith.constant 0 : i32
      %dma_wait3A_240 = arith.constant 0 : i32
      %dma_wait3A_241 = tpu.memref_slice %arg5[%dma_wait3A_239, %dma_wait3A_240] : memref<10240x128xf32, #tpu.memory_space<hbm>> -> memref<120x128xf32, #tpu.memory_space<hbm>>
      %dma_wait3A_242 = arith.constant 0 : i32
      %dma_wait3A_243 = arith.constant 0 : i32
      %dma_wait3A_244 = tpu.memref_slice %arg5[%dma_wait3A_242, %dma_wait3A_243] : memref<10240x128xf32, #tpu.memory_space<hbm>> -> memref<120x128xf32, #tpu.memory_space<hbm>>
      tpu.wait_dma2 semaphore(%arg19 : memref<!tpu.dma_semaphore, #tpu.memory_space<semaphore_mem>>) src(%dma_wait3A_244 : memref<120x128xf32, #tpu.memory_space<hbm>>) dst(%arg12 : memref<120x128xf32, #tpu.memory_space<vmem>>)
      %mul3A_245 = arith.constant 83 : i32
      %mul3A_246 = arith.muli %add3A, %mul3A_245 : i32
      %add3A_247 = arith.addi %mul3A_246, %add3A_238 : i32
      %mul3A_248 = arith.constant 2 : i32
      %mul3A_249 = arith.muli %mul3A_248, %add3A_247 : i32
      "tpu.region"() ({
        %run_scoped3A_305 = tpu.sem_alloc : memref<!tpu.dma_semaphore, #tpu.memory_space<semaphore_mem>>
        %dma_start3A_306 = arith.constant 0 : i32
        %dma_start3A_307 = tpu.memref_slice %arg3[%mul3A_249, %dma_start3A_306] : memref<5312x120xi32, #tpu.memory_space<hbm>> -> memref<2x120xi32, #tpu.memory_space<hbm>>
        %dma_start3A_308 = arith.constant 0 : i32
        %dma_start3A_309 = tpu.memref_slice %arg3[%mul3A_249, %dma_start3A_308] : memref<5312x120xi32, #tpu.memory_space<hbm>> -> memref<2x120xi32, #tpu.memory_space<hbm>>
        tpu.enqueue_dma source(%dma_start3A_309 : memref<2x120xi32, #tpu.memory_space<hbm>>) target(%arg8 : memref<2x120xi32, #tpu.memory_space<vmem>>) target_semaphore(%run_scoped3A_305 : memref<!tpu.dma_semaphore, #tpu.memory_space<semaphore_mem>>)
        %dma_wait3A_310 = arith.constant 0 : i32
        %dma_wait3A_311 = tpu.memref_slice %arg3[%mul3A_249, %dma_wait3A_310] : memref<5312x120xi32, #tpu.memory_space<hbm>> -> memref<2x120xi32, #tpu.memory_space<hbm>>
        %dma_wait3A_312 = arith.constant 0 : i32
        %dma_wait3A_313 = tpu.memref_slice %arg3[%mul3A_249, %dma_wait3A_312] : memref<5312x120xi32, #tpu.memory_space<hbm>> -> memref<2x120xi32, #tpu.memory_space<hbm>>
        tpu.wait_dma2 semaphore(%run_scoped3A_305 : memref<!tpu.dma_semaphore, #tpu.memory_space<semaphore_mem>>) src(%dma_wait3A_313 : memref<2x120xi32, #tpu.memory_space<hbm>>) dst(%arg8 : memref<2x120xi32, #tpu.memory_space<vmem>>)
        tpu.yield
      }) : () -> ()
      %dma_start3A_250 = arith.constant 0 : i32
      %dma_start3A_251 = arith.constant 0 : i32
      %dma_start3A_252 = tpu.memref_slice %arg8[%dma_start3A_250, %dma_start3A_251] : memref<2x120xi32, #tpu.memory_space<vmem>> -> memref<1x120xi32, #tpu.memory_space<vmem>>
      %dma_start3A_253 = tpu.memref_squeeze %dma_start3A_252 : memref<1x120xi32, #tpu.memory_space<vmem>> -> memref<120xi32, #tpu.memory_space<vmem>>
      %dma_start3A_254 = arith.constant 0 : i32
      %dma_start3A_255 = arith.constant 0 : i32
      %dma_start3A_256 = tpu.memref_slice %arg2[%dma_start3A_254, %dma_start3A_255] : memref<10000x128xf32, #tpu.memory_space<hbm>> -> memref<10000x128xf32, #tpu.memory_space<hbm>>
      tpu.enqueue_indirect_dma source(%dma_start3A_256 : memref<10000x128xf32, #tpu.memory_space<hbm>>) target(%arg12 : memref<120x128xf32, #tpu.memory_space<vmem>>) offsets(%dma_start3A_253 : memref<120xi32, #tpu.memory_space<vmem>>) semaphore(%arg16 : memref<!tpu.dma_semaphore, #tpu.memory_space<semaphore_mem>>)
      %dma_wait3A_257 = arith.constant 0 : i32
      %dma_wait3A_258 = arith.constant 0 : i32
      %dma_wait3A_259 = tpu.memref_slice %arg7[%dma_wait3A_257, %dma_wait3A_258] : memref<2x120xi32, #tpu.memory_space<vmem>> -> memref<1x120xi32, #tpu.memory_space<vmem>>
      %dma_wait3A_260 = tpu.memref_squeeze %dma_wait3A_259 : memref<1x120xi32, #tpu.memory_space<vmem>> -> memref<120xi32, #tpu.memory_space<vmem>>
      %dma_wait3A_261 = arith.constant 0 : i32
      %dma_wait3A_262 = arith.constant 0 : i32
      %dma_wait3A_263 = tpu.memref_slice %arg2[%dma_wait3A_261, %dma_wait3A_262] : memref<10000x128xf32, #tpu.memory_space<hbm>> -> memref<10000x128xf32, #tpu.memory_space<hbm>>
      tpu.wait_indirect_dma semaphore(%arg15 : memref<!tpu.dma_semaphore, #tpu.memory_space<semaphore_mem>>) src(%dma_wait3A_263 : memref<10000x128xf32, #tpu.memory_space<hbm>>) dst(%arg11 : memref<120x128xf32, #tpu.memory_space<vmem>>)
      %dma_start3A_264 = arith.constant 1 : i32
      %dma_start3A_265 = arith.constant 0 : i32
      %dma_start3A_266 = tpu.memref_slice %arg7[%dma_start3A_264, %dma_start3A_265] : memref<2x120xi32, #tpu.memory_space<vmem>> -> memref<1x120xi32, #tpu.memory_space<vmem>>
      %dma_start3A_267 = tpu.memref_squeeze %dma_start3A_266 : memref<1x120xi32, #tpu.memory_space<vmem>> -> memref<120xi32, #tpu.memory_space<vmem>>
      %dma_start3A_268 = arith.constant 0 : i32
      %dma_start3A_269 = arith.constant 0 : i32
      %dma_start3A_270 = tpu.memref_slice %arg14[%dma_start3A_268, %dma_start3A_269] : memref<10240x128xf32, #tpu.memory_space<vmem_shared>> -> memref<10240x128xf32, #tpu.memory_space<vmem_shared>>
      tpu.enqueue_indirect_dma source(%arg11 : memref<120x128xf32, #tpu.memory_space<vmem>>) target(%dma_start3A_270 : memref<10240x128xf32, #tpu.memory_space<vmem_shared>>) offsets(%dma_start3A_267 : memref<120xi32, #tpu.memory_space<vmem>>) semaphore(%arg18 : memref<!tpu.dma_semaphore, #tpu.memory_space<semaphore_mem>>) {add = true}
      %add3A_271 = arith.constant 2 : i32
      %add3A_272 = arith.addi %add3A_204, %add3A_271 : i32
      %dma_wait3A_273 = arith.constant 0 : i32
      %dma_wait3A_274 = arith.constant 0 : i32
      %dma_wait3A_275 = tpu.memref_slice %arg5[%dma_wait3A_273, %dma_wait3A_274] : memref<10240x128xf32, #tpu.memory_space<hbm>> -> memref<120x128xf32, #tpu.memory_space<hbm>>
      %dma_wait3A_276 = arith.constant 0 : i32
      %dma_wait3A_277 = arith.constant 0 : i32
      %dma_wait3A_278 = tpu.memref_slice %arg5[%dma_wait3A_276, %dma_wait3A_277] : memref<10240x128xf32, #tpu.memory_space<hbm>> -> memref<120x128xf32, #tpu.memory_space<hbm>>
      tpu.wait_dma2 semaphore(%arg20 : memref<!tpu.dma_semaphore, #tpu.memory_space<semaphore_mem>>) src(%dma_wait3A_278 : memref<120x128xf32, #tpu.memory_space<hbm>>) dst(%arg13 : memref<120x128xf32, #tpu.memory_space<vmem>>)
      %mul3A_279 = arith.constant 83 : i32
      %mul3A_280 = arith.muli %add3A, %mul3A_279 : i32
      %add3A_281 = arith.addi %mul3A_280, %add3A_272 : i32
      %mul3A_282 = arith.constant 2 : i32
      %mul3A_283 = arith.muli %mul3A_282, %add3A_281 : i32
      "tpu.region"() ({
        %run_scoped3A_305 = tpu.sem_alloc : memref<!tpu.dma_semaphore, #tpu.memory_space<semaphore_mem>>
        %dma_start3A_306 = arith.constant 0 : i32
        %dma_start3A_307 = tpu.memref_slice %arg3[%mul3A_283, %dma_start3A_306] : memref<5312x120xi32, #tpu.memory_space<hbm>> -> memref<2x120xi32, #tpu.memory_space<hbm>>
        %dma_start3A_308 = arith.constant 0 : i32
        %dma_start3A_309 = tpu.memref_slice %arg3[%mul3A_283, %dma_start3A_308] : memref<5312x120xi32, #tpu.memory_space<hbm>> -> memref<2x120xi32, #tpu.memory_space<hbm>>
        tpu.enqueue_dma source(%dma_start3A_309 : memref<2x120xi32, #tpu.memory_space<hbm>>) target(%arg9 : memref<2x120xi32, #tpu.memory_space<vmem>>) target_semaphore(%run_scoped3A_305 : memref<!tpu.dma_semaphore, #tpu.memory_space<semaphore_mem>>)
        %dma_wait3A_310 = arith.constant 0 : i32
        %dma_wait3A_311 = tpu.memref_slice %arg3[%mul3A_283, %dma_wait3A_310] : memref<5312x120xi32, #tpu.memory_space<hbm>> -> memref<2x120xi32, #tpu.memory_space<hbm>>
        %dma_wait3A_312 = arith.constant 0 : i32
        %dma_wait3A_313 = tpu.memref_slice %arg3[%mul3A_283, %dma_wait3A_312] : memref<5312x120xi32, #tpu.memory_space<hbm>> -> memref<2x120xi32, #tpu.memory_space<hbm>>
        tpu.wait_dma2 semaphore(%run_scoped3A_305 : memref<!tpu.dma_semaphore, #tpu.memory_space<semaphore_mem>>) src(%dma_wait3A_313 : memref<2x120xi32, #tpu.memory_space<hbm>>) dst(%arg9 : memref<2x120xi32, #tpu.memory_space<vmem>>)
        tpu.yield
      }) : () -> ()
      %dma_start3A_284 = arith.constant 0 : i32
      %dma_start3A_285 = arith.constant 0 : i32
      %dma_start3A_286 = tpu.memref_slice %arg9[%dma_start3A_284, %dma_start3A_285] : memref<2x120xi32, #tpu.memory_space<vmem>> -> memref<1x120xi32, #tpu.memory_space<vmem>>
      %dma_start3A_287 = tpu.memref_squeeze %dma_start3A_286 : memref<1x120xi32, #tpu.memory_space<vmem>> -> memref<120xi32, #tpu.memory_space<vmem>>
      %dma_start3A_288 = arith.constant 0 : i32
      %dma_start3A_289 = arith.constant 0 : i32
      %dma_start3A_290 = tpu.memref_slice %arg2[%dma_start3A_288, %dma_start3A_289] : memref<10000x128xf32, #tpu.memory_space<hbm>> -> memref<10000x128xf32, #tpu.memory_space<hbm>>
      tpu.enqueue_indirect_dma source(%dma_start3A_290 : memref<10000x128xf32, #tpu.memory_space<hbm>>) target(%arg13 : memref<120x128xf32, #tpu.memory_space<vmem>>) offsets(%dma_start3A_287 : memref<120xi32, #tpu.memory_space<vmem>>) semaphore(%arg17 : memref<!tpu.dma_semaphore, #tpu.memory_space<semaphore_mem>>)
      %dma_wait3A_291 = arith.constant 0 : i32
      %dma_wait3A_292 = arith.constant 0 : i32
      %dma_wait3A_293 = tpu.memref_slice %arg8[%dma_wait3A_291, %dma_wait3A_292] : memref<2x120xi32, #tpu.memory_space<vmem>> -> memref<1x120xi32, #tpu.memory_space<vmem>>
      %dma_wait3A_294 = tpu.memref_squeeze %dma_wait3A_293 : memref<1x120xi32, #tpu.memory_space<vmem>> -> memref<120xi32, #tpu.memory_space<vmem>>
      %dma_wait3A_295 = arith.constant 0 : i32
      %dma_wait3A_296 = arith.constant 0 : i32
      %dma_wait3A_297 = tpu.memref_slice %arg2[%dma_wait3A_295, %dma_wait3A_296] : memref<10000x128xf32, #tpu.memory_space<hbm>> -> memref<10000x128xf32, #tpu.memory_space<hbm>>
      tpu.wait_indirect_dma semaphore(%arg16 : memref<!tpu.dma_semaphore, #tpu.memory_space<semaphore_mem>>) src(%dma_wait3A_297 : memref<10000x128xf32, #tpu.memory_space<hbm>>) dst(%arg12 : memref<120x128xf32, #tpu.memory_space<vmem>>)
      %dma_start3A_298 = arith.constant 1 : i32
      %dma_start3A_299 = arith.constant 0 : i32
      %dma_start3A_300 = tpu.memref_slice %arg8[%dma_start3A_298, %dma_start3A_299] : memref<2x120xi32, #tpu.memory_space<vmem>> -> memref<1x120xi32, #tpu.memory_space<vmem>>
      %dma_start3A_301 = tpu.memref_squeeze %dma_start3A_300 : memref<1x120xi32, #tpu.memory_space<vmem>> -> memref<120xi32, #tpu.memory_space<vmem>>
      %dma_start3A_302 = arith.constant 0 : i32
      %dma_start3A_303 = arith.constant 0 : i32
      %dma_start3A_304 = tpu.memref_slice %arg14[%dma_start3A_302, %dma_start3A_303] : memref<10240x128xf32, #tpu.memory_space<vmem_shared>> -> memref<10240x128xf32, #tpu.memory_space<vmem_shared>>
      tpu.enqueue_indirect_dma source(%arg12 : memref<120x128xf32, #tpu.memory_space<vmem>>) target(%dma_start3A_304 : memref<10240x128xf32, #tpu.memory_space<vmem_shared>>) offsets(%dma_start3A_301 : memref<120xi32, #tpu.memory_space<vmem>>) semaphore(%arg19 : memref<!tpu.dma_semaphore, #tpu.memory_space<semaphore_mem>>) {add = true}
    }
    %scan3A_71 = arith.constant 26 : i32
    %dma_wait3A_72 = arith.constant 0 : i32
    %dma_wait3A_73 = arith.constant 0 : i32
    %dma_wait3A_74 = tpu.memref_slice %arg5[%dma_wait3A_72, %dma_wait3A_73] : memref<10240x128xf32, #tpu.memory_space<hbm>> -> memref<120x128xf32, #tpu.memory_space<hbm>>
    %dma_wait3A_75 = arith.constant 0 : i32
    %dma_wait3A_76 = arith.constant 0 : i32
    %dma_wait3A_77 = tpu.memref_slice %arg5[%dma_wait3A_75, %dma_wait3A_76] : memref<10240x128xf32, #tpu.memory_space<hbm>> -> memref<120x128xf32, #tpu.memory_space<hbm>>
    tpu.wait_dma2 semaphore(%arg18 : memref<!tpu.dma_semaphore, #tpu.memory_space<semaphore_mem>>) src(%dma_wait3A_77 : memref<120x128xf32, #tpu.memory_space<hbm>>) dst(%arg11 : memref<120x128xf32, #tpu.memory_space<vmem>>)
    %mul3A_78 = arith.constant 83 : i32
    %mul3A_79 = arith.muli %add3A, %mul3A_78 : i32
    %add3A_80 = arith.constant 81 : i32
    %add3A_81 = arith.addi %mul3A_79, %add3A_80 : i32
    %mul3A_82 = arith.constant 2 : i32
    %mul3A_83 = arith.muli %mul3A_82, %add3A_81 : i32
    "tpu.region"() ({
      %run_scoped3A_196 = tpu.sem_alloc : memref<!tpu.dma_semaphore, #tpu.memory_space<semaphore_mem>>
      %dma_start3A_197 = arith.constant 0 : i32
      %dma_start3A_198 = tpu.memref_slice %arg3[%mul3A_83, %dma_start3A_197] : memref<5312x120xi32, #tpu.memory_space<hbm>> -> memref<2x120xi32, #tpu.memory_space<hbm>>
      %dma_start3A_199 = arith.constant 0 : i32
      %dma_start3A_200 = tpu.memref_slice %arg3[%mul3A_83, %dma_start3A_199] : memref<5312x120xi32, #tpu.memory_space<hbm>> -> memref<2x120xi32, #tpu.memory_space<hbm>>
      tpu.enqueue_dma source(%dma_start3A_200 : memref<2x120xi32, #tpu.memory_space<hbm>>) target(%arg7 : memref<2x120xi32, #tpu.memory_space<vmem>>) target_semaphore(%run_scoped3A_196 : memref<!tpu.dma_semaphore, #tpu.memory_space<semaphore_mem>>)
      %dma_wait3A_201 = arith.constant 0 : i32
      %dma_wait3A_202 = tpu.memref_slice %arg3[%mul3A_83, %dma_wait3A_201] : memref<5312x120xi32, #tpu.memory_space<hbm>> -> memref<2x120xi32, #tpu.memory_space<hbm>>
      %dma_wait3A_203 = arith.constant 0 : i32
      %dma_wait3A_204 = tpu.memref_slice %arg3[%mul3A_83, %dma_wait3A_203] : memref<5312x120xi32, #tpu.memory_space<hbm>> -> memref<2x120xi32, #tpu.memory_space<hbm>>
      tpu.wait_dma2 semaphore(%run_scoped3A_196 : memref<!tpu.dma_semaphore, #tpu.memory_space<semaphore_mem>>) src(%dma_wait3A_204 : memref<2x120xi32, #tpu.memory_space<hbm>>) dst(%arg7 : memref<2x120xi32, #tpu.memory_space<vmem>>)
      tpu.yield
    }) : () -> ()
    %dma_start3A_84 = arith.constant 0 : i32
    %dma_start3A_85 = arith.constant 0 : i32
    %dma_start3A_86 = tpu.memref_slice %arg7[%dma_start3A_84, %dma_start3A_85] : memref<2x120xi32, #tpu.memory_space<vmem>> -> memref<1x120xi32, #tpu.memory_space<vmem>>
    %dma_start3A_87 = tpu.memref_squeeze %dma_start3A_86 : memref<1x120xi32, #tpu.memory_space<vmem>> -> memref<120xi32, #tpu.memory_space<vmem>>
    %dma_start3A_88 = arith.constant 0 : i32
    %dma_start3A_89 = arith.constant 0 : i32
    %dma_start3A_90 = tpu.memref_slice %arg2[%dma_start3A_88, %dma_start3A_89] : memref<10000x128xf32, #tpu.memory_space<hbm>> -> memref<10000x128xf32, #tpu.memory_space<hbm>>
    tpu.enqueue_indirect_dma source(%dma_start3A_90 : memref<10000x128xf32, #tpu.memory_space<hbm>>) target(%arg11 : memref<120x128xf32, #tpu.memory_space<vmem>>) offsets(%dma_start3A_87 : memref<120xi32, #tpu.memory_space<vmem>>) semaphore(%arg15 : memref<!tpu.dma_semaphore, #tpu.memory_space<semaphore_mem>>)
    %dma_wait3A_91 = arith.constant 0 : i32
    %dma_wait3A_92 = arith.constant 0 : i32
    %dma_wait3A_93 = tpu.memref_slice %arg9[%dma_wait3A_91, %dma_wait3A_92] : memref<2x120xi32, #tpu.memory_space<vmem>> -> memref<1x120xi32, #tpu.memory_space<vmem>>
    %dma_wait3A_94 = tpu.memref_squeeze %dma_wait3A_93 : memref<1x120xi32, #tpu.memory_space<vmem>> -> memref<120xi32, #tpu.memory_space<vmem>>
    %dma_wait3A_95 = arith.constant 0 : i32
    %dma_wait3A_96 = arith.constant 0 : i32
    %dma_wait3A_97 = tpu.memref_slice %arg2[%dma_wait3A_95, %dma_wait3A_96] : memref<10000x128xf32, #tpu.memory_space<hbm>> -> memref<10000x128xf32, #tpu.memory_space<hbm>>
    tpu.wait_indirect_dma semaphore(%arg17 : memref<!tpu.dma_semaphore, #tpu.memory_space<semaphore_mem>>) src(%dma_wait3A_97 : memref<10000x128xf32, #tpu.memory_space<hbm>>) dst(%arg13 : memref<120x128xf32, #tpu.memory_space<vmem>>)
    %dma_start3A_98 = arith.constant 1 : i32
    %dma_start3A_99 = arith.constant 0 : i32
    %dma_start3A_100 = tpu.memref_slice %arg9[%dma_start3A_98, %dma_start3A_99] : memref<2x120xi32, #tpu.memory_space<vmem>> -> memref<1x120xi32, #tpu.memory_space<vmem>>
    %dma_start3A_101 = tpu.memref_squeeze %dma_start3A_100 : memref<1x120xi32, #tpu.memory_space<vmem>> -> memref<120xi32, #tpu.memory_space<vmem>>
    %dma_start3A_102 = arith.constant 0 : i32
    %dma_start3A_103 = arith.constant 0 : i32
    %dma_start3A_104 = tpu.memref_slice %arg14[%dma_start3A_102, %dma_start3A_103] : memref<10240x128xf32, #tpu.memory_space<vmem_shared>> -> memref<10240x128xf32, #tpu.memory_space<vmem_shared>>
    tpu.enqueue_indirect_dma source(%arg13 : memref<120x128xf32, #tpu.memory_space<vmem>>) target(%dma_start3A_104 : memref<10240x128xf32, #tpu.memory_space<vmem_shared>>) offsets(%dma_start3A_101 : memref<120xi32, #tpu.memory_space<vmem>>) semaphore(%arg20 : memref<!tpu.dma_semaphore, #tpu.memory_space<semaphore_mem>>) {add = true}
    %dma_wait3A_105 = arith.constant 0 : i32
    %dma_wait3A_106 = arith.constant 0 : i32
    %dma_wait3A_107 = tpu.memref_slice %arg5[%dma_wait3A_105, %dma_wait3A_106] : memref<10240x128xf32, #tpu.memory_space<hbm>> -> memref<120x128xf32, #tpu.memory_space<hbm>>
    %dma_wait3A_108 = arith.constant 0 : i32
    %dma_wait3A_109 = arith.constant 0 : i32
    %dma_wait3A_110 = tpu.memref_slice %arg5[%dma_wait3A_108, %dma_wait3A_109] : memref<10240x128xf32, #tpu.memory_space<hbm>> -> memref<120x128xf32, #tpu.memory_space<hbm>>
    tpu.wait_dma2 semaphore(%arg19 : memref<!tpu.dma_semaphore, #tpu.memory_space<semaphore_mem>>) src(%dma_wait3A_110 : memref<120x128xf32, #tpu.memory_space<hbm>>) dst(%arg12 : memref<120x128xf32, #tpu.memory_space<vmem>>)
    %mul3A_111 = arith.constant 83 : i32
    %mul3A_112 = arith.muli %add3A, %mul3A_111 : i32
    %add3A_113 = arith.constant 82 : i32
    %add3A_114 = arith.addi %mul3A_112, %add3A_113 : i32
    %mul3A_115 = arith.constant 2 : i32
    %mul3A_116 = arith.muli %mul3A_115, %add3A_114 : i32
    "tpu.region"() ({
      %run_scoped3A_196 = tpu.sem_alloc : memref<!tpu.dma_semaphore, #tpu.memory_space<semaphore_mem>>
      %dma_start3A_197 = arith.constant 0 : i32
      %dma_start3A_198 = tpu.memref_slice %arg3[%mul3A_116, %dma_start3A_197] : memref<5312x120xi32, #tpu.memory_space<hbm>> -> memref<2x120xi32, #tpu.memory_space<hbm>>
      %dma_start3A_199 = arith.constant 0 : i32
      %dma_start3A_200 = tpu.memref_slice %arg3[%mul3A_116, %dma_start3A_199] : memref<5312x120xi32, #tpu.memory_space<hbm>> -> memref<2x120xi32, #tpu.memory_space<hbm>>
      tpu.enqueue_dma source(%dma_start3A_200 : memref<2x120xi32, #tpu.memory_space<hbm>>) target(%arg8 : memref<2x120xi32, #tpu.memory_space<vmem>>) target_semaphore(%run_scoped3A_196 : memref<!tpu.dma_semaphore, #tpu.memory_space<semaphore_mem>>)
      %dma_wait3A_201 = arith.constant 0 : i32
      %dma_wait3A_202 = tpu.memref_slice %arg3[%mul3A_116, %dma_wait3A_201] : memref<5312x120xi32, #tpu.memory_space<hbm>> -> memref<2x120xi32, #tpu.memory_space<hbm>>
      %dma_wait3A_203 = arith.constant 0 : i32
      %dma_wait3A_204 = tpu.memref_slice %arg3[%mul3A_116, %dma_wait3A_203] : memref<5312x120xi32, #tpu.memory_space<hbm>> -> memref<2x120xi32, #tpu.memory_space<hbm>>
      tpu.wait_dma2 semaphore(%run_scoped3A_196 : memref<!tpu.dma_semaphore, #tpu.memory_space<semaphore_mem>>) src(%dma_wait3A_204 : memref<2x120xi32, #tpu.memory_space<hbm>>) dst(%arg8 : memref<2x120xi32, #tpu.memory_space<vmem>>)
      tpu.yield
    }) : () -> ()
    %dma_start3A_117 = arith.constant 0 : i32
    %dma_start3A_118 = arith.constant 0 : i32
    %dma_start3A_119 = tpu.memref_slice %arg8[%dma_start3A_117, %dma_start3A_118] : memref<2x120xi32, #tpu.memory_space<vmem>> -> memref<1x120xi32, #tpu.memory_space<vmem>>
    %dma_start3A_120 = tpu.memref_squeeze %dma_start3A_119 : memref<1x120xi32, #tpu.memory_space<vmem>> -> memref<120xi32, #tpu.memory_space<vmem>>
    %dma_start3A_121 = arith.constant 0 : i32
    %dma_start3A_122 = arith.constant 0 : i32
    %dma_start3A_123 = tpu.memref_slice %arg2[%dma_start3A_121, %dma_start3A_122] : memref<10000x128xf32, #tpu.memory_space<hbm>> -> memref<10000x128xf32, #tpu.memory_space<hbm>>
    tpu.enqueue_indirect_dma source(%dma_start3A_123 : memref<10000x128xf32, #tpu.memory_space<hbm>>) target(%arg12 : memref<120x128xf32, #tpu.memory_space<vmem>>) offsets(%dma_start3A_120 : memref<120xi32, #tpu.memory_space<vmem>>) semaphore(%arg16 : memref<!tpu.dma_semaphore, #tpu.memory_space<semaphore_mem>>)
    %dma_wait3A_124 = arith.constant 0 : i32
    %dma_wait3A_125 = arith.constant 0 : i32
    %dma_wait3A_126 = tpu.memref_slice %arg7[%dma_wait3A_124, %dma_wait3A_125] : memref<2x120xi32, #tpu.memory_space<vmem>> -> memref<1x120xi32, #tpu.memory_space<vmem>>
    %dma_wait3A_127 = tpu.memref_squeeze %dma_wait3A_126 : memref<1x120xi32, #tpu.memory_space<vmem>> -> memref<120xi32, #tpu.memory_space<vmem>>
    %dma_wait3A_128 = arith.constant 0 : i32
    %dma_wait3A_129 = arith.constant 0 : i32
    %dma_wait3A_130 = tpu.memref_slice %arg2[%dma_wait3A_128, %dma_wait3A_129] : memref<10000x128xf32, #tpu.memory_space<hbm>> -> memref<10000x128xf32, #tpu.memory_space<hbm>>
    tpu.wait_indirect_dma semaphore(%arg15 : memref<!tpu.dma_semaphore, #tpu.memory_space<semaphore_mem>>) src(%dma_wait3A_130 : memref<10000x128xf32, #tpu.memory_space<hbm>>) dst(%arg11 : memref<120x128xf32, #tpu.memory_space<vmem>>)
    %dma_start3A_131 = arith.constant 1 : i32
    %dma_start3A_132 = arith.constant 0 : i32
    %dma_start3A_133 = tpu.memref_slice %arg7[%dma_start3A_131, %dma_start3A_132] : memref<2x120xi32, #tpu.memory_space<vmem>> -> memref<1x120xi32, #tpu.memory_space<vmem>>
    %dma_start3A_134 = tpu.memref_squeeze %dma_start3A_133 : memref<1x120xi32, #tpu.memory_space<vmem>> -> memref<120xi32, #tpu.memory_space<vmem>>
    %dma_start3A_135 = arith.constant 0 : i32
    %dma_start3A_136 = arith.constant 0 : i32
    %dma_start3A_137 = tpu.memref_slice %arg14[%dma_start3A_135, %dma_start3A_136] : memref<10240x128xf32, #tpu.memory_space<vmem_shared>> -> memref<10240x128xf32, #tpu.memory_space<vmem_shared>>
    tpu.enqueue_indirect_dma source(%arg11 : memref<120x128xf32, #tpu.memory_space<vmem>>) target(%dma_start3A_137 : memref<10240x128xf32, #tpu.memory_space<vmem_shared>>) offsets(%dma_start3A_134 : memref<120xi32, #tpu.memory_space<vmem>>) semaphore(%arg18 : memref<!tpu.dma_semaphore, #tpu.memory_space<semaphore_mem>>) {add = true}
    %dma_wait3A_138 = arith.constant 0 : i32
    %dma_wait3A_139 = arith.constant 0 : i32
    %dma_wait3A_140 = tpu.memref_slice %arg8[%dma_wait3A_138, %dma_wait3A_139] : memref<2x120xi32, #tpu.memory_space<vmem>> -> memref<1x120xi32, #tpu.memory_space<vmem>>
    %dma_wait3A_141 = tpu.memref_squeeze %dma_wait3A_140 : memref<1x120xi32, #tpu.memory_space<vmem>> -> memref<120xi32, #tpu.memory_space<vmem>>
    %dma_wait3A_142 = arith.constant 0 : i32
    %dma_wait3A_143 = arith.constant 0 : i32
    %dma_wait3A_144 = tpu.memref_slice %arg2[%dma_wait3A_142, %dma_wait3A_143] : memref<10000x128xf32, #tpu.memory_space<hbm>> -> memref<10000x128xf32, #tpu.memory_space<hbm>>
    tpu.wait_indirect_dma semaphore(%arg16 : memref<!tpu.dma_semaphore, #tpu.memory_space<semaphore_mem>>) src(%dma_wait3A_144 : memref<10000x128xf32, #tpu.memory_space<hbm>>) dst(%arg12 : memref<120x128xf32, #tpu.memory_space<vmem>>)
    %dma_start3A_145 = arith.constant 1 : i32
    %dma_start3A_146 = arith.constant 0 : i32
    %dma_start3A_147 = tpu.memref_slice %arg8[%dma_start3A_145, %dma_start3A_146] : memref<2x120xi32, #tpu.memory_space<vmem>> -> memref<1x120xi32, #tpu.memory_space<vmem>>
    %dma_start3A_148 = tpu.memref_squeeze %dma_start3A_147 : memref<1x120xi32, #tpu.memory_space<vmem>> -> memref<120xi32, #tpu.memory_space<vmem>>
    %dma_start3A_149 = arith.constant 0 : i32
    %dma_start3A_150 = arith.constant 0 : i32
    %dma_start3A_151 = tpu.memref_slice %arg14[%dma_start3A_149, %dma_start3A_150] : memref<10240x128xf32, #tpu.memory_space<vmem_shared>> -> memref<10240x128xf32, #tpu.memory_space<vmem_shared>>
    tpu.enqueue_indirect_dma source(%arg12 : memref<120x128xf32, #tpu.memory_space<vmem>>) target(%dma_start3A_151 : memref<10240x128xf32, #tpu.memory_space<vmem_shared>>) offsets(%dma_start3A_148 : memref<120xi32, #tpu.memory_space<vmem>>) semaphore(%arg19 : memref<!tpu.dma_semaphore, #tpu.memory_space<semaphore_mem>>) {add = true}
    %dma_wait3A_152 = arith.constant 0 : i32
    %dma_wait3A_153 = arith.constant 0 : i32
    %dma_wait3A_154 = tpu.memref_slice %arg5[%dma_wait3A_152, %dma_wait3A_153] : memref<10240x128xf32, #tpu.memory_space<hbm>> -> memref<120x128xf32, #tpu.memory_space<hbm>>
    %dma_wait3A_155 = arith.constant 0 : i32
    %dma_wait3A_156 = arith.constant 0 : i32
    %dma_wait3A_157 = tpu.memref_slice %arg5[%dma_wait3A_155, %dma_wait3A_156] : memref<10240x128xf32, #tpu.memory_space<hbm>> -> memref<120x128xf32, #tpu.memory_space<hbm>>
    tpu.wait_dma2 semaphore(%arg20 : memref<!tpu.dma_semaphore, #tpu.memory_space<semaphore_mem>>) src(%dma_wait3A_157 : memref<120x128xf32, #tpu.memory_space<hbm>>) dst(%arg13 : memref<120x128xf32, #tpu.memory_space<vmem>>)
    %dma_wait3A_158 = arith.constant 0 : i32
    %dma_wait3A_159 = arith.constant 0 : i32
    %dma_wait3A_160 = tpu.memref_slice %arg5[%dma_wait3A_158, %dma_wait3A_159] : memref<10240x128xf32, #tpu.memory_space<hbm>> -> memref<120x128xf32, #tpu.memory_space<hbm>>
    %dma_wait3A_161 = arith.constant 0 : i32
    %dma_wait3A_162 = arith.constant 0 : i32
    %dma_wait3A_163 = tpu.memref_slice %arg5[%dma_wait3A_161, %dma_wait3A_162] : memref<10240x128xf32, #tpu.memory_space<hbm>> -> memref<120x128xf32, #tpu.memory_space<hbm>>
    tpu.wait_dma2 semaphore(%arg18 : memref<!tpu.dma_semaphore, #tpu.memory_space<semaphore_mem>>) src(%dma_wait3A_163 : memref<120x128xf32, #tpu.memory_space<hbm>>) dst(%arg11 : memref<120x128xf32, #tpu.memory_space<vmem>>)
    %dma_wait3A_164 = arith.constant 0 : i32
    %dma_wait3A_165 = arith.constant 0 : i32
    %dma_wait3A_166 = tpu.memref_slice %arg5[%dma_wait3A_164, %dma_wait3A_165] : memref<10240x128xf32, #tpu.memory_space<hbm>> -> memref<120x128xf32, #tpu.memory_space<hbm>>
    %dma_wait3A_167 = arith.constant 0 : i32
    %dma_wait3A_168 = arith.constant 0 : i32
    %dma_wait3A_169 = tpu.memref_slice %arg5[%dma_wait3A_167, %dma_wait3A_168] : memref<10240x128xf32, #tpu.memory_space<hbm>> -> memref<120x128xf32, #tpu.memory_space<hbm>>
    tpu.wait_dma2 semaphore(%arg19 : memref<!tpu.dma_semaphore, #tpu.memory_space<semaphore_mem>>) src(%dma_wait3A_169 : memref<120x128xf32, #tpu.memory_space<hbm>>) dst(%arg12 : memref<120x128xf32, #tpu.memory_space<vmem>>)
    %mul3A_170 = arith.constant 2 : i32
    %mul3A_171 = arith.muli %mul3A_170, %add3A : i32
    "tpu.region"() ({
      %run_scoped3A_196 = tpu.sem_alloc : memref<!tpu.dma_semaphore, #tpu.memory_space<semaphore_mem>>
      %dma_start3A_197 = arith.constant 0 : i32
      %dma_start3A_198 = tpu.memref_slice %arg4[%mul3A_171, %dma_start3A_197] : memref<64x40xi32, #tpu.memory_space<hbm>> -> memref<2x40xi32, #tpu.memory_space<hbm>>
      %dma_start3A_199 = arith.constant 0 : i32
      %dma_start3A_200 = tpu.memref_slice %arg4[%mul3A_171, %dma_start3A_199] : memref<64x40xi32, #tpu.memory_space<hbm>> -> memref<2x40xi32, #tpu.memory_space<hbm>>
      tpu.enqueue_dma source(%dma_start3A_200 : memref<2x40xi32, #tpu.memory_space<hbm>>) target(%arg10 : memref<2x40xi32, #tpu.memory_space<vmem>>) target_semaphore(%run_scoped3A_196 : memref<!tpu.dma_semaphore, #tpu.memory_space<semaphore_mem>>)
      %dma_wait3A_201 = arith.constant 0 : i32
      %dma_wait3A_202 = tpu.memref_slice %arg4[%mul3A_171, %dma_wait3A_201] : memref<64x40xi32, #tpu.memory_space<hbm>> -> memref<2x40xi32, #tpu.memory_space<hbm>>
      %dma_wait3A_203 = arith.constant 0 : i32
      %dma_wait3A_204 = tpu.memref_slice %arg4[%mul3A_171, %dma_wait3A_203] : memref<64x40xi32, #tpu.memory_space<hbm>> -> memref<2x40xi32, #tpu.memory_space<hbm>>
      tpu.wait_dma2 semaphore(%run_scoped3A_196 : memref<!tpu.dma_semaphore, #tpu.memory_space<semaphore_mem>>) src(%dma_wait3A_204 : memref<2x40xi32, #tpu.memory_space<hbm>>) dst(%arg10 : memref<2x40xi32, #tpu.memory_space<vmem>>)
      tpu.yield
    }) : () -> ()
    %dma_start3A_172 = arith.constant 0 : i32
    %dma_start3A_173 = arith.constant 0 : i32
    %dma_start3A_174 = arith.constant 0 : i32
    %dma_start3A_175 = tpu.memref_slice %arg11[%dma_start3A_173, %dma_start3A_174] : memref<120x128xf32, #tpu.memory_space<vmem>> -> memref<40x128xf32, #tpu.memory_space<vmem>>
    %dma_start3A_176 = arith.constant 0 : i32
    %dma_start3A_177 = tpu.memref_slice %arg10[%dma_start3A_172, %dma_start3A_176] : memref<2x40xi32, #tpu.memory_space<vmem>> -> memref<1x40xi32, #tpu.memory_space<vmem>>
    %dma_start3A_178 = tpu.memref_squeeze %dma_start3A_177 : memref<1x40xi32, #tpu.memory_space<vmem>> -> memref<40xi32, #tpu.memory_space<vmem>>
    %dma_start3A_179 = arith.constant 0 : i32
    %dma_start3A_180 = arith.constant 0 : i32
    %dma_start3A_181 = tpu.memref_slice %arg2[%dma_start3A_179, %dma_start3A_180] : memref<10000x128xf32, #tpu.memory_space<hbm>> -> memref<10000x128xf32, #tpu.memory_space<hbm>>
    tpu.enqueue_indirect_dma source(%dma_start3A_181 : memref<10000x128xf32, #tpu.memory_space<hbm>>) target(%dma_start3A_175 : memref<40x128xf32, #tpu.memory_space<vmem>>) offsets(%dma_start3A_178 : memref<40xi32, #tpu.memory_space<vmem>>) semaphore(%arg15 : memref<!tpu.dma_semaphore, #tpu.memory_space<semaphore_mem>>)
    %dma_wait3A_182 = arith.constant 0 : i32
    %dma_wait3A_183 = arith.constant 0 : i32
    %dma_wait3A_184 = arith.constant 0 : i32
    %dma_wait3A_185 = tpu.memref_slice %arg11[%dma_wait3A_183, %dma_wait3A_184] : memref<120x128xf32, #tpu.memory_space<vmem>> -> memref<40x128xf32, #tpu.memory_space<vmem>>
    %dma_wait3A_186 = arith.constant 0 : i32
    %dma_wait3A_187 = tpu.memref_slice %arg10[%dma_wait3A_182, %dma_wait3A_186] : memref<2x40xi32, #tpu.memory_space<vmem>> -> memref<1x40xi32, #tpu.memory_space<vmem>>
    %dma_wait3A_188 = tpu.memref_squeeze %dma_wait3A_187 : memref<1x40xi32, #tpu.memory_space<vmem>> -> memref<40xi32, #tpu.memory_space<vmem>>
    %dma_wait3A_189 = arith.constant 0 : i32
    %dma_wait3A_190 = arith.constant 0 : i32
    %dma_wait3A_191 = tpu.memref_slice %arg2[%dma_wait3A_189, %dma_wait3A_190] : memref<10000x128xf32, #tpu.memory_space<hbm>> -> memref<10000x128xf32, #tpu.memory_space<hbm>>
    tpu.wait_indirect_dma semaphore(%arg15 : memref<!tpu.dma_semaphore, #tpu.memory_space<semaphore_mem>>) src(%dma_wait3A_191 : memref<10000x128xf32, #tpu.memory_space<hbm>>) dst(%dma_wait3A_185 : memref<40x128xf32, #tpu.memory_space<vmem>>)
    %run_scoped3A = arith.constant 1 : i32
    "tpu.region"() ({
      %run_scoped3A_196 = tpu.sem_alloc : memref<!tpu.dma_semaphore, #tpu.memory_space<semaphore_mem>>
      %dma_start3A_197 = arith.constant 0 : i32
      %dma_start3A_198 = arith.constant 0 : i32
      %dma_start3A_199 = tpu.memref_slice %arg11[%dma_start3A_197, %dma_start3A_198] : memref<120x128xf32, #tpu.memory_space<vmem>> -> memref<40x128xf32, #tpu.memory_space<vmem>>
      %dma_start3A_200 = arith.constant 0 : i32
      %dma_start3A_201 = tpu.memref_slice %arg10[%run_scoped3A, %dma_start3A_200] : memref<2x40xi32, #tpu.memory_space<vmem>> -> memref<1x40xi32, #tpu.memory_space<vmem>>
      %dma_start3A_202 = tpu.memref_squeeze %dma_start3A_201 : memref<1x40xi32, #tpu.memory_space<vmem>> -> memref<40xi32, #tpu.memory_space<vmem>>
      %dma_start3A_203 = arith.constant 0 : i32
      %dma_start3A_204 = arith.constant 0 : i32
      %dma_start3A_205 = tpu.memref_slice %arg14[%dma_start3A_203, %dma_start3A_204] : memref<10240x128xf32, #tpu.memory_space<vmem_shared>> -> memref<10240x128xf32, #tpu.memory_space<vmem_shared>>
      tpu.enqueue_indirect_dma source(%dma_start3A_199 : memref<40x128xf32, #tpu.memory_space<vmem>>) target(%dma_start3A_205 : memref<10240x128xf32, #tpu.memory_space<vmem_shared>>) offsets(%dma_start3A_202 : memref<40xi32, #tpu.memory_space<vmem>>) semaphore(%run_scoped3A_196 : memref<!tpu.dma_semaphore, #tpu.memory_space<semaphore_mem>>) {add = true}
      %dma_wait3A_206 = arith.constant 0 : i32
      %dma_wait3A_207 = arith.constant 0 : i32
      %dma_wait3A_208 = tpu.memref_slice %arg11[%dma_wait3A_206, %dma_wait3A_207] : memref<120x128xf32, #tpu.memory_space<vmem>> -> memref<40x128xf32, #tpu.memory_space<vmem>>
      %dma_wait3A_209 = arith.constant 0 : i32
      %dma_wait3A_210 = tpu.memref_slice %arg10[%run_scoped3A, %dma_wait3A_209] : memref<2x40xi32, #tpu.memory_space<vmem>> -> memref<1x40xi32, #tpu.memory_space<vmem>>
      %dma_wait3A_211 = tpu.memref_squeeze %dma_wait3A_210 : memref<1x40xi32, #tpu.memory_space<vmem>> -> memref<40xi32, #tpu.memory_space<vmem>>
      %dma_wait3A_212 = arith.constant 0 : i32
      %dma_wait3A_213 = arith.constant 0 : i32
      %dma_wait3A_214 = tpu.memref_slice %arg14[%dma_wait3A_212, %dma_wait3A_213] : memref<10240x128xf32, #tpu.memory_space<vmem_shared>> -> memref<10240x128xf32, #tpu.memory_space<vmem_shared>>
      tpu.wait_indirect_dma semaphore(%run_scoped3A_196 : memref<!tpu.dma_semaphore, #tpu.memory_space<semaphore_mem>>) src(%dma_wait3A_208 : memref<40x128xf32, #tpu.memory_space<vmem>>) dst(%dma_wait3A_214 : memref<10240x128xf32, #tpu.memory_space<vmem_shared>>)
      tpu.yield
    }) : () -> ()
    %barrier3A_192 = arith.constant 0 : index
    tpu.barrier barrier_id(%barrier3A_192)
    %mul3A_193 = arith.constant 10240 : i32
    %mul3A_194 = arith.muli %arg0, %mul3A_193 : i32
    %add3A_195 = arith.addi %mul3A_194, %mul3A_0 : i32
    "tpu.region"() ({
      %run_scoped3A_196 = tpu.sem_alloc : memref<!tpu.dma_semaphore, #tpu.memory_space<semaphore_mem>>
      %dma_start3A_197 = arith.constant 0 : i32
      %dma_start3A_198 = tpu.memref_slice %arg6[%add3A_195, %dma_start3A_197] : memref<20480x128xf32, #tpu.memory_space<hbm>> -> memref<640x128xf32, #tpu.memory_space<hbm>>
      %dma_start3A_199 = arith.constant 0 : i32
      %dma_start3A_200 = tpu.memref_slice %arg14[%mul3A_0, %dma_start3A_199] : memref<10240x128xf32, #tpu.memory_space<vmem_shared>> -> memref<640x128xf32, #tpu.memory_space<vmem_shared>>
      tpu.enqueue_dma source(%dma_start3A_200 : memref<640x128xf32, #tpu.memory_space<vmem_shared>>) target(%dma_start3A_198 : memref<640x128xf32, #tpu.memory_space<hbm>>) target_semaphore(%run_scoped3A_196 : memref<!tpu.dma_semaphore, #tpu.memory_space<semaphore_mem>>)
      %dma_wait3A_201 = arith.constant 0 : i32
      %dma_wait3A_202 = tpu.memref_slice %arg6[%add3A_195, %dma_wait3A_201] : memref<20480x128xf32, #tpu.memory_space<hbm>> -> memref<640x128xf32, #tpu.memory_space<hbm>>
      %dma_wait3A_203 = arith.constant 0 : i32
      %dma_wait3A_204 = tpu.memref_slice %arg14[%mul3A_0, %dma_wait3A_203] : memref<10240x128xf32, #tpu.memory_space<vmem_shared>> -> memref<640x128xf32, #tpu.memory_space<vmem_shared>>
      tpu.wait_dma2 semaphore(%run_scoped3A_196 : memref<!tpu.dma_semaphore, #tpu.memory_space<semaphore_mem>>) src(%dma_wait3A_204 : memref<640x128xf32, #tpu.memory_space<vmem_shared>>) dst(%dma_wait3A_202 : memref<640x128xf32, #tpu.memory_space<hbm>>)
      tpu.yield
    }) : () -> ()
    return
  }
}

#map = affine_map<(d0, d1) -> (0, 0)>
module attributes {stable_mosaic.version = 14 : i64} {
  func.func @_agg_sc(%arg0: i32, %arg1: i32, %arg2: memref<10000x128xf32, #tpu.memory_space<hbm>>, %arg3: memref<5312x120xi32, #tpu.memory_space<hbm>>, %arg4: memref<64x40xi32, #tpu.memory_space<hbm>>, %arg5: memref<10240x128xf32, #tpu.memory_space<hbm>>, %arg6: memref<20480x128xf32, #tpu.memory_space<hbm>>, %arg7: memref<2x120xi32, #tpu.memory_space<vmem>>, %arg8: memref<2x120xi32, #tpu.memory_space<vmem>>, %arg9: memref<2x120xi32, #tpu.memory_space<vmem>>, %arg10: memref<2x40xi32, #tpu.memory_space<vmem>>, %arg11: memref<120x128xf32, #tpu.memory_space<vmem>>, %arg12: memref<120x128xf32, #tpu.memory_space<vmem>>, %arg13: memref<120x128xf32, #tpu.memory_space<vmem>>, %arg14: memref<10240x128xf32, #tpu.memory_space<vmem_shared>>, %arg15: memref<!tpu.dma_semaphore, #tpu.memory_space<semaphore_mem>>, %arg16: memref<!tpu.dma_semaphore, #tpu.memory_space<semaphore_mem>>, %arg17: memref<!tpu.dma_semaphore, #tpu.memory_space<semaphore_mem>>, %arg18: memref<!tpu.dma_semaphore, #tpu.memory_space<semaphore_mem>>, %arg19: memref<!tpu.dma_semaphore, #tpu.memory_space<semaphore_mem>>, %arg20: memref<!tpu.dma_semaphore, #tpu.memory_space<semaphore_mem>>) attributes {dimension_semantics = [#tpu.dimension_semantics<core_parallel>, #tpu.dimension_semantics<subcore_parallel>], iteration_bounds = array<i64: 2, 16>, scalar_prefetch = 0 : i64, scratch_operands = 14 : i64, tpu.core_type = #tpu.core_type<sc_vector_subcore>, window_params = [{transform_indices = #map}, {transform_indices = #map}, {transform_indices = #map}, {transform_indices = #map}, {transform_indices = #map}]} {
    %mul3A = arith.constant 640 : i32
    %mul3A_0 = arith.muli %arg1, %mul3A : i32
    "tpu.region"() ({
      %run_scoped3A_196 = tpu.sem_alloc : memref<!tpu.dma_semaphore, #tpu.memory_space<semaphore_mem>>
      %dma_start3A_197 = arith.constant 0 : i32
      %dma_start3A_198 = tpu.memref_slice %arg14[%mul3A_0, %dma_start3A_197] : memref<10240x128xf32, #tpu.memory_space<vmem_shared>> -> memref<640x128xf32, #tpu.memory_space<vmem_shared>>
      %dma_start3A_199 = arith.constant 0 : i32
      %dma_start3A_200 = tpu.memref_slice %arg5[%mul3A_0, %dma_start3A_199] : memref<10240x128xf32, #tpu.memory_space<hbm>> -> memref<640x128xf32, #tpu.memory_space<hbm>>
      tpu.enqueue_dma source(%dma_start3A_200 : memref<640x128xf32, #tpu.memory_space<hbm>>) target(%dma_start3A_198 : memref<640x128xf32, #tpu.memory_space<vmem_shared>>) target_semaphore(%run_scoped3A_196 : memref<!tpu.dma_semaphore, #tpu.memory_space<semaphore_mem>>)
      %dma_wait3A_201 = arith.constant 0 : i32
      %dma_wait3A_202 = tpu.memref_slice %arg14[%mul3A_0, %dma_wait3A_201] : memref<10240x128xf32, #tpu.memory_space<vmem_shared>> -> memref<640x128xf32, #tpu.memory_space<vmem_shared>>
      %dma_wait3A_203 = arith.constant 0 : i32
      %dma_wait3A_204 = tpu.memref_slice %arg5[%mul3A_0, %dma_wait3A_203] : memref<10240x128xf32, #tpu.memory_space<hbm>> -> memref<640x128xf32, #tpu.memory_space<hbm>>
      tpu.wait_dma2 semaphore(%run_scoped3A_196 : memref<!tpu.dma_semaphore, #tpu.memory_space<semaphore_mem>>) src(%dma_wait3A_204 : memref<640x128xf32, #tpu.memory_space<hbm>>) dst(%dma_wait3A_202 : memref<640x128xf32, #tpu.memory_space<vmem_shared>>)
      tpu.yield
    }) : () -> ()
    %barrier3A = arith.constant 0 : index
    tpu.barrier barrier_id(%barrier3A)
    %mul3A_1 = arith.constant 16 : i32
    %mul3A_2 = arith.muli %arg0, %mul3A_1 : i32
    %add3A = arith.addi %mul3A_2, %arg1 : i32
    %mul3A_3 = arith.constant 83 : i32
    %mul3A_4 = arith.muli %add3A, %mul3A_3 : i32
    %add3A_5 = arith.constant 0 : i32
    %add3A_6 = arith.addi %mul3A_4, %add3A_5 : i32
    %mul3A_7 = arith.constant 2 : i32
    %mul3A_8 = arith.muli %mul3A_7, %add3A_6 : i32
    "tpu.region"() ({
      %run_scoped3A_196 = tpu.sem_alloc : memref<!tpu.dma_semaphore, #tpu.memory_space<semaphore_mem>>
      %dma_start3A_197 = arith.constant 0 : i32
      %dma_start3A_198 = tpu.memref_slice %arg3[%mul3A_8, %dma_start3A_197] : memref<5312x120xi32, #tpu.memory_space<hbm>> -> memref<2x120xi32, #tpu.memory_space<hbm>>
      %dma_start3A_199 = arith.constant 0 : i32
      %dma_start3A_200 = tpu.memref_slice %arg3[%mul3A_8, %dma_start3A_199] : memref<5312x120xi32, #tpu.memory_space<hbm>> -> memref<2x120xi32, #tpu.memory_space<hbm>>
      tpu.enqueue_dma source(%dma_start3A_200 : memref<2x120xi32, #tpu.memory_space<hbm>>) target(%arg7 : memref<2x120xi32, #tpu.memory_space<vmem>>) target_semaphore(%run_scoped3A_196 : memref<!tpu.dma_semaphore, #tpu.memory_space<semaphore_mem>>)
      %dma_wait3A_201 = arith.constant 0 : i32
      %dma_wait3A_202 = tpu.memref_slice %arg3[%mul3A_8, %dma_wait3A_201] : memref<5312x120xi32, #tpu.memory_space<hbm>> -> memref<2x120xi32, #tpu.memory_space<hbm>>
      %dma_wait3A_203 = arith.constant 0 : i32
      %dma_wait3A_204 = tpu.memref_slice %arg3[%mul3A_8, %dma_wait3A_203] : memref<5312x120xi32, #tpu.memory_space<hbm>> -> memref<2x120xi32, #tpu.memory_space<hbm>>
      tpu.wait_dma2 semaphore(%run_scoped3A_196 : memref<!tpu.dma_semaphore, #tpu.memory_space<semaphore_mem>>) src(%dma_wait3A_204 : memref<2x120xi32, #tpu.memory_space<hbm>>) dst(%arg7 : memref<2x120xi32, #tpu.memory_space<vmem>>)
      tpu.yield
    }) : () -> ()
    %dma_start3A = arith.constant 0 : i32
    %dma_start3A_9 = arith.constant 0 : i32
    %dma_start3A_10 = tpu.memref_slice %arg7[%dma_start3A, %dma_start3A_9] : memref<2x120xi32, #tpu.memory_space<vmem>> -> memref<1x120xi32, #tpu.memory_space<vmem>>
    %dma_start3A_11 = tpu.memref_squeeze %dma_start3A_10 : memref<1x120xi32, #tpu.memory_space<vmem>> -> memref<120xi32, #tpu.memory_space<vmem>>
    %dma_start3A_12 = arith.constant 0 : i32
    %dma_start3A_13 = arith.constant 0 : i32
    %dma_start3A_14 = tpu.memref_slice %arg2[%dma_start3A_12, %dma_start3A_13] : memref<10000x128xf32, #tpu.memory_space<hbm>> -> memref<10000x128xf32, #tpu.memory_space<hbm>>
    tpu.enqueue_indirect_dma source(%dma_start3A_14 : memref<10000x128xf32, #tpu.memory_space<hbm>>) target(%arg11 : memref<120x128xf32, #tpu.memory_space<vmem>>) offsets(%dma_start3A_11 : memref<120xi32, #tpu.memory_space<vmem>>) semaphore(%arg15 : memref<!tpu.dma_semaphore, #tpu.memory_space<semaphore_mem>>)
    %mul3A_15 = arith.constant 83 : i32
    %mul3A_16 = arith.muli %add3A, %mul3A_15 : i32
    %add3A_17 = arith.constant 1 : i32
    %add3A_18 = arith.addi %mul3A_16, %add3A_17 : i32
    %mul3A_19 = arith.constant 2 : i32
    %mul3A_20 = arith.muli %mul3A_19, %add3A_18 : i32
    "tpu.region"() ({
      %run_scoped3A_196 = tpu.sem_alloc : memref<!tpu.dma_semaphore, #tpu.memory_space<semaphore_mem>>
      %dma_start3A_197 = arith.constant 0 : i32
      %dma_start3A_198 = tpu.memref_slice %arg3[%mul3A_20, %dma_start3A_197] : memref<5312x120xi32, #tpu.memory_space<hbm>> -> memref<2x120xi32, #tpu.memory_space<hbm>>
      %dma_start3A_199 = arith.constant 0 : i32
      %dma_start3A_200 = tpu.memref_slice %arg3[%mul3A_20, %dma_start3A_199] : memref<5312x120xi32, #tpu.memory_space<hbm>> -> memref<2x120xi32, #tpu.memory_space<hbm>>
      tpu.enqueue_dma source(%dma_start3A_200 : memref<2x120xi32, #tpu.memory_space<hbm>>) target(%arg8 : memref<2x120xi32, #tpu.memory_space<vmem>>) target_semaphore(%run_scoped3A_196 : memref<!tpu.dma_semaphore, #tpu.memory_space<semaphore_mem>>)
      %dma_wait3A_201 = arith.constant 0 : i32
      %dma_wait3A_202 = tpu.memref_slice %arg3[%mul3A_20, %dma_wait3A_201] : memref<5312x120xi32, #tpu.memory_space<hbm>> -> memref<2x120xi32, #tpu.memory_space<hbm>>
      %dma_wait3A_203 = arith.constant 0 : i32
      %dma_wait3A_204 = tpu.memref_slice %arg3[%mul3A_20, %dma_wait3A_203] : memref<5312x120xi32, #tpu.memory_space<hbm>> -> memref<2x120xi32, #tpu.memory_space<hbm>>
      tpu.wait_dma2 semaphore(%run_scoped3A_196 : memref<!tpu.dma_semaphore, #tpu.memory_space<semaphore_mem>>) src(%dma_wait3A_204 : memref<2x120xi32, #tpu.memory_space<hbm>>) dst(%arg8 : memref<2x120xi32, #tpu.memory_space<vmem>>)
      tpu.yield
    }) : () -> ()
    %dma_start3A_21 = arith.constant 0 : i32
    %dma_start3A_22 = arith.constant 0 : i32
    %dma_start3A_23 = tpu.memref_slice %arg8[%dma_start3A_21, %dma_start3A_22] : memref<2x120xi32, #tpu.memory_space<vmem>> -> memref<1x120xi32, #tpu.memory_space<vmem>>
    %dma_start3A_24 = tpu.memref_squeeze %dma_start3A_23 : memref<1x120xi32, #tpu.memory_space<vmem>> -> memref<120xi32, #tpu.memory_space<vmem>>
    %dma_start3A_25 = arith.constant 0 : i32
    %dma_start3A_26 = arith.constant 0 : i32
    %dma_start3A_27 = tpu.memref_slice %arg2[%dma_start3A_25, %dma_start3A_26] : memref<10000x128xf32, #tpu.memory_space<hbm>> -> memref<10000x128xf32, #tpu.memory_space<hbm>>
    tpu.enqueue_indirect_dma source(%dma_start3A_27 : memref<10000x128xf32, #tpu.memory_space<hbm>>) target(%arg12 : memref<120x128xf32, #tpu.memory_space<vmem>>) offsets(%dma_start3A_24 : memref<120xi32, #tpu.memory_space<vmem>>) semaphore(%arg16 : memref<!tpu.dma_semaphore, #tpu.memory_space<semaphore_mem>>)
    %mul3A_28 = arith.constant 83 : i32
    %mul3A_29 = arith.muli %add3A, %mul3A_28 : i32
    %add3A_30 = arith.constant 2 : i32
    %add3A_31 = arith.addi %mul3A_29, %add3A_30 : i32
    %mul3A_32 = arith.constant 2 : i32
    %mul3A_33 = arith.muli %mul3A_32, %add3A_31 : i32
    "tpu.region"() ({
      %run_scoped3A_196 = tpu.sem_alloc : memref<!tpu.dma_semaphore, #tpu.memory_space<semaphore_mem>>
      %dma_start3A_197 = arith.constant 0 : i32
      %dma_start3A_198 = tpu.memref_slice %arg3[%mul3A_33, %dma_start3A_197] : memref<5312x120xi32, #tpu.memory_space<hbm>> -> memref<2x120xi32, #tpu.memory_space<hbm>>
      %dma_start3A_199 = arith.constant 0 : i32
      %dma_start3A_200 = tpu.memref_slice %arg3[%mul3A_33, %dma_start3A_199] : memref<5312x120xi32, #tpu.memory_space<hbm>> -> memref<2x120xi32, #tpu.memory_space<hbm>>
      tpu.enqueue_dma source(%dma_start3A_200 : memref<2x120xi32, #tpu.memory_space<hbm>>) target(%arg9 : memref<2x120xi32, #tpu.memory_space<vmem>>) target_semaphore(%run_scoped3A_196 : memref<!tpu.dma_semaphore, #tpu.memory_space<semaphore_mem>>)
      %dma_wait3A_201 = arith.constant 0 : i32
      %dma_wait3A_202 = tpu.memref_slice %arg3[%mul3A_33, %dma_wait3A_201] : memref<5312x120xi32, #tpu.memory_space<hbm>> -> memref<2x120xi32, #tpu.memory_space<hbm>>
      %dma_wait3A_203 = arith.constant 0 : i32
      %dma_wait3A_204 = tpu.memref_slice %arg3[%mul3A_33, %dma_wait3A_203] : memref<5312x120xi32, #tpu.memory_space<hbm>> -> memref<2x120xi32, #tpu.memory_space<hbm>>
      tpu.wait_dma2 semaphore(%run_scoped3A_196 : memref<!tpu.dma_semaphore, #tpu.memory_space<semaphore_mem>>) src(%dma_wait3A_204 : memref<2x120xi32, #tpu.memory_space<hbm>>) dst(%arg9 : memref<2x120xi32, #tpu.memory_space<vmem>>)
      tpu.yield
    }) : () -> ()
    %dma_start3A_34 = arith.constant 0 : i32
    %dma_start3A_35 = arith.constant 0 : i32
    %dma_start3A_36 = tpu.memref_slice %arg9[%dma_start3A_34, %dma_start3A_35] : memref<2x120xi32, #tpu.memory_space<vmem>> -> memref<1x120xi32, #tpu.memory_space<vmem>>
    %dma_start3A_37 = tpu.memref_squeeze %dma_start3A_36 : memref<1x120xi32, #tpu.memory_space<vmem>> -> memref<120xi32, #tpu.memory_space<vmem>>
    %dma_start3A_38 = arith.constant 0 : i32
    %dma_start3A_39 = arith.constant 0 : i32
    %dma_start3A_40 = tpu.memref_slice %arg2[%dma_start3A_38, %dma_start3A_39] : memref<10000x128xf32, #tpu.memory_space<hbm>> -> memref<10000x128xf32, #tpu.memory_space<hbm>>
    tpu.enqueue_indirect_dma source(%dma_start3A_40 : memref<10000x128xf32, #tpu.memory_space<hbm>>) target(%arg13 : memref<120x128xf32, #tpu.memory_space<vmem>>) offsets(%dma_start3A_37 : memref<120xi32, #tpu.memory_space<vmem>>) semaphore(%arg17 : memref<!tpu.dma_semaphore, #tpu.memory_space<semaphore_mem>>)
    %dma_wait3A = arith.constant 0 : i32
    %dma_wait3A_41 = arith.constant 0 : i32
    %dma_wait3A_42 = tpu.memref_slice %arg7[%dma_wait3A, %dma_wait3A_41] : memref<2x120xi32, #tpu.memory_space<vmem>> -> memref<1x120xi32, #tpu.memory_space<vmem>>
    %dma_wait3A_43 = tpu.memref_squeeze %dma_wait3A_42 : memref<1x120xi32, #tpu.memory_space<vmem>> -> memref<120xi32, #tpu.memory_space<vmem>>
    %dma_wait3A_44 = arith.constant 0 : i32
    %dma_wait3A_45 = arith.constant 0 : i32
    %dma_wait3A_46 = tpu.memref_slice %arg2[%dma_wait3A_44, %dma_wait3A_45] : memref<10000x128xf32, #tpu.memory_space<hbm>> -> memref<10000x128xf32, #tpu.memory_space<hbm>>
    tpu.wait_indirect_dma semaphore(%arg15 : memref<!tpu.dma_semaphore, #tpu.memory_space<semaphore_mem>>) src(%dma_wait3A_46 : memref<10000x128xf32, #tpu.memory_space<hbm>>) dst(%arg11 : memref<120x128xf32, #tpu.memory_space<vmem>>)
    %dma_start3A_47 = arith.constant 1 : i32
    %dma_start3A_48 = arith.constant 0 : i32
    %dma_start3A_49 = tpu.memref_slice %arg7[%dma_start3A_47, %dma_start3A_48] : memref<2x120xi32, #tpu.memory_space<vmem>> -> memref<1x120xi32, #tpu.memory_space<vmem>>
    %dma_start3A_50 = tpu.memref_squeeze %dma_start3A_49 : memref<1x120xi32, #tpu.memory_space<vmem>> -> memref<120xi32, #tpu.memory_space<vmem>>
    %dma_start3A_51 = arith.constant 0 : i32
    %dma_start3A_52 = arith.constant 0 : i32
    %dma_start3A_53 = tpu.memref_slice %arg14[%dma_start3A_51, %dma_start3A_52] : memref<10240x128xf32, #tpu.memory_space<vmem_shared>> -> memref<10240x128xf32, #tpu.memory_space<vmem_shared>>
    tpu.enqueue_indirect_dma source(%arg11 : memref<120x128xf32, #tpu.memory_space<vmem>>) target(%dma_start3A_53 : memref<10240x128xf32, #tpu.memory_space<vmem_shared>>) offsets(%dma_start3A_50 : memref<120xi32, #tpu.memory_space<vmem>>) semaphore(%arg18 : memref<!tpu.dma_semaphore, #tpu.memory_space<semaphore_mem>>) {add = true}
    %dma_wait3A_54 = arith.constant 0 : i32
    %dma_wait3A_55 = arith.constant 0 : i32
    %dma_wait3A_56 = tpu.memref_slice %arg8[%dma_wait3A_54, %dma_wait3A_55] : memref<2x120xi32, #tpu.memory_space<vmem>> -> memref<1x120xi32, #tpu.memory_space<vmem>>
    %dma_wait3A_57 = tpu.memref_squeeze %dma_wait3A_56 : memref<1x120xi32, #tpu.memory_space<vmem>> -> memref<120xi32, #tpu.memory_space<vmem>>
    %dma_wait3A_58 = arith.constant 0 : i32
    %dma_wait3A_59 = arith.constant 0 : i32
    %dma_wait3A_60 = tpu.memref_slice %arg2[%dma_wait3A_58, %dma_wait3A_59] : memref<10000x128xf32, #tpu.memory_space<hbm>> -> memref<10000x128xf32, #tpu.memory_space<hbm>>
    tpu.wait_indirect_dma semaphore(%arg16 : memref<!tpu.dma_semaphore, #tpu.memory_space<semaphore_mem>>) src(%dma_wait3A_60 : memref<10000x128xf32, #tpu.memory_space<hbm>>) dst(%arg12 : memref<120x128xf32, #tpu.memory_space<vmem>>)
    %dma_start3A_61 = arith.constant 1 : i32
    %dma_start3A_62 = arith.constant 0 : i32
    %dma_start3A_63 = tpu.memref_slice %arg8[%dma_start3A_61, %dma_start3A_62] : memref<2x120xi32, #tpu.memory_space<vmem>> -> memref<1x120xi32, #tpu.memory_space<vmem>>
    %dma_start3A_64 = tpu.memref_squeeze %dma_start3A_63 : memref<1x120xi32, #tpu.memory_space<vmem>> -> memref<120xi32, #tpu.memory_space<vmem>>
    %dma_start3A_65 = arith.constant 0 : i32
    %dma_start3A_66 = arith.constant 0 : i32
    %dma_start3A_67 = tpu.memref_slice %arg14[%dma_start3A_65, %dma_start3A_66] : memref<10240x128xf32, #tpu.memory_space<vmem_shared>> -> memref<10240x128xf32, #tpu.memory_space<vmem_shared>>
    tpu.enqueue_indirect_dma source(%arg12 : memref<120x128xf32, #tpu.memory_space<vmem>>) target(%dma_start3A_67 : memref<10240x128xf32, #tpu.memory_space<vmem_shared>>) offsets(%dma_start3A_64 : memref<120xi32, #tpu.memory_space<vmem>>) semaphore(%arg19 : memref<!tpu.dma_semaphore, #tpu.memory_space<semaphore_mem>>) {add = true}
    %scan3A = arith.constant 0 : i32
    %scan3A_68 = arith.constant 26 : i32
    %scan3A_69 = arith.addi %scan3A, %scan3A_68 : i32
    %scan3A_70 = arith.constant 1 : i32
    scf.for %scan3A_196 = %scan3A to %scan3A_69 step %scan3A_70  : i32 {
      %mul3A_197 = arith.constant 1 : i32
      %mul3A_198 = arith.muli %scan3A_196, %mul3A_197 : i32
      %add3A_199 = arith.constant 0 : i32
      %add3A_200 = arith.addi %add3A_199, %mul3A_198 : i32
      %mul3A_201 = arith.constant 3 : i32
      %mul3A_202 = arith.muli %mul3A_201, %add3A_200 : i32
      %add3A_203 = arith.constant 3 : i32
      %add3A_204 = arith.addi %mul3A_202, %add3A_203 : i32
      %dma_wait3A_205 = arith.constant 0 : i32
      %dma_wait3A_206 = arith.constant 0 : i32
      %dma_wait3A_207 = tpu.memref_slice %arg5[%dma_wait3A_205, %dma_wait3A_206] : memref<10240x128xf32, #tpu.memory_space<hbm>> -> memref<120x128xf32, #tpu.memory_space<hbm>>
      %dma_wait3A_208 = arith.constant 0 : i32
      %dma_wait3A_209 = arith.constant 0 : i32
      %dma_wait3A_210 = tpu.memref_slice %arg5[%dma_wait3A_208, %dma_wait3A_209] : memref<10240x128xf32, #tpu.memory_space<hbm>> -> memref<120x128xf32, #tpu.memory_space<hbm>>
      tpu.wait_dma2 semaphore(%arg18 : memref<!tpu.dma_semaphore, #tpu.memory_space<semaphore_mem>>) src(%dma_wait3A_210 : memref<120x128xf32, #tpu.memory_space<hbm>>) dst(%arg11 : memref<120x128xf32, #tpu.memory_space<vmem>>)
      %mul3A_211 = arith.constant 83 : i32
      %mul3A_212 = arith.muli %add3A, %mul3A_211 : i32
      %add3A_213 = arith.addi %mul3A_212, %add3A_204 : i32
      %mul3A_214 = arith.constant 2 : i32
      %mul3A_215 = arith.muli %mul3A_214, %add3A_213 : i32
      "tpu.region"() ({
        %run_scoped3A_305 = tpu.sem_alloc : memref<!tpu.dma_semaphore, #tpu.memory_space<semaphore_mem>>
        %dma_start3A_306 = arith.constant 0 : i32
        %dma_start3A_307 = tpu.memref_slice %arg3[%mul3A_215, %dma_start3A_306] : memref<5312x120xi32, #tpu.memory_space<hbm>> -> memref<2x120xi32, #tpu.memory_space<hbm>>
        %dma_start3A_308 = arith.constant 0 : i32
        %dma_start3A_309 = tpu.memref_slice %arg3[%mul3A_215, %dma_start3A_308] : memref<5312x120xi32, #tpu.memory_space<hbm>> -> memref<2x120xi32, #tpu.memory_space<hbm>>
        tpu.enqueue_dma source(%dma_start3A_309 : memref<2x120xi32, #tpu.memory_space<hbm>>) target(%arg7 : memref<2x120xi32, #tpu.memory_space<vmem>>) target_semaphore(%run_scoped3A_305 : memref<!tpu.dma_semaphore, #tpu.memory_space<semaphore_mem>>)
        %dma_wait3A_310 = arith.constant 0 : i32
        %dma_wait3A_311 = tpu.memref_slice %arg3[%mul3A_215, %dma_wait3A_310] : memref<5312x120xi32, #tpu.memory_space<hbm>> -> memref<2x120xi32, #tpu.memory_space<hbm>>
        %dma_wait3A_312 = arith.constant 0 : i32
        %dma_wait3A_313 = tpu.memref_slice %arg3[%mul3A_215, %dma_wait3A_312] : memref<5312x120xi32, #tpu.memory_space<hbm>> -> memref<2x120xi32, #tpu.memory_space<hbm>>
        tpu.wait_dma2 semaphore(%run_scoped3A_305 : memref<!tpu.dma_semaphore, #tpu.memory_space<semaphore_mem>>) src(%dma_wait3A_313 : memref<2x120xi32, #tpu.memory_space<hbm>>) dst(%arg7 : memref<2x120xi32, #tpu.memory_space<vmem>>)
        tpu.yield
      }) : () -> ()
      %dma_start3A_216 = arith.constant 0 : i32
      %dma_start3A_217 = arith.constant 0 : i32
      %dma_start3A_218 = tpu.memref_slice %arg7[%dma_start3A_216, %dma_start3A_217] : memref<2x120xi32, #tpu.memory_space<vmem>> -> memref<1x120xi32, #tpu.memory_space<vmem>>
      %dma_start3A_219 = tpu.memref_squeeze %dma_start3A_218 : memref<1x120xi32, #tpu.memory_space<vmem>> -> memref<120xi32, #tpu.memory_space<vmem>>
      %dma_start3A_220 = arith.constant 0 : i32
      %dma_start3A_221 = arith.constant 0 : i32
      %dma_start3A_222 = tpu.memref_slice %arg2[%dma_start3A_220, %dma_start3A_221] : memref<10000x128xf32, #tpu.memory_space<hbm>> -> memref<10000x128xf32, #tpu.memory_space<hbm>>
      tpu.enqueue_indirect_dma source(%dma_start3A_222 : memref<10000x128xf32, #tpu.memory_space<hbm>>) target(%arg11 : memref<120x128xf32, #tpu.memory_space<vmem>>) offsets(%dma_start3A_219 : memref<120xi32, #tpu.memory_space<vmem>>) semaphore(%arg15 : memref<!tpu.dma_semaphore, #tpu.memory_space<semaphore_mem>>)
      %dma_wait3A_223 = arith.constant 0 : i32
      %dma_wait3A_224 = arith.constant 0 : i32
      %dma_wait3A_225 = tpu.memref_slice %arg9[%dma_wait3A_223, %dma_wait3A_224] : memref<2x120xi32, #tpu.memory_space<vmem>> -> memref<1x120xi32, #tpu.memory_space<vmem>>
      %dma_wait3A_226 = tpu.memref_squeeze %dma_wait3A_225 : memref<1x120xi32, #tpu.memory_space<vmem>> -> memref<120xi32, #tpu.memory_space<vmem>>
      %dma_wait3A_227 = arith.constant 0 : i32
      %dma_wait3A_228 = arith.constant 0 : i32
      %dma_wait3A_229 = tpu.memref_slice %arg2[%dma_wait3A_227, %dma_wait3A_228] : memref<10000x128xf32, #tpu.memory_space<hbm>> -> memref<10000x128xf32, #tpu.memory_space<hbm>>
      tpu.wait_indirect_dma semaphore(%arg17 : memref<!tpu.dma_semaphore, #tpu.memory_space<semaphore_mem>>) src(%dma_wait3A_229 : memref<10000x128xf32, #tpu.memory_space<hbm>>) dst(%arg13 : memref<120x128xf32, #tpu.memory_space<vmem>>)
      %dma_start3A_230 = arith.constant 1 : i32
      %dma_start3A_231 = arith.constant 0 : i32
      %dma_start3A_232 = tpu.memref_slice %arg9[%dma_start3A_230, %dma_start3A_231] : memref<2x120xi32, #tpu.memory_space<vmem>> -> memref<1x120xi32, #tpu.memory_space<vmem>>
      %dma_start3A_233 = tpu.memref_squeeze %dma_start3A_232 : memref<1x120xi32, #tpu.memory_space<vmem>> -> memref<120xi32, #tpu.memory_space<vmem>>
      %dma_start3A_234 = arith.constant 0 : i32
      %dma_start3A_235 = arith.constant 0 : i32
      %dma_start3A_236 = tpu.memref_slice %arg14[%dma_start3A_234, %dma_start3A_235] : memref<10240x128xf32, #tpu.memory_space<vmem_shared>> -> memref<10240x128xf32, #tpu.memory_space<vmem_shared>>
      tpu.enqueue_indirect_dma source(%arg13 : memref<120x128xf32, #tpu.memory_space<vmem>>) target(%dma_start3A_236 : memref<10240x128xf32, #tpu.memory_space<vmem_shared>>) offsets(%dma_start3A_233 : memref<120xi32, #tpu.memory_space<vmem>>) semaphore(%arg20 : memref<!tpu.dma_semaphore, #tpu.memory_space<semaphore_mem>>) {add = true}
      %add3A_237 = arith.constant 1 : i32
      %add3A_238 = arith.addi %add3A_204, %add3A_237 : i32
      %dma_wait3A_239 = arith.constant 0 : i32
      %dma_wait3A_240 = arith.constant 0 : i32
      %dma_wait3A_241 = tpu.memref_slice %arg5[%dma_wait3A_239, %dma_wait3A_240] : memref<10240x128xf32, #tpu.memory_space<hbm>> -> memref<120x128xf32, #tpu.memory_space<hbm>>
      %dma_wait3A_242 = arith.constant 0 : i32
      %dma_wait3A_243 = arith.constant 0 : i32
      %dma_wait3A_244 = tpu.memref_slice %arg5[%dma_wait3A_242, %dma_wait3A_243] : memref<10240x128xf32, #tpu.memory_space<hbm>> -> memref<120x128xf32, #tpu.memory_space<hbm>>
      tpu.wait_dma2 semaphore(%arg19 : memref<!tpu.dma_semaphore, #tpu.memory_space<semaphore_mem>>) src(%dma_wait3A_244 : memref<120x128xf32, #tpu.memory_space<hbm>>) dst(%arg12 : memref<120x128xf32, #tpu.memory_space<vmem>>)
      %mul3A_245 = arith.constant 83 : i32
      %mul3A_246 = arith.muli %add3A, %mul3A_245 : i32
      %add3A_247 = arith.addi %mul3A_246, %add3A_238 : i32
      %mul3A_248 = arith.constant 2 : i32
      %mul3A_249 = arith.muli %mul3A_248, %add3A_247 : i32
      "tpu.region"() ({
        %run_scoped3A_305 = tpu.sem_alloc : memref<!tpu.dma_semaphore, #tpu.memory_space<semaphore_mem>>
        %dma_start3A_306 = arith.constant 0 : i32
        %dma_start3A_307 = tpu.memref_slice %arg3[%mul3A_249, %dma_start3A_306] : memref<5312x120xi32, #tpu.memory_space<hbm>> -> memref<2x120xi32, #tpu.memory_space<hbm>>
        %dma_start3A_308 = arith.constant 0 : i32
        %dma_start3A_309 = tpu.memref_slice %arg3[%mul3A_249, %dma_start3A_308] : memref<5312x120xi32, #tpu.memory_space<hbm>> -> memref<2x120xi32, #tpu.memory_space<hbm>>
        tpu.enqueue_dma source(%dma_start3A_309 : memref<2x120xi32, #tpu.memory_space<hbm>>) target(%arg8 : memref<2x120xi32, #tpu.memory_space<vmem>>) target_semaphore(%run_scoped3A_305 : memref<!tpu.dma_semaphore, #tpu.memory_space<semaphore_mem>>)
        %dma_wait3A_310 = arith.constant 0 : i32
        %dma_wait3A_311 = tpu.memref_slice %arg3[%mul3A_249, %dma_wait3A_310] : memref<5312x120xi32, #tpu.memory_space<hbm>> -> memref<2x120xi32, #tpu.memory_space<hbm>>
        %dma_wait3A_312 = arith.constant 0 : i32
        %dma_wait3A_313 = tpu.memref_slice %arg3[%mul3A_249, %dma_wait3A_312] : memref<5312x120xi32, #tpu.memory_space<hbm>> -> memref<2x120xi32, #tpu.memory_space<hbm>>
        tpu.wait_dma2 semaphore(%run_scoped3A_305 : memref<!tpu.dma_semaphore, #tpu.memory_space<semaphore_mem>>) src(%dma_wait3A_313 : memref<2x120xi32, #tpu.memory_space<hbm>>) dst(%arg8 : memref<2x120xi32, #tpu.memory_space<vmem>>)
        tpu.yield
      }) : () -> ()
      %dma_start3A_250 = arith.constant 0 : i32
      %dma_start3A_251 = arith.constant 0 : i32
      %dma_start3A_252 = tpu.memref_slice %arg8[%dma_start3A_250, %dma_start3A_251] : memref<2x120xi32, #tpu.memory_space<vmem>> -> memref<1x120xi32, #tpu.memory_space<vmem>>
      %dma_start3A_253 = tpu.memref_squeeze %dma_start3A_252 : memref<1x120xi32, #tpu.memory_space<vmem>> -> memref<120xi32, #tpu.memory_space<vmem>>
      %dma_start3A_254 = arith.constant 0 : i32
      %dma_start3A_255 = arith.constant 0 : i32
      %dma_start3A_256 = tpu.memref_slice %arg2[%dma_start3A_254, %dma_start3A_255] : memref<10000x128xf32, #tpu.memory_space<hbm>> -> memref<10000x128xf32, #tpu.memory_space<hbm>>
      tpu.enqueue_indirect_dma source(%dma_start3A_256 : memref<10000x128xf32, #tpu.memory_space<hbm>>) target(%arg12 : memref<120x128xf32, #tpu.memory_space<vmem>>) offsets(%dma_start3A_253 : memref<120xi32, #tpu.memory_space<vmem>>) semaphore(%arg16 : memref<!tpu.dma_semaphore, #tpu.memory_space<semaphore_mem>>)
      %dma_wait3A_257 = arith.constant 0 : i32
      %dma_wait3A_258 = arith.constant 0 : i32
      %dma_wait3A_259 = tpu.memref_slice %arg7[%dma_wait3A_257, %dma_wait3A_258] : memref<2x120xi32, #tpu.memory_space<vmem>> -> memref<1x120xi32, #tpu.memory_space<vmem>>
      %dma_wait3A_260 = tpu.memref_squeeze %dma_wait3A_259 : memref<1x120xi32, #tpu.memory_space<vmem>> -> memref<120xi32, #tpu.memory_space<vmem>>
      %dma_wait3A_261 = arith.constant 0 : i32
      %dma_wait3A_262 = arith.constant 0 : i32
      %dma_wait3A_263 = tpu.memref_slice %arg2[%dma_wait3A_261, %dma_wait3A_262] : memref<10000x128xf32, #tpu.memory_space<hbm>> -> memref<10000x128xf32, #tpu.memory_space<hbm>>
      tpu.wait_indirect_dma semaphore(%arg15 : memref<!tpu.dma_semaphore, #tpu.memory_space<semaphore_mem>>) src(%dma_wait3A_263 : memref<10000x128xf32, #tpu.memory_space<hbm>>) dst(%arg11 : memref<120x128xf32, #tpu.memory_space<vmem>>)
      %dma_start3A_264 = arith.constant 1 : i32
      %dma_start3A_265 = arith.constant 0 : i32
      %dma_start3A_266 = tpu.memref_slice %arg7[%dma_start3A_264, %dma_start3A_265] : memref<2x120xi32, #tpu.memory_space<vmem>> -> memref<1x120xi32, #tpu.memory_space<vmem>>
      %dma_start3A_267 = tpu.memref_squeeze %dma_start3A_266 : memref<1x120xi32, #tpu.memory_space<vmem>> -> memref<120xi32, #tpu.memory_space<vmem>>
      %dma_start3A_268 = arith.constant 0 : i32
      %dma_start3A_269 = arith.constant 0 : i32
      %dma_start3A_270 = tpu.memref_slice %arg14[%dma_start3A_268, %dma_start3A_269] : memref<10240x128xf32, #tpu.memory_space<vmem_shared>> -> memref<10240x128xf32, #tpu.memory_space<vmem_shared>>
      tpu.enqueue_indirect_dma source(%arg11 : memref<120x128xf32, #tpu.memory_space<vmem>>) target(%dma_start3A_270 : memref<10240x128xf32, #tpu.memory_space<vmem_shared>>) offsets(%dma_start3A_267 : memref<120xi32, #tpu.memory_space<vmem>>) semaphore(%arg18 : memref<!tpu.dma_semaphore, #tpu.memory_space<semaphore_mem>>) {add = true}
      %add3A_271 = arith.constant 2 : i32
      %add3A_272 = arith.addi %add3A_204, %add3A_271 : i32
      %dma_wait3A_273 = arith.constant 0 : i32
      %dma_wait3A_274 = arith.constant 0 : i32
      %dma_wait3A_275 = tpu.memref_slice %arg5[%dma_wait3A_273, %dma_wait3A_274] : memref<10240x128xf32, #tpu.memory_space<hbm>> -> memref<120x128xf32, #tpu.memory_space<hbm>>
      %dma_wait3A_276 = arith.constant 0 : i32
      %dma_wait3A_277 = arith.constant 0 : i32
      %dma_wait3A_278 = tpu.memref_slice %arg5[%dma_wait3A_276, %dma_wait3A_277] : memref<10240x128xf32, #tpu.memory_space<hbm>> -> memref<120x128xf32, #tpu.memory_space<hbm>>
      tpu.wait_dma2 semaphore(%arg20 : memref<!tpu.dma_semaphore, #tpu.memory_space<semaphore_mem>>) src(%dma_wait3A_278 : memref<120x128xf32, #tpu.memory_space<hbm>>) dst(%arg13 : memref<120x128xf32, #tpu.memory_space<vmem>>)
      %mul3A_279 = arith.constant 83 : i32
      %mul3A_280 = arith.muli %add3A, %mul3A_279 : i32
      %add3A_281 = arith.addi %mul3A_280, %add3A_272 : i32
      %mul3A_282 = arith.constant 2 : i32
      %mul3A_283 = arith.muli %mul3A_282, %add3A_281 : i32
      "tpu.region"() ({
        %run_scoped3A_305 = tpu.sem_alloc : memref<!tpu.dma_semaphore, #tpu.memory_space<semaphore_mem>>
        %dma_start3A_306 = arith.constant 0 : i32
        %dma_start3A_307 = tpu.memref_slice %arg3[%mul3A_283, %dma_start3A_306] : memref<5312x120xi32, #tpu.memory_space<hbm>> -> memref<2x120xi32, #tpu.memory_space<hbm>>
        %dma_start3A_308 = arith.constant 0 : i32
        %dma_start3A_309 = tpu.memref_slice %arg3[%mul3A_283, %dma_start3A_308] : memref<5312x120xi32, #tpu.memory_space<hbm>> -> memref<2x120xi32, #tpu.memory_space<hbm>>
        tpu.enqueue_dma source(%dma_start3A_309 : memref<2x120xi32, #tpu.memory_space<hbm>>) target(%arg9 : memref<2x120xi32, #tpu.memory_space<vmem>>) target_semaphore(%run_scoped3A_305 : memref<!tpu.dma_semaphore, #tpu.memory_space<semaphore_mem>>)
        %dma_wait3A_310 = arith.constant 0 : i32
        %dma_wait3A_311 = tpu.memref_slice %arg3[%mul3A_283, %dma_wait3A_310] : memref<5312x120xi32, #tpu.memory_space<hbm>> -> memref<2x120xi32, #tpu.memory_space<hbm>>
        %dma_wait3A_312 = arith.constant 0 : i32
        %dma_wait3A_313 = tpu.memref_slice %arg3[%mul3A_283, %dma_wait3A_312] : memref<5312x120xi32, #tpu.memory_space<hbm>> -> memref<2x120xi32, #tpu.memory_space<hbm>>
        tpu.wait_dma2 semaphore(%run_scoped3A_305 : memref<!tpu.dma_semaphore, #tpu.memory_space<semaphore_mem>>) src(%dma_wait3A_313 : memref<2x120xi32, #tpu.memory_space<hbm>>) dst(%arg9 : memref<2x120xi32, #tpu.memory_space<vmem>>)
        tpu.yield
      }) : () -> ()
      %dma_start3A_284 = arith.constant 0 : i32
      %dma_start3A_285 = arith.constant 0 : i32
      %dma_start3A_286 = tpu.memref_slice %arg9[%dma_start3A_284, %dma_start3A_285] : memref<2x120xi32, #tpu.memory_space<vmem>> -> memref<1x120xi32, #tpu.memory_space<vmem>>
      %dma_start3A_287 = tpu.memref_squeeze %dma_start3A_286 : memref<1x120xi32, #tpu.memory_space<vmem>> -> memref<120xi32, #tpu.memory_space<vmem>>
      %dma_start3A_288 = arith.constant 0 : i32
      %dma_start3A_289 = arith.constant 0 : i32
      %dma_start3A_290 = tpu.memref_slice %arg2[%dma_start3A_288, %dma_start3A_289] : memref<10000x128xf32, #tpu.memory_space<hbm>> -> memref<10000x128xf32, #tpu.memory_space<hbm>>
      tpu.enqueue_indirect_dma source(%dma_start3A_290 : memref<10000x128xf32, #tpu.memory_space<hbm>>) target(%arg13 : memref<120x128xf32, #tpu.memory_space<vmem>>) offsets(%dma_start3A_287 : memref<120xi32, #tpu.memory_space<vmem>>) semaphore(%arg17 : memref<!tpu.dma_semaphore, #tpu.memory_space<semaphore_mem>>)
      %dma_wait3A_291 = arith.constant 0 : i32
      %dma_wait3A_292 = arith.constant 0 : i32
      %dma_wait3A_293 = tpu.memref_slice %arg8[%dma_wait3A_291, %dma_wait3A_292] : memref<2x120xi32, #tpu.memory_space<vmem>> -> memref<1x120xi32, #tpu.memory_space<vmem>>
      %dma_wait3A_294 = tpu.memref_squeeze %dma_wait3A_293 : memref<1x120xi32, #tpu.memory_space<vmem>> -> memref<120xi32, #tpu.memory_space<vmem>>
      %dma_wait3A_295 = arith.constant 0 : i32
      %dma_wait3A_296 = arith.constant 0 : i32
      %dma_wait3A_297 = tpu.memref_slice %arg2[%dma_wait3A_295, %dma_wait3A_296] : memref<10000x128xf32, #tpu.memory_space<hbm>> -> memref<10000x128xf32, #tpu.memory_space<hbm>>
      tpu.wait_indirect_dma semaphore(%arg16 : memref<!tpu.dma_semaphore, #tpu.memory_space<semaphore_mem>>) src(%dma_wait3A_297 : memref<10000x128xf32, #tpu.memory_space<hbm>>) dst(%arg12 : memref<120x128xf32, #tpu.memory_space<vmem>>)
      %dma_start3A_298 = arith.constant 1 : i32
      %dma_start3A_299 = arith.constant 0 : i32
      %dma_start3A_300 = tpu.memref_slice %arg8[%dma_start3A_298, %dma_start3A_299] : memref<2x120xi32, #tpu.memory_space<vmem>> -> memref<1x120xi32, #tpu.memory_space<vmem>>
      %dma_start3A_301 = tpu.memref_squeeze %dma_start3A_300 : memref<1x120xi32, #tpu.memory_space<vmem>> -> memref<120xi32, #tpu.memory_space<vmem>>
      %dma_start3A_302 = arith.constant 0 : i32
      %dma_start3A_303 = arith.constant 0 : i32
      %dma_start3A_304 = tpu.memref_slice %arg14[%dma_start3A_302, %dma_start3A_303] : memref<10240x128xf32, #tpu.memory_space<vmem_shared>> -> memref<10240x128xf32, #tpu.memory_space<vmem_shared>>
      tpu.enqueue_indirect_dma source(%arg12 : memref<120x128xf32, #tpu.memory_space<vmem>>) target(%dma_start3A_304 : memref<10240x128xf32, #tpu.memory_space<vmem_shared>>) offsets(%dma_start3A_301 : memref<120xi32, #tpu.memory_space<vmem>>) semaphore(%arg19 : memref<!tpu.dma_semaphore, #tpu.memory_space<semaphore_mem>>) {add = true}
    }
    %scan3A_71 = arith.constant 26 : i32
    %dma_wait3A_72 = arith.constant 0 : i32
    %dma_wait3A_73 = arith.constant 0 : i32
    %dma_wait3A_74 = tpu.memref_slice %arg5[%dma_wait3A_72, %dma_wait3A_73] : memref<10240x128xf32, #tpu.memory_space<hbm>> -> memref<120x128xf32, #tpu.memory_space<hbm>>
    %dma_wait3A_75 = arith.constant 0 : i32
    %dma_wait3A_76 = arith.constant 0 : i32
    %dma_wait3A_77 = tpu.memref_slice %arg5[%dma_wait3A_75, %dma_wait3A_76] : memref<10240x128xf32, #tpu.memory_space<hbm>> -> memref<120x128xf32, #tpu.memory_space<hbm>>
    tpu.wait_dma2 semaphore(%arg18 : memref<!tpu.dma_semaphore, #tpu.memory_space<semaphore_mem>>) src(%dma_wait3A_77 : memref<120x128xf32, #tpu.memory_space<hbm>>) dst(%arg11 : memref<120x128xf32, #tpu.memory_space<vmem>>)
    %mul3A_78 = arith.constant 83 : i32
    %mul3A_79 = arith.muli %add3A, %mul3A_78 : i32
    %add3A_80 = arith.constant 81 : i32
    %add3A_81 = arith.addi %mul3A_79, %add3A_80 : i32
    %mul3A_82 = arith.constant 2 : i32
    %mul3A_83 = arith.muli %mul3A_82, %add3A_81 : i32
    "tpu.region"() ({
      %run_scoped3A_196 = tpu.sem_alloc : memref<!tpu.dma_semaphore, #tpu.memory_space<semaphore_mem>>
      %dma_start3A_197 = arith.constant 0 : i32
      %dma_start3A_198 = tpu.memref_slice %arg3[%mul3A_83, %dma_start3A_197] : memref<5312x120xi32, #tpu.memory_space<hbm>> -> memref<2x120xi32, #tpu.memory_space<hbm>>
      %dma_start3A_199 = arith.constant 0 : i32
      %dma_start3A_200 = tpu.memref_slice %arg3[%mul3A_83, %dma_start3A_199] : memref<5312x120xi32, #tpu.memory_space<hbm>> -> memref<2x120xi32, #tpu.memory_space<hbm>>
      tpu.enqueue_dma source(%dma_start3A_200 : memref<2x120xi32, #tpu.memory_space<hbm>>) target(%arg7 : memref<2x120xi32, #tpu.memory_space<vmem>>) target_semaphore(%run_scoped3A_196 : memref<!tpu.dma_semaphore, #tpu.memory_space<semaphore_mem>>)
      %dma_wait3A_201 = arith.constant 0 : i32
      %dma_wait3A_202 = tpu.memref_slice %arg3[%mul3A_83, %dma_wait3A_201] : memref<5312x120xi32, #tpu.memory_space<hbm>> -> memref<2x120xi32, #tpu.memory_space<hbm>>
      %dma_wait3A_203 = arith.constant 0 : i32
      %dma_wait3A_204 = tpu.memref_slice %arg3[%mul3A_83, %dma_wait3A_203] : memref<5312x120xi32, #tpu.memory_space<hbm>> -> memref<2x120xi32, #tpu.memory_space<hbm>>
      tpu.wait_dma2 semaphore(%run_scoped3A_196 : memref<!tpu.dma_semaphore, #tpu.memory_space<semaphore_mem>>) src(%dma_wait3A_204 : memref<2x120xi32, #tpu.memory_space<hbm>>) dst(%arg7 : memref<2x120xi32, #tpu.memory_space<vmem>>)
      tpu.yield
    }) : () -> ()
    %dma_start3A_84 = arith.constant 0 : i32
    %dma_start3A_85 = arith.constant 0 : i32
    %dma_start3A_86 = tpu.memref_slice %arg7[%dma_start3A_84, %dma_start3A_85] : memref<2x120xi32, #tpu.memory_space<vmem>> -> memref<1x120xi32, #tpu.memory_space<vmem>>
    %dma_start3A_87 = tpu.memref_squeeze %dma_start3A_86 : memref<1x120xi32, #tpu.memory_space<vmem>> -> memref<120xi32, #tpu.memory_space<vmem>>
    %dma_start3A_88 = arith.constant 0 : i32
    %dma_start3A_89 = arith.constant 0 : i32
    %dma_start3A_90 = tpu.memref_slice %arg2[%dma_start3A_88, %dma_start3A_89] : memref<10000x128xf32, #tpu.memory_space<hbm>> -> memref<10000x128xf32, #tpu.memory_space<hbm>>
    tpu.enqueue_indirect_dma source(%dma_start3A_90 : memref<10000x128xf32, #tpu.memory_space<hbm>>) target(%arg11 : memref<120x128xf32, #tpu.memory_space<vmem>>) offsets(%dma_start3A_87 : memref<120xi32, #tpu.memory_space<vmem>>) semaphore(%arg15 : memref<!tpu.dma_semaphore, #tpu.memory_space<semaphore_mem>>)
    %dma_wait3A_91 = arith.constant 0 : i32
    %dma_wait3A_92 = arith.constant 0 : i32
    %dma_wait3A_93 = tpu.memref_slice %arg9[%dma_wait3A_91, %dma_wait3A_92] : memref<2x120xi32, #tpu.memory_space<vmem>> -> memref<1x120xi32, #tpu.memory_space<vmem>>
    %dma_wait3A_94 = tpu.memref_squeeze %dma_wait3A_93 : memref<1x120xi32, #tpu.memory_space<vmem>> -> memref<120xi32, #tpu.memory_space<vmem>>
    %dma_wait3A_95 = arith.constant 0 : i32
    %dma_wait3A_96 = arith.constant 0 : i32
    %dma_wait3A_97 = tpu.memref_slice %arg2[%dma_wait3A_95, %dma_wait3A_96] : memref<10000x128xf32, #tpu.memory_space<hbm>> -> memref<10000x128xf32, #tpu.memory_space<hbm>>
    tpu.wait_indirect_dma semaphore(%arg17 : memref<!tpu.dma_semaphore, #tpu.memory_space<semaphore_mem>>) src(%dma_wait3A_97 : memref<10000x128xf32, #tpu.memory_space<hbm>>) dst(%arg13 : memref<120x128xf32, #tpu.memory_space<vmem>>)
    %dma_start3A_98 = arith.constant 1 : i32
    %dma_start3A_99 = arith.constant 0 : i32
    %dma_start3A_100 = tpu.memref_slice %arg9[%dma_start3A_98, %dma_start3A_99] : memref<2x120xi32, #tpu.memory_space<vmem>> -> memref<1x120xi32, #tpu.memory_space<vmem>>
    %dma_start3A_101 = tpu.memref_squeeze %dma_start3A_100 : memref<1x120xi32, #tpu.memory_space<vmem>> -> memref<120xi32, #tpu.memory_space<vmem>>
    %dma_start3A_102 = arith.constant 0 : i32
    %dma_start3A_103 = arith.constant 0 : i32
    %dma_start3A_104 = tpu.memref_slice %arg14[%dma_start3A_102, %dma_start3A_103] : memref<10240x128xf32, #tpu.memory_space<vmem_shared>> -> memref<10240x128xf32, #tpu.memory_space<vmem_shared>>
    tpu.enqueue_indirect_dma source(%arg13 : memref<120x128xf32, #tpu.memory_space<vmem>>) target(%dma_start3A_104 : memref<10240x128xf32, #tpu.memory_space<vmem_shared>>) offsets(%dma_start3A_101 : memref<120xi32, #tpu.memory_space<vmem>>) semaphore(%arg20 : memref<!tpu.dma_semaphore, #tpu.memory_space<semaphore_mem>>) {add = true}
    %dma_wait3A_105 = arith.constant 0 : i32
    %dma_wait3A_106 = arith.constant 0 : i32
    %dma_wait3A_107 = tpu.memref_slice %arg5[%dma_wait3A_105, %dma_wait3A_106] : memref<10240x128xf32, #tpu.memory_space<hbm>> -> memref<120x128xf32, #tpu.memory_space<hbm>>
    %dma_wait3A_108 = arith.constant 0 : i32
    %dma_wait3A_109 = arith.constant 0 : i32
    %dma_wait3A_110 = tpu.memref_slice %arg5[%dma_wait3A_108, %dma_wait3A_109] : memref<10240x128xf32, #tpu.memory_space<hbm>> -> memref<120x128xf32, #tpu.memory_space<hbm>>
    tpu.wait_dma2 semaphore(%arg19 : memref<!tpu.dma_semaphore, #tpu.memory_space<semaphore_mem>>) src(%dma_wait3A_110 : memref<120x128xf32, #tpu.memory_space<hbm>>) dst(%arg12 : memref<120x128xf32, #tpu.memory_space<vmem>>)
    %mul3A_111 = arith.constant 83 : i32
    %mul3A_112 = arith.muli %add3A, %mul3A_111 : i32
    %add3A_113 = arith.constant 82 : i32
    %add3A_114 = arith.addi %mul3A_112, %add3A_113 : i32
    %mul3A_115 = arith.constant 2 : i32
    %mul3A_116 = arith.muli %mul3A_115, %add3A_114 : i32
    "tpu.region"() ({
      %run_scoped3A_196 = tpu.sem_alloc : memref<!tpu.dma_semaphore, #tpu.memory_space<semaphore_mem>>
      %dma_start3A_197 = arith.constant 0 : i32
      %dma_start3A_198 = tpu.memref_slice %arg3[%mul3A_116, %dma_start3A_197] : memref<5312x120xi32, #tpu.memory_space<hbm>> -> memref<2x120xi32, #tpu.memory_space<hbm>>
      %dma_start3A_199 = arith.constant 0 : i32
      %dma_start3A_200 = tpu.memref_slice %arg3[%mul3A_116, %dma_start3A_199] : memref<5312x120xi32, #tpu.memory_space<hbm>> -> memref<2x120xi32, #tpu.memory_space<hbm>>
      tpu.enqueue_dma source(%dma_start3A_200 : memref<2x120xi32, #tpu.memory_space<hbm>>) target(%arg8 : memref<2x120xi32, #tpu.memory_space<vmem>>) target_semaphore(%run_scoped3A_196 : memref<!tpu.dma_semaphore, #tpu.memory_space<semaphore_mem>>)
      %dma_wait3A_201 = arith.constant 0 : i32
      %dma_wait3A_202 = tpu.memref_slice %arg3[%mul3A_116, %dma_wait3A_201] : memref<5312x120xi32, #tpu.memory_space<hbm>> -> memref<2x120xi32, #tpu.memory_space<hbm>>
      %dma_wait3A_203 = arith.constant 0 : i32
      %dma_wait3A_204 = tpu.memref_slice %arg3[%mul3A_116, %dma_wait3A_203] : memref<5312x120xi32, #tpu.memory_space<hbm>> -> memref<2x120xi32, #tpu.memory_space<hbm>>
      tpu.wait_dma2 semaphore(%run_scoped3A_196 : memref<!tpu.dma_semaphore, #tpu.memory_space<semaphore_mem>>) src(%dma_wait3A_204 : memref<2x120xi32, #tpu.memory_space<hbm>>) dst(%arg8 : memref<2x120xi32, #tpu.memory_space<vmem>>)
      tpu.yield
    }) : () -> ()
    %dma_start3A_117 = arith.constant 0 : i32
    %dma_start3A_118 = arith.constant 0 : i32
    %dma_start3A_119 = tpu.memref_slice %arg8[%dma_start3A_117, %dma_start3A_118] : memref<2x120xi32, #tpu.memory_space<vmem>> -> memref<1x120xi32, #tpu.memory_space<vmem>>
    %dma_start3A_120 = tpu.memref_squeeze %dma_start3A_119 : memref<1x120xi32, #tpu.memory_space<vmem>> -> memref<120xi32, #tpu.memory_space<vmem>>
    %dma_start3A_121 = arith.constant 0 : i32
    %dma_start3A_122 = arith.constant 0 : i32
    %dma_start3A_123 = tpu.memref_slice %arg2[%dma_start3A_121, %dma_start3A_122] : memref<10000x128xf32, #tpu.memory_space<hbm>> -> memref<10000x128xf32, #tpu.memory_space<hbm>>
    tpu.enqueue_indirect_dma source(%dma_start3A_123 : memref<10000x128xf32, #tpu.memory_space<hbm>>) target(%arg12 : memref<120x128xf32, #tpu.memory_space<vmem>>) offsets(%dma_start3A_120 : memref<120xi32, #tpu.memory_space<vmem>>) semaphore(%arg16 : memref<!tpu.dma_semaphore, #tpu.memory_space<semaphore_mem>>)
    %dma_wait3A_124 = arith.constant 0 : i32
    %dma_wait3A_125 = arith.constant 0 : i32
    %dma_wait3A_126 = tpu.memref_slice %arg7[%dma_wait3A_124, %dma_wait3A_125] : memref<2x120xi32, #tpu.memory_space<vmem>> -> memref<1x120xi32, #tpu.memory_space<vmem>>
    %dma_wait3A_127 = tpu.memref_squeeze %dma_wait3A_126 : memref<1x120xi32, #tpu.memory_space<vmem>> -> memref<120xi32, #tpu.memory_space<vmem>>
    %dma_wait3A_128 = arith.constant 0 : i32
    %dma_wait3A_129 = arith.constant 0 : i32
    %dma_wait3A_130 = tpu.memref_slice %arg2[%dma_wait3A_128, %dma_wait3A_129] : memref<10000x128xf32, #tpu.memory_space<hbm>> -> memref<10000x128xf32, #tpu.memory_space<hbm>>
    tpu.wait_indirect_dma semaphore(%arg15 : memref<!tpu.dma_semaphore, #tpu.memory_space<semaphore_mem>>) src(%dma_wait3A_130 : memref<10000x128xf32, #tpu.memory_space<hbm>>) dst(%arg11 : memref<120x128xf32, #tpu.memory_space<vmem>>)
    %dma_start3A_131 = arith.constant 1 : i32
    %dma_start3A_132 = arith.constant 0 : i32
    %dma_start3A_133 = tpu.memref_slice %arg7[%dma_start3A_131, %dma_start3A_132] : memref<2x120xi32, #tpu.memory_space<vmem>> -> memref<1x120xi32, #tpu.memory_space<vmem>>
    %dma_start3A_134 = tpu.memref_squeeze %dma_start3A_133 : memref<1x120xi32, #tpu.memory_space<vmem>> -> memref<120xi32, #tpu.memory_space<vmem>>
    %dma_start3A_135 = arith.constant 0 : i32
    %dma_start3A_136 = arith.constant 0 : i32
    %dma_start3A_137 = tpu.memref_slice %arg14[%dma_start3A_135, %dma_start3A_136] : memref<10240x128xf32, #tpu.memory_space<vmem_shared>> -> memref<10240x128xf32, #tpu.memory_space<vmem_shared>>
    tpu.enqueue_indirect_dma source(%arg11 : memref<120x128xf32, #tpu.memory_space<vmem>>) target(%dma_start3A_137 : memref<10240x128xf32, #tpu.memory_space<vmem_shared>>) offsets(%dma_start3A_134 : memref<120xi32, #tpu.memory_space<vmem>>) semaphore(%arg18 : memref<!tpu.dma_semaphore, #tpu.memory_space<semaphore_mem>>) {add = true}
    %dma_wait3A_138 = arith.constant 0 : i32
    %dma_wait3A_139 = arith.constant 0 : i32
    %dma_wait3A_140 = tpu.memref_slice %arg8[%dma_wait3A_138, %dma_wait3A_139] : memref<2x120xi32, #tpu.memory_space<vmem>> -> memref<1x120xi32, #tpu.memory_space<vmem>>
    %dma_wait3A_141 = tpu.memref_squeeze %dma_wait3A_140 : memref<1x120xi32, #tpu.memory_space<vmem>> -> memref<120xi32, #tpu.memory_space<vmem>>
    %dma_wait3A_142 = arith.constant 0 : i32
    %dma_wait3A_143 = arith.constant 0 : i32
    %dma_wait3A_144 = tpu.memref_slice %arg2[%dma_wait3A_142, %dma_wait3A_143] : memref<10000x128xf32, #tpu.memory_space<hbm>> -> memref<10000x128xf32, #tpu.memory_space<hbm>>
    tpu.wait_indirect_dma semaphore(%arg16 : memref<!tpu.dma_semaphore, #tpu.memory_space<semaphore_mem>>) src(%dma_wait3A_144 : memref<10000x128xf32, #tpu.memory_space<hbm>>) dst(%arg12 : memref<120x128xf32, #tpu.memory_space<vmem>>)
    %dma_start3A_145 = arith.constant 1 : i32
    %dma_start3A_146 = arith.constant 0 : i32
    %dma_start3A_147 = tpu.memref_slice %arg8[%dma_start3A_145, %dma_start3A_146] : memref<2x120xi32, #tpu.memory_space<vmem>> -> memref<1x120xi32, #tpu.memory_space<vmem>>
    %dma_start3A_148 = tpu.memref_squeeze %dma_start3A_147 : memref<1x120xi32, #tpu.memory_space<vmem>> -> memref<120xi32, #tpu.memory_space<vmem>>
    %dma_start3A_149 = arith.constant 0 : i32
    %dma_start3A_150 = arith.constant 0 : i32
    %dma_start3A_151 = tpu.memref_slice %arg14[%dma_start3A_149, %dma_start3A_150] : memref<10240x128xf32, #tpu.memory_space<vmem_shared>> -> memref<10240x128xf32, #tpu.memory_space<vmem_shared>>
    tpu.enqueue_indirect_dma source(%arg12 : memref<120x128xf32, #tpu.memory_space<vmem>>) target(%dma_start3A_151 : memref<10240x128xf32, #tpu.memory_space<vmem_shared>>) offsets(%dma_start3A_148 : memref<120xi32, #tpu.memory_space<vmem>>) semaphore(%arg19 : memref<!tpu.dma_semaphore, #tpu.memory_space<semaphore_mem>>) {add = true}
    %dma_wait3A_152 = arith.constant 0 : i32
    %dma_wait3A_153 = arith.constant 0 : i32
    %dma_wait3A_154 = tpu.memref_slice %arg5[%dma_wait3A_152, %dma_wait3A_153] : memref<10240x128xf32, #tpu.memory_space<hbm>> -> memref<120x128xf32, #tpu.memory_space<hbm>>
    %dma_wait3A_155 = arith.constant 0 : i32
    %dma_wait3A_156 = arith.constant 0 : i32
    %dma_wait3A_157 = tpu.memref_slice %arg5[%dma_wait3A_155, %dma_wait3A_156] : memref<10240x128xf32, #tpu.memory_space<hbm>> -> memref<120x128xf32, #tpu.memory_space<hbm>>
    tpu.wait_dma2 semaphore(%arg20 : memref<!tpu.dma_semaphore, #tpu.memory_space<semaphore_mem>>) src(%dma_wait3A_157 : memref<120x128xf32, #tpu.memory_space<hbm>>) dst(%arg13 : memref<120x128xf32, #tpu.memory_space<vmem>>)
    %dma_wait3A_158 = arith.constant 0 : i32
    %dma_wait3A_159 = arith.constant 0 : i32
    %dma_wait3A_160 = tpu.memref_slice %arg5[%dma_wait3A_158, %dma_wait3A_159] : memref<10240x128xf32, #tpu.memory_space<hbm>> -> memref<120x128xf32, #tpu.memory_space<hbm>>
    %dma_wait3A_161 = arith.constant 0 : i32
    %dma_wait3A_162 = arith.constant 0 : i32
    %dma_wait3A_163 = tpu.memref_slice %arg5[%dma_wait3A_161, %dma_wait3A_162] : memref<10240x128xf32, #tpu.memory_space<hbm>> -> memref<120x128xf32, #tpu.memory_space<hbm>>
    tpu.wait_dma2 semaphore(%arg18 : memref<!tpu.dma_semaphore, #tpu.memory_space<semaphore_mem>>) src(%dma_wait3A_163 : memref<120x128xf32, #tpu.memory_space<hbm>>) dst(%arg11 : memref<120x128xf32, #tpu.memory_space<vmem>>)
    %dma_wait3A_164 = arith.constant 0 : i32
    %dma_wait3A_165 = arith.constant 0 : i32
    %dma_wait3A_166 = tpu.memref_slice %arg5[%dma_wait3A_164, %dma_wait3A_165] : memref<10240x128xf32, #tpu.memory_space<hbm>> -> memref<120x128xf32, #tpu.memory_space<hbm>>
    %dma_wait3A_167 = arith.constant 0 : i32
    %dma_wait3A_168 = arith.constant 0 : i32
    %dma_wait3A_169 = tpu.memref_slice %arg5[%dma_wait3A_167, %dma_wait3A_168] : memref<10240x128xf32, #tpu.memory_space<hbm>> -> memref<120x128xf32, #tpu.memory_space<hbm>>
    tpu.wait_dma2 semaphore(%arg19 : memref<!tpu.dma_semaphore, #tpu.memory_space<semaphore_mem>>) src(%dma_wait3A_169 : memref<120x128xf32, #tpu.memory_space<hbm>>) dst(%arg12 : memref<120x128xf32, #tpu.memory_space<vmem>>)
    %mul3A_170 = arith.constant 2 : i32
    %mul3A_171 = arith.muli %mul3A_170, %add3A : i32
    "tpu.region"() ({
      %run_scoped3A_196 = tpu.sem_alloc : memref<!tpu.dma_semaphore, #tpu.memory_space<semaphore_mem>>
      %dma_start3A_197 = arith.constant 0 : i32
      %dma_start3A_198 = tpu.memref_slice %arg4[%mul3A_171, %dma_start3A_197] : memref<64x40xi32, #tpu.memory_space<hbm>> -> memref<2x40xi32, #tpu.memory_space<hbm>>
      %dma_start3A_199 = arith.constant 0 : i32
      %dma_start3A_200 = tpu.memref_slice %arg4[%mul3A_171, %dma_start3A_199] : memref<64x40xi32, #tpu.memory_space<hbm>> -> memref<2x40xi32, #tpu.memory_space<hbm>>
      tpu.enqueue_dma source(%dma_start3A_200 : memref<2x40xi32, #tpu.memory_space<hbm>>) target(%arg10 : memref<2x40xi32, #tpu.memory_space<vmem>>) target_semaphore(%run_scoped3A_196 : memref<!tpu.dma_semaphore, #tpu.memory_space<semaphore_mem>>)
      %dma_wait3A_201 = arith.constant 0 : i32
      %dma_wait3A_202 = tpu.memref_slice %arg4[%mul3A_171, %dma_wait3A_201] : memref<64x40xi32, #tpu.memory_space<hbm>> -> memref<2x40xi32, #tpu.memory_space<hbm>>
      %dma_wait3A_203 = arith.constant 0 : i32
      %dma_wait3A_204 = tpu.memref_slice %arg4[%mul3A_171, %dma_wait3A_203] : memref<64x40xi32, #tpu.memory_space<hbm>> -> memref<2x40xi32, #tpu.memory_space<hbm>>
      tpu.wait_dma2 semaphore(%run_scoped3A_196 : memref<!tpu.dma_semaphore, #tpu.memory_space<semaphore_mem>>) src(%dma_wait3A_204 : memref<2x40xi32, #tpu.memory_space<hbm>>) dst(%arg10 : memref<2x40xi32, #tpu.memory_space<vmem>>)
      tpu.yield
    }) : () -> ()
    %dma_start3A_172 = arith.constant 0 : i32
    %dma_start3A_173 = arith.constant 0 : i32
    %dma_start3A_174 = arith.constant 0 : i32
    %dma_start3A_175 = tpu.memref_slice %arg11[%dma_start3A_173, %dma_start3A_174] : memref<120x128xf32, #tpu.memory_space<vmem>> -> memref<40x128xf32, #tpu.memory_space<vmem>>
    %dma_start3A_176 = arith.constant 0 : i32
    %dma_start3A_177 = tpu.memref_slice %arg10[%dma_start3A_172, %dma_start3A_176] : memref<2x40xi32, #tpu.memory_space<vmem>> -> memref<1x40xi32, #tpu.memory_space<vmem>>
    %dma_start3A_178 = tpu.memref_squeeze %dma_start3A_177 : memref<1x40xi32, #tpu.memory_space<vmem>> -> memref<40xi32, #tpu.memory_space<vmem>>
    %dma_start3A_179 = arith.constant 0 : i32
    %dma_start3A_180 = arith.constant 0 : i32
    %dma_start3A_181 = tpu.memref_slice %arg2[%dma_start3A_179, %dma_start3A_180] : memref<10000x128xf32, #tpu.memory_space<hbm>> -> memref<10000x128xf32, #tpu.memory_space<hbm>>
    tpu.enqueue_indirect_dma source(%dma_start3A_181 : memref<10000x128xf32, #tpu.memory_space<hbm>>) target(%dma_start3A_175 : memref<40x128xf32, #tpu.memory_space<vmem>>) offsets(%dma_start3A_178 : memref<40xi32, #tpu.memory_space<vmem>>) semaphore(%arg15 : memref<!tpu.dma_semaphore, #tpu.memory_space<semaphore_mem>>)
    %dma_wait3A_182 = arith.constant 0 : i32
    %dma_wait3A_183 = arith.constant 0 : i32
    %dma_wait3A_184 = arith.constant 0 : i32
    %dma_wait3A_185 = tpu.memref_slice %arg11[%dma_wait3A_183, %dma_wait3A_184] : memref<120x128xf32, #tpu.memory_space<vmem>> -> memref<40x128xf32, #tpu.memory_space<vmem>>
    %dma_wait3A_186 = arith.constant 0 : i32
    %dma_wait3A_187 = tpu.memref_slice %arg10[%dma_wait3A_182, %dma_wait3A_186] : memref<2x40xi32, #tpu.memory_space<vmem>> -> memref<1x40xi32, #tpu.memory_space<vmem>>
    %dma_wait3A_188 = tpu.memref_squeeze %dma_wait3A_187 : memref<1x40xi32, #tpu.memory_space<vmem>> -> memref<40xi32, #tpu.memory_space<vmem>>
    %dma_wait3A_189 = arith.constant 0 : i32
    %dma_wait3A_190 = arith.constant 0 : i32
    %dma_wait3A_191 = tpu.memref_slice %arg2[%dma_wait3A_189, %dma_wait3A_190] : memref<10000x128xf32, #tpu.memory_space<hbm>> -> memref<10000x128xf32, #tpu.memory_space<hbm>>
    tpu.wait_indirect_dma semaphore(%arg15 : memref<!tpu.dma_semaphore, #tpu.memory_space<semaphore_mem>>) src(%dma_wait3A_191 : memref<10000x128xf32, #tpu.memory_space<hbm>>) dst(%dma_wait3A_185 : memref<40x128xf32, #tpu.memory_space<vmem>>)
    %run_scoped3A = arith.constant 1 : i32
    "tpu.region"() ({
      %run_scoped3A_196 = tpu.sem_alloc : memref<!tpu.dma_semaphore, #tpu.memory_space<semaphore_mem>>
      %dma_start3A_197 = arith.constant 0 : i32
      %dma_start3A_198 = arith.constant 0 : i32
      %dma_start3A_199 = tpu.memref_slice %arg11[%dma_start3A_197, %dma_start3A_198] : memref<120x128xf32, #tpu.memory_space<vmem>> -> memref<40x128xf32, #tpu.memory_space<vmem>>
      %dma_start3A_200 = arith.constant 0 : i32
      %dma_start3A_201 = tpu.memref_slice %arg10[%run_scoped3A, %dma_start3A_200] : memref<2x40xi32, #tpu.memory_space<vmem>> -> memref<1x40xi32, #tpu.memory_space<vmem>>
      %dma_start3A_202 = tpu.memref_squeeze %dma_start3A_201 : memref<1x40xi32, #tpu.memory_space<vmem>> -> memref<40xi32, #tpu.memory_space<vmem>>
      %dma_start3A_203 = arith.constant 0 : i32
      %dma_start3A_204 = arith.constant 0 : i32
      %dma_start3A_205 = tpu.memref_slice %arg14[%dma_start3A_203, %dma_start3A_204] : memref<10240x128xf32, #tpu.memory_space<vmem_shared>> -> memref<10240x128xf32, #tpu.memory_space<vmem_shared>>
      tpu.enqueue_indirect_dma source(%dma_start3A_199 : memref<40x128xf32, #tpu.memory_space<vmem>>) target(%dma_start3A_205 : memref<10240x128xf32, #tpu.memory_space<vmem_shared>>) offsets(%dma_start3A_202 : memref<40xi32, #tpu.memory_space<vmem>>) semaphore(%run_scoped3A_196 : memref<!tpu.dma_semaphore, #tpu.memory_space<semaphore_mem>>) {add = true}
      %dma_wait3A_206 = arith.constant 0 : i32
      %dma_wait3A_207 = arith.constant 0 : i32
      %dma_wait3A_208 = tpu.memref_slice %arg11[%dma_wait3A_206, %dma_wait3A_207] : memref<120x128xf32, #tpu.memory_space<vmem>> -> memref<40x128xf32, #tpu.memory_space<vmem>>
      %dma_wait3A_209 = arith.constant 0 : i32
      %dma_wait3A_210 = tpu.memref_slice %arg10[%run_scoped3A, %dma_wait3A_209] : memref<2x40xi32, #tpu.memory_space<vmem>> -> memref<1x40xi32, #tpu.memory_space<vmem>>
      %dma_wait3A_211 = tpu.memref_squeeze %dma_wait3A_210 : memref<1x40xi32, #tpu.memory_space<vmem>> -> memref<40xi32, #tpu.memory_space<vmem>>
      %dma_wait3A_212 = arith.constant 0 : i32
      %dma_wait3A_213 = arith.constant 0 : i32
      %dma_wait3A_214 = tpu.memref_slice %arg14[%dma_wait3A_212, %dma_wait3A_213] : memref<10240x128xf32, #tpu.memory_space<vmem_shared>> -> memref<10240x128xf32, #tpu.memory_space<vmem_shared>>
      tpu.wait_indirect_dma semaphore(%run_scoped3A_196 : memref<!tpu.dma_semaphore, #tpu.memory_space<semaphore_mem>>) src(%dma_wait3A_208 : memref<40x128xf32, #tpu.memory_space<vmem>>) dst(%dma_wait3A_214 : memref<10240x128xf32, #tpu.memory_space<vmem_shared>>)
      tpu.yield
    }) : () -> ()
    %barrier3A_192 = arith.constant 0 : index
    tpu.barrier barrier_id(%barrier3A_192)
    %mul3A_193 = arith.constant 10240 : i32
    %mul3A_194 = arith.muli %arg0, %mul3A_193 : i32
    %add3A_195 = arith.addi %mul3A_194, %mul3A_0 : i32
    "tpu.region"() ({
      %run_scoped3A_196 = tpu.sem_alloc : memref<!tpu.dma_semaphore, #tpu.memory_space<semaphore_mem>>
      %dma_start3A_197 = arith.constant 0 : i32
      %dma_start3A_198 = tpu.memref_slice %arg6[%add3A_195, %dma_start3A_197] : memref<20480x128xf32, #tpu.memory_space<hbm>> -> memref<640x128xf32, #tpu.memory_space<hbm>>
      %dma_start3A_199 = arith.constant 0 : i32
      %dma_start3A_200 = tpu.memref_slice %arg14[%mul3A_0, %dma_start3A_199] : memref<10240x128xf32, #tpu.memory_space<vmem_shared>> -> memref<640x128xf32, #tpu.memory_space<vmem_shared>>
      tpu.enqueue_dma source(%dma_start3A_200 : memref<640x128xf32, #tpu.memory_space<vmem_shared>>) target(%dma_start3A_198 : memref<640x128xf32, #tpu.memory_space<hbm>>) target_semaphore(%run_scoped3A_196 : memref<!tpu.dma_semaphore, #tpu.memory_space<semaphore_mem>>)
      %dma_wait3A_201 = arith.constant 0 : i32
      %dma_wait3A_202 = tpu.memref_slice %arg6[%add3A_195, %dma_wait3A_201] : memref<20480x128xf32, #tpu.memory_space<hbm>> -> memref<640x128xf32, #tpu.memory_space<hbm>>
      %dma_wait3A_203 = arith.constant 0 : i32
      %dma_wait3A_204 = tpu.memref_slice %arg14[%mul3A_0, %dma_wait3A_203] : memref<10240x128xf32, #tpu.memory_space<vmem_shared>> -> memref<640x128xf32, #tpu.memory_space<vmem_shared>>
      tpu.wait_dma2 semaphore(%run_scoped3A_196 : memref<!tpu.dma_semaphore, #tpu.memory_space<semaphore_mem>>) src(%dma_wait3A_204 : memref<640x128xf32, #tpu.memory_space<vmem_shared>>) dst(%dma_wait3A_202 : memref<640x128xf32, #tpu.memory_space<hbm>>)
      tpu.yield
    }) : () -> ()
    return
  }
}

module attributes {stable_mosaic.version = 14 : i64} {
  func.func @_hs1_body(%arg0: i32, %arg1: memref<1280x128xf32, #tpu.memory_space<vmem>>, %arg2: memref<128x128xf32, #tpu.memory_space<vmem>>, %arg3: memref<1280x1xf32, #tpu.memory_space<vmem>>, %arg4: memref<1280x1xf32, #tpu.memory_space<vmem>>, %arg5: memref<1280x128xf32, #tpu.memory_space<vmem>>, %arg6: memref<1280x1xf32, #tpu.memory_space<vmem>>) attributes {dimension_semantics = [#tpu.dimension_semantics<arbitrary>], iteration_bounds = array<i64: 8>, scalar_prefetch = 0 : i64, scratch_operands = 0 : i64, tpu.core_type = #tpu.core_type<tc>, window_params = [{transform_indices = @transform_0, window_bounds = array<i64: 1280, 128>}, {pipeline_mode = #tpu.pipeline_mode<synchronous>, transform_indices = @transform_1, window_bounds = array<i64: 128, 128>}, {transform_indices = @transform_2, window_bounds = array<i64: 1280, 1>}, {transform_indices = @transform_3, window_bounds = array<i64: 1280, 1>}, {transform_indices = @transform_4, window_bounds = array<i64: 1280, 128>}, {transform_indices = @transform_5, window_bounds = array<i64: 1280, 1>}]} {
    %get3A = arith.constant 0 : index
    %get3A_0 = arith.constant 0 : index
    %get3A_1 = vector.load %arg3[%get3A, %get3A_0] : memref<1280x1xf32, #tpu.memory_space<vmem>>, vector<1280x1xf32>
    %get3A_2 = arith.constant 0 : index
    %get3A_3 = arith.constant 0 : index
    %get3A_4 = vector.load %arg4[%get3A_2, %get3A_3] : memref<1280x1xf32, #tpu.memory_space<vmem>>, vector<1280x1xf32>
    %add3A = arith.addf %get3A_1, %get3A_4 : vector<1280x1xf32>
    %add3A_5 = arith.constant 1.000000e+00 : f32
    %add3A_6 = vector.broadcast %add3A_5 : f32 to vector<1280x1xf32>
    %add3A_7 = arith.addf %add3A, %add3A_6 : vector<1280x1xf32>
    %rsqrt3A = math.rsqrt %add3A_7 : vector<1280x1xf32>
    %swap3A = arith.constant 0 : index
    %swap3A_8 = arith.constant 0 : index
    %swap3A_9 = vector.load %arg6[%swap3A, %swap3A_8] : memref<1280x1xf32, #tpu.memory_space<vmem>>, vector<1280x1xf32>
    tpu.vector_store %arg6[%swap3A, %swap3A_8], %rsqrt3A {strides = array<i32>} : memref<1280x1xf32, #tpu.memory_space<vmem>>, vector<1280x1xf32>,
    %get3A_10 = arith.constant 0 : index
    %get3A_11 = arith.constant 0 : index
    %get3A_12 = vector.load %arg1[%get3A_10, %get3A_11] : memref<1280x128xf32, #tpu.memory_space<vmem>>, vector<1280x128xf32>
    %get3A_13 = arith.constant 0 : index
    %get3A_14 = arith.constant 0 : index
    %get3A_15 = vector.load %arg2[%get3A_13, %get3A_14] : memref<128x128xf32, #tpu.memory_space<vmem>>, vector<128x128xf32>
    %dot_general3A = arith.constant dense<0.000000e+00> : vector<1280x128xf32>
    %dot_general3A_16 = tpu.matmul %get3A_12, %get3A_15, %dot_general3A {dimension_numbers = #tpu.dot_dimension_numbers<[1], [0], [0], [1], [0, 0, 1, 1], [], []>, transpose_lhs_hint = false} : vector<1280x128xf32>, vector<128x128xf32>, vector<1280x128xf32> -> vector<1280x128xf32>
    %mul3A = vector.broadcast %rsqrt3A : vector<1280x1xf32> to vector<1280x128xf32>
    %mul3A_17 = arith.mulf %dot_general3A_16, %mul3A : vector<1280x128xf32>
    %swap3A_18 = arith.constant 0 : index
    %swap3A_19 = arith.constant 0 : index
    %swap3A_20 = vector.load %arg5[%swap3A_18, %swap3A_19] : memref<1280x128xf32, #tpu.memory_space<vmem>>, vector<1280x128xf32>
    tpu.vector_store %arg5[%swap3A_18, %swap3A_19], %mul3A_17 {strides = array<i32>} : memref<1280x128xf32, #tpu.memory_space<vmem>>, vector<1280x128xf32>,
    return
  }
  func.func @transform_0(%arg0: i32) -> (i32, i32) {
    %c0_i32 = arith.constant 0 : i32
    %c0_i32_0 = arith.constant 0 : i32
    return %arg0, %c0_i32 : i32, i32
  }
  func.func @transform_1(%arg0: i32) -> (i32, i32) {
    %c0_i32 = arith.constant 0 : i32
    %c0_i32_0 = arith.constant 0 : i32
    %c0_i32_1 = arith.constant 0 : i32
    return %c0_i32, %c0_i32_0 : i32, i32
  }
  func.func @transform_2(%arg0: i32) -> (i32, i32) {
    %c0_i32 = arith.constant 0 : i32
    %c0_i32_0 = arith.constant 0 : i32
    return %arg0, %c0_i32 : i32, i32
  }
  func.func @transform_3(%arg0: i32) -> (i32, i32) {
    %add3A = arith.constant 8 : i32
    %add3A_0 = arith.addi %add3A, %arg0 : i32
    %c0_i32 = arith.constant 0 : i32
    %c0_i32_1 = arith.constant 0 : i32
    return %add3A_0, %c0_i32 : i32, i32
  }
  func.func @transform_4(%arg0: i32) -> (i32, i32) {
    %c0_i32 = arith.constant 0 : i32
    %c0_i32_0 = arith.constant 0 : i32
    return %arg0, %c0_i32 : i32, i32
  }
  func.func @transform_5(%arg0: i32) -> (i32, i32) {
    %c0_i32 = arith.constant 0 : i32
    %c0_i32_0 = arith.constant 0 : i32
    return %arg0, %c0_i32 : i32, i32
  }
}

module attributes {stable_mosaic.version = 14 : i64} {
  func.func @_mid_body(%arg0: i32, %arg1: memref<1280x128xf32, #tpu.memory_space<vmem>>, %arg2: memref<1280x128xf32, #tpu.memory_space<vmem>>, %arg3: memref<1280x128xf32, #tpu.memory_space<vmem>>, %arg4: memref<1280x1xf32, #tpu.memory_space<vmem>>, %arg5: memref<128x128xf32, #tpu.memory_space<vmem>>, %arg6: memref<1x128xf32, #tpu.memory_space<vmem>>, %arg7: memref<1280x128xf32, #tpu.memory_space<vmem>>) attributes {dimension_semantics = [#tpu.dimension_semantics<arbitrary>], iteration_bounds = array<i64: 8>, scalar_prefetch = 0 : i64, scratch_operands = 0 : i64, tpu.core_type = #tpu.core_type<tc>, window_params = [{transform_indices = @transform_0, window_bounds = array<i64: 1280, 128>}, {transform_indices = @transform_1, window_bounds = array<i64: 1280, 128>}, {transform_indices = @transform_2, window_bounds = array<i64: 1280, 128>}, {transform_indices = @transform_3, window_bounds = array<i64: 1280, 1>}, {pipeline_mode = #tpu.pipeline_mode<synchronous>, transform_indices = @transform_4, window_bounds = array<i64: 128, 128>}, {pipeline_mode = #tpu.pipeline_mode<synchronous>, transform_indices = @transform_5, window_bounds = array<i64: 1, 128>}, {transform_indices = @transform_6, window_bounds = array<i64: 1280, 128>}]} {
    %get3A = arith.constant 0 : index
    %get3A_0 = arith.constant 0 : index
    %get3A_1 = vector.load %arg4[%get3A, %get3A_0] : memref<1280x1xf32, #tpu.memory_space<vmem>>, vector<1280x1xf32>
    %get3A_2 = arith.constant 0 : index
    %get3A_3 = arith.constant 0 : index
    %get3A_4 = vector.load %arg1[%get3A_2, %get3A_3] : memref<1280x128xf32, #tpu.memory_space<vmem>>, vector<1280x128xf32>
    %get3A_5 = arith.constant 0 : index
    %get3A_6 = arith.constant 0 : index
    %get3A_7 = vector.load %arg2[%get3A_5, %get3A_6] : memref<1280x128xf32, #tpu.memory_space<vmem>>, vector<1280x128xf32>
    %add3A = arith.addf %get3A_4, %get3A_7 : vector<1280x128xf32>
    %get3A_8 = arith.constant 0 : index
    %get3A_9 = arith.constant 0 : index
    %get3A_10 = vector.load %arg3[%get3A_8, %get3A_9] : memref<1280x128xf32, #tpu.memory_space<vmem>>, vector<1280x128xf32>
    %add3A_11 = arith.addf %add3A, %get3A_10 : vector<1280x128xf32>
    %mul3A = vector.broadcast %get3A_1 : vector<1280x1xf32> to vector<1280x128xf32>
    %mul3A_12 = arith.mulf %mul3A, %add3A_11 : vector<1280x128xf32>
    %get3A_13 = arith.constant 0 : index
    %get3A_14 = arith.constant 0 : index
    %get3A_15 = vector.load %arg6[%get3A_13, %get3A_14] : memref<1x128xf32, #tpu.memory_space<vmem>>, vector<1x128xf32>
    %add3A_16 = vector.broadcast %get3A_15 : vector<1x128xf32> to vector<1280x128xf32>
    %add3A_17 = arith.addf %mul3A_12, %add3A_16 : vector<1280x128xf32>
    %max3A = arith.constant 0.000000e+00 : f32
    %max3A_18 = vector.broadcast %max3A : f32 to vector<1280x128xf32>
    %max3A_19 = arith.maximumf %add3A_17, %max3A_18 : vector<1280x128xf32>
    %get3A_20 = arith.constant 0 : index
    %get3A_21 = arith.constant 0 : index
    %get3A_22 = vector.load %arg5[%get3A_20, %get3A_21] : memref<128x128xf32, #tpu.memory_space<vmem>>, vector<128x128xf32>
    %dot_general3A = arith.constant dense<0.000000e+00> : vector<1280x128xf32>
    %dot_general3A_23 = tpu.matmul %max3A_19, %get3A_22, %dot_general3A {dimension_numbers = #tpu.dot_dimension_numbers<[1], [0], [0], [1], [0, 0, 1, 1], [], []>, transpose_lhs_hint = false} : vector<1280x128xf32>, vector<128x128xf32>, vector<1280x128xf32> -> vector<1280x128xf32>
    %mul3A_24 = vector.broadcast %get3A_1 : vector<1280x1xf32> to vector<1280x128xf32>
    %mul3A_25 = arith.mulf %dot_general3A_23, %mul3A_24 : vector<1280x128xf32>
    %swap3A = arith.constant 0 : index
    %swap3A_26 = arith.constant 0 : index
    %swap3A_27 = vector.load %arg7[%swap3A, %swap3A_26] : memref<1280x128xf32, #tpu.memory_space<vmem>>, vector<1280x128xf32>
    tpu.vector_store %arg7[%swap3A, %swap3A_26], %mul3A_25 {strides = array<i32>} : memref<1280x128xf32, #tpu.memory_space<vmem>>, vector<1280x128xf32>,
    return
  }
  func.func @transform_0(%arg0: i32) -> (i32, i32) {
    %c0_i32 = arith.constant 0 : i32
    %c0_i32_0 = arith.constant 0 : i32
    return %arg0, %c0_i32 : i32, i32
  }
  func.func @transform_1(%arg0: i32) -> (i32, i32) {
    %add3A = arith.constant 8 : i32
    %add3A_0 = arith.addi %add3A, %arg0 : i32
    %c0_i32 = arith.constant 0 : i32
    %c0_i32_1 = arith.constant 0 : i32
    return %add3A_0, %c0_i32 : i32, i32
  }
  func.func @transform_2(%arg0: i32) -> (i32, i32) {
    %c0_i32 = arith.constant 0 : i32
    %c0_i32_0 = arith.constant 0 : i32
    return %arg0, %c0_i32 : i32, i32
  }
  func.func @transform_3(%arg0: i32) -> (i32, i32) {
    %c0_i32 = arith.constant 0 : i32
    %c0_i32_0 = arith.constant 0 : i32
    return %arg0, %c0_i32 : i32, i32
  }
  func.func @transform_4(%arg0: i32) -> (i32, i32) {
    %c0_i32 = arith.constant 0 : i32
    %c0_i32_0 = arith.constant 0 : i32
    %c0_i32_1 = arith.constant 0 : i32
    return %c0_i32, %c0_i32_0 : i32, i32
  }
  func.func @transform_5(%arg0: i32) -> (i32, i32) {
    %c0_i32 = arith.constant 0 : i32
    %c0_i32_0 = arith.constant 0 : i32
    %c0_i32_1 = arith.constant 0 : i32
    return %c0_i32, %c0_i32_0 : i32, i32
  }
  func.func @transform_6(%arg0: i32) -> (i32, i32) {
    %c0_i32 = arith.constant 0 : i32
    %c0_i32_0 = arith.constant 0 : i32
    return %arg0, %c0_i32 : i32, i32
  }
}

module attributes {stable_mosaic.version = 14 : i64} {
  func.func @_final_body(%arg0: i32, %arg1: memref<1280x128xf32, #tpu.memory_space<vmem>>, %arg2: memref<1280x128xf32, #tpu.memory_space<vmem>>, %arg3: memref<1280x128xf32, #tpu.memory_space<vmem>>, %arg4: memref<1280x1xf32, #tpu.memory_space<vmem>>, %arg5: memref<1x128xf32, #tpu.memory_space<vmem>>, %arg6: memref<1280x1xi32, #tpu.memory_space<vmem>>, %arg7: memref<128x10xf32, #tpu.memory_space<vmem>>, %arg8: memref<1x10xf32, #tpu.memory_space<vmem>>, %arg9: memref<64x10xf32, #tpu.memory_space<vmem>>, %arg10: memref<64x128xf32, #tpu.memory_space<vmem>>, %arg11: memref<64x128xf32, #tpu.memory_space<vmem>>, %arg12: memref<64x128xf32, #tpu.memory_space<vmem>>) attributes {dimension_semantics = [#tpu.dimension_semantics<arbitrary>], iteration_bounds = array<i64: 8>, scalar_prefetch = 0 : i64, scratch_operands = 2 : i64, tpu.core_type = #tpu.core_type<tc>, window_params = [{transform_indices = @transform_0, window_bounds = array<i64: 1280, 128>}, {transform_indices = @transform_1, window_bounds = array<i64: 1280, 128>}, {transform_indices = @transform_2, window_bounds = array<i64: 1280, 128>}, {transform_indices = @transform_3, window_bounds = array<i64: 1280, 1>}, {pipeline_mode = #tpu.pipeline_mode<synchronous>, transform_indices = @transform_4, window_bounds = array<i64: 1, 128>}, {transform_indices = @transform_5, window_bounds = array<i64: 1280, 1>}, {pipeline_mode = #tpu.pipeline_mode<synchronous>, transform_indices = @transform_6, window_bounds = array<i64: 128, 10>}, {pipeline_mode = #tpu.pipeline_mode<synchronous>, transform_indices = @transform_7, window_bounds = array<i64: 1, 10>}, {pipeline_mode = #tpu.pipeline_mode<synchronous>, transform_indices = @transform_8, window_bounds = array<i64: 64, 10>}, {pipeline_mode = #tpu.pipeline_mode<synchronous>, transform_indices = @transform_9, window_bounds = array<i64: 64, 128>}]} {
    %eq3A = arith.constant 0 : i32
    %eq3A_0 = arith.cmpi eq, %arg0, %eq3A : i32
    %convert_element_type3A = arith.extui %eq3A_0 : i1 to i32
    %cond3A = arith.constant 0 : i32
    %cond3A_1 = arith.cmpi ne, %convert_element_type3A, %cond3A : i32
    scf.if %cond3A_1 {
      %broadcast_in_dim3A_62 = arith.constant 0.000000e+00 : f32
      %broadcast_in_dim3A_63 = vector.broadcast %broadcast_in_dim3A_62 : f32 to vector<64x128xf32>
      %swap3A_64 = arith.constant 0 : index
      %swap3A_65 = arith.constant 0 : index
      %swap3A_66 = vector.load %arg11[%swap3A_64, %swap3A_65] : memref<64x128xf32, #tpu.memory_space<vmem>>, vector<64x128xf32>
      tpu.vector_store %arg11[%swap3A_64, %swap3A_65], %broadcast_in_dim3A_63 {strides = array<i32>} : memref<64x128xf32, #tpu.memory_space<vmem>>, vector<64x128xf32>,
      %broadcast_in_dim3A_67 = arith.constant 0.000000e+00 : f32
      %broadcast_in_dim3A_68 = vector.broadcast %broadcast_in_dim3A_67 : f32 to vector<64x128xf32>
      %swap3A_69 = arith.constant 0 : index
      %swap3A_70 = arith.constant 0 : index
      %swap3A_71 = vector.load %arg12[%swap3A_69, %swap3A_70] : memref<64x128xf32, #tpu.memory_space<vmem>>, vector<64x128xf32>
      tpu.vector_store %arg12[%swap3A_69, %swap3A_70], %broadcast_in_dim3A_68 {strides = array<i32>} : memref<64x128xf32, #tpu.memory_space<vmem>>, vector<64x128xf32>,
    } else {
    }
    %get3A = arith.constant 0 : index
    %get3A_2 = arith.constant 0 : index
    %get3A_3 = vector.load %arg4[%get3A, %get3A_2] : memref<1280x1xf32, #tpu.memory_space<vmem>>, vector<1280x1xf32>
    %get3A_4 = arith.constant 0 : index
    %get3A_5 = arith.constant 0 : index
    %get3A_6 = vector.load %arg1[%get3A_4, %get3A_5] : memref<1280x128xf32, #tpu.memory_space<vmem>>, vector<1280x128xf32>
    %get3A_7 = arith.constant 0 : index
    %get3A_8 = arith.constant 0 : index
    %get3A_9 = vector.load %arg2[%get3A_7, %get3A_8] : memref<1280x128xf32, #tpu.memory_space<vmem>>, vector<1280x128xf32>
    %add3A = arith.addf %get3A_6, %get3A_9 : vector<1280x128xf32>
    %get3A_10 = arith.constant 0 : index
    %get3A_11 = arith.constant 0 : index
    %get3A_12 = vector.load %arg3[%get3A_10, %get3A_11] : memref<1280x128xf32, #tpu.memory_space<vmem>>, vector<1280x128xf32>
    %add3A_13 = arith.addf %add3A, %get3A_12 : vector<1280x128xf32>
    %mul3A = vector.broadcast %get3A_3 : vector<1280x1xf32> to vector<1280x128xf32>
    %mul3A_14 = arith.mulf %mul3A, %add3A_13 : vector<1280x128xf32>
    %get3A_15 = arith.constant 0 : index
    %get3A_16 = arith.constant 0 : index
    %get3A_17 = vector.load %arg5[%get3A_15, %get3A_16] : memref<1x128xf32, #tpu.memory_space<vmem>>, vector<1x128xf32>
    %add3A_18 = vector.broadcast %get3A_17 : vector<1x128xf32> to vector<1280x128xf32>
    %add3A_19 = arith.addf %mul3A_14, %add3A_18 : vector<1280x128xf32>
    %max3A = arith.constant 0.000000e+00 : f32
    %max3A_20 = vector.broadcast %max3A : f32 to vector<1280x128xf32>
    %max3A_21 = arith.maximumf %add3A_19, %max3A_20 : vector<1280x128xf32>
    %mul3A_22 = arith.constant 1280 : i32
    %mul3A_23 = arith.muli %arg0, %mul3A_22 : i32
    %iota3A = tpu.iota {dimensions = array<i32: 0>} : vector<1280x1xi32>
    %add3A_24 = vector.broadcast %mul3A_23 : i32 to vector<1280x1xi32>
    %add3A_25 = arith.addi %add3A_24, %iota3A : vector<1280x1xi32>
    %lt3A = arith.constant 10000 : i32
    %lt3A_26 = vector.broadcast %lt3A : i32 to vector<1280x1xi32>
    %lt3A_27 = arith.cmpi slt, %add3A_25, %lt3A_26 : vector<1280x1xi32>
    %jit3A = arith.constant 0.000000e+00 : f32
    %broadcast_in_dim3A = vector.shape_cast %lt3A_27 : vector<1280x1xi1> to vector<1280x1xi1>
    %broadcast_in_dim3A_28 = vector.broadcast %broadcast_in_dim3A : vector<1280x1xi1> to vector<1280x128xi1>
    %broadcast_in_dim3A_29 = vector.broadcast %jit3A : f32 to vector<1280x128xf32>
    %select_n3A = arith.select %broadcast_in_dim3A_28, %max3A_21, %broadcast_in_dim3A_29 : vector<1280x128xi1>, vector<1280x128xf32>
    %get3A_30 = arith.constant 0 : index
    %get3A_31 = arith.constant 0 : index
    %get3A_32 = vector.load %arg6[%get3A_30, %get3A_31] : memref<1280x1xi32, #tpu.memory_space<vmem>>, vector<1280x1xi32>
    %iota3A_33 = tpu.iota {dimensions = array<i32: 1>} : vector<1280x64xi32>
    %eq3A_34 = vector.broadcast %get3A_32 : vector<1280x1xi32> to vector<1280x64xi32>
    %eq3A_35 = arith.cmpi eq, %eq3A_34, %iota3A_33 : vector<1280x64xi32>
    %and3A = vector.broadcast %lt3A_27 : vector<1280x1xi1> to vector<1280x64xi1>
    %and3A_36 = arith.andi %eq3A_35, %and3A : vector<1280x64xi1>
    %convert_element_type3A_37 = arith.extui %and3A_36 : vector<1280x64xi1> to vector<1280x64xi32>
    %convert_element_type3A_38 = arith.sitofp %convert_element_type3A_37 : vector<1280x64xi32> to vector<1280x64xf32>
    %get3A_39 = arith.constant 0 : index
    %get3A_40 = arith.constant 0 : index
    %get3A_41 = vector.load %arg11[%get3A_39, %get3A_40] : memref<64x128xf32, #tpu.memory_space<vmem>>, vector<64x128xf32>
    %dot_general3A = arith.constant dense<0.000000e+00> : vector<64x128xf32>
    %dot_general3A_42 = tpu.matmul %convert_element_type3A_38, %select_n3A, %dot_general3A {dimension_numbers = #tpu.dot_dimension_numbers<[0], [0], [1], [1], [0, 1, 1, 1], [], []>, transpose_lhs_hint = false} : vector<1280x64xf32>, vector<1280x128xf32>, vector<64x128xf32> -> vector<64x128xf32>
    %add3A_43 = arith.addf %get3A_41, %dot_general3A_42 : vector<64x128xf32>
    %swap3A = arith.constant 0 : index
    %swap3A_44 = arith.constant 0 : index
    %swap3A_45 = vector.load %arg11[%swap3A, %swap3A_44] : memref<64x128xf32, #tpu.memory_space<vmem>>, vector<64x128xf32>
    tpu.vector_store %arg11[%swap3A, %swap3A_44], %add3A_43 {strides = array<i32>} : memref<64x128xf32, #tpu.memory_space<vmem>>, vector<64x128xf32>,
    %get3A_46 = arith.constant 0 : index
    %get3A_47 = arith.constant 0 : index
    %get3A_48 = vector.load %arg12[%get3A_46, %get3A_47] : memref<64x128xf32, #tpu.memory_space<vmem>>, vector<64x128xf32>
    %broadcast_in_dim3A_49 = arith.constant 1.000000e+00 : f32
    %broadcast_in_dim3A_50 = vector.broadcast %broadcast_in_dim3A_49 : f32 to vector<1280x128xf32>
    %dot_general3A_51 = arith.constant dense<0.000000e+00> : vector<64x128xf32>
    %dot_general3A_52 = tpu.matmul %convert_element_type3A_38, %broadcast_in_dim3A_50, %dot_general3A_51 {dimension_numbers = #tpu.dot_dimension_numbers<[0], [0], [1], [1], [0, 1, 1, 1], [], []>, transpose_lhs_hint = false} : vector<1280x64xf32>, vector<1280x128xf32>, vector<64x128xf32> -> vector<64x128xf32>
    %add3A_53 = arith.addf %get3A_48, %dot_general3A_52 : vector<64x128xf32>
    %swap3A_54 = arith.constant 0 : index
    %swap3A_55 = arith.constant 0 : index
    %swap3A_56 = vector.load %arg12[%swap3A_54, %swap3A_55] : memref<64x128xf32, #tpu.memory_space<vmem>>, vector<64x128xf32>
    tpu.vector_store %arg12[%swap3A_54, %swap3A_55], %add3A_53 {strides = array<i32>} : memref<64x128xf32, #tpu.memory_space<vmem>>, vector<64x128xf32>,
    %eq3A_57 = arith.constant 7 : i32
    %eq3A_58 = arith.cmpi eq, %arg0, %eq3A_57 : i32
    %convert_element_type3A_59 = arith.extui %eq3A_58 : i1 to i32
    %cond3A_60 = arith.constant 0 : i32
    %cond3A_61 = arith.cmpi ne, %convert_element_type3A_59, %cond3A_60 : i32
    scf.if %cond3A_61 {
      %get3A_62 = arith.constant 0 : index
      %get3A_63 = arith.constant 0 : index
      %get3A_64 = vector.load %arg11[%get3A_62, %get3A_63] : memref<64x128xf32, #tpu.memory_space<vmem>>, vector<64x128xf32>
      %get3A_65 = arith.constant 0 : index
      %get3A_66 = arith.constant 0 : index
      %get3A_67 = vector.load %arg12[%get3A_65, %get3A_66] : memref<64x128xf32, #tpu.memory_space<vmem>>, vector<64x128xf32>
      %max3A_68 = arith.constant 1.000000e+00 : f32
      %max3A_69 = vector.broadcast %max3A_68 : f32 to vector<64x128xf32>
      %max3A_70 = arith.maximumf %get3A_67, %max3A_69 : vector<64x128xf32>
      %div3A = arith.divf %get3A_64, %max3A_70 : vector<64x128xf32>
      %swap3A_71 = arith.constant 0 : index
      %swap3A_72 = arith.constant 0 : index
      %swap3A_73 = vector.load %arg10[%swap3A_71, %swap3A_72] : memref<64x128xf32, #tpu.memory_space<vmem>>, vector<64x128xf32>
      tpu.vector_store %arg10[%swap3A_71, %swap3A_72], %div3A {strides = array<i32>} : memref<64x128xf32, #tpu.memory_space<vmem>>, vector<64x128xf32>,
      %get3A_74 = arith.constant 0 : index
      %get3A_75 = arith.constant 0 : index
      %get3A_76 = vector.load %arg7[%get3A_74, %get3A_75] : memref<128x10xf32, #tpu.memory_space<vmem>>, vector<128x10xf32>
      %dot_general3A_77 = arith.constant dense<0.000000e+00> : vector<64x10xf32>
      %dot_general3A_78 = tpu.matmul %div3A, %get3A_76, %dot_general3A_77 {dimension_numbers = #tpu.dot_dimension_numbers<[1], [0], [0], [1], [0, 0, 1, 1], [], []>, transpose_lhs_hint = false} : vector<64x128xf32>, vector<128x10xf32>, vector<64x10xf32> -> vector<64x10xf32>
      %get3A_79 = arith.constant 0 : index
      %get3A_80 = arith.constant 0 : index
      %get3A_81 = vector.load %arg8[%get3A_79, %get3A_80] : memref<1x10xf32, #tpu.memory_space<vmem>>, vector<1x10xf32>
      %add3A_82 = vector.broadcast %get3A_81 : vector<1x10xf32> to vector<64x10xf32>
      %add3A_83 = arith.addf %dot_general3A_78, %add3A_82 : vector<64x10xf32>
      %swap3A_84 = arith.constant 0 : index
      %swap3A_85 = arith.constant 0 : index
      %swap3A_86 = vector.load %arg9[%swap3A_84, %swap3A_85] : memref<64x10xf32, #tpu.memory_space<vmem>>, vector<64x10xf32>
      tpu.vector_store %arg9[%swap3A_84, %swap3A_85], %add3A_83 {strides = array<i32>} : memref<64x10xf32, #tpu.memory_space<vmem>>, vector<64x10xf32>,
    } else {
    }
    return
  }
  func.func @transform_0(%arg0: i32) -> (i32, i32) {
    %c0_i32 = arith.constant 0 : i32
    %c0_i32_0 = arith.constant 0 : i32
    return %arg0, %c0_i32 : i32, i32
  }
  func.func @transform_1(%arg0: i32) -> (i32, i32) {
    %add3A = arith.constant 8 : i32
    %add3A_0 = arith.addi %add3A, %arg0 : i32
    %c0_i32 = arith.constant 0 : i32
    %c0_i32_1 = arith.constant 0 : i32
    return %add3A_0, %c0_i32 : i32, i32
  }
  func.func @transform_2(%arg0: i32) -> (i32, i32) {
    %c0_i32 = arith.constant 0 : i32
    %c0_i32_0 = arith.constant 0 : i32
    return %arg0, %c0_i32 : i32, i32
  }
  func.func @transform_3(%arg0: i32) -> (i32, i32) {
    %c0_i32 = arith.constant 0 : i32
    %c0_i32_0 = arith.constant 0 : i32
    return %arg0, %c0_i32 : i32, i32
  }
  func.func @transform_4(%arg0: i32) -> (i32, i32) {
    %c0_i32 = arith.constant 0 : i32
    %c0_i32_0 = arith.constant 0 : i32
    %c0_i32_1 = arith.constant 0 : i32
    return %c0_i32, %c0_i32_0 : i32, i32
  }
  func.func @transform_5(%arg0: i32) -> (i32, i32) {
    %c0_i32 = arith.constant 0 : i32
    %c0_i32_0 = arith.constant 0 : i32
    return %arg0, %c0_i32 : i32, i32
  }
  func.func @transform_6(%arg0: i32) -> (i32, i32) {
    %c0_i32 = arith.constant 0 : i32
    %c0_i32_0 = arith.constant 0 : i32
    %c0_i32_1 = arith.constant 0 : i32
    return %c0_i32, %c0_i32_0 : i32, i32
  }
  func.func @transform_7(%arg0: i32) -> (i32, i32) {
    %c0_i32 = arith.constant 0 : i32
    %c0_i32_0 = arith.constant 0 : i32
    %c0_i32_1 = arith.constant 0 : i32
    return %c0_i32, %c0_i32_0 : i32, i32
  }
  func.func @transform_8(%arg0: i32) -> (i32, i32) {
    %c0_i32 = arith.constant 0 : i32
    %c0_i32_0 = arith.constant 0 : i32
    %c0_i32_1 = arith.constant 0 : i32
    return %c0_i32, %c0_i32_0 : i32, i32
  }
  func.func @transform_9(%arg0: i32) -> (i32, i32) {
    %c0_i32 = arith.constant 0 : i32
    %c0_i32_0 = arith.constant 0 : i32
    %c0_i32_1 = arith.constant 0 : i32
    return %c0_i32, %c0_i32_0 : i32, i32
  }
}

</mosaic_0001>

<sc_bundles>
// kernel: kernel.11.cloned.1.call-start
scs
__scs_entry_jumppad:
0x0: {  	(pc) =	sbr.rel $0x88, $3  }
0x1: {  	(tag) =	ssettag $0x0;
	lr =	simm.s32 $0x1  }
0x2: {  	[smem:$0x3F98] =	sst lr;
	_ =	strace $0xD0000000  }
0x3: {  	_ = 	snop  }
0x4: {  	_ = 	snop  }
0x5: {  	_ = 	snop  }
0x6: {  	_ = 	snop  }
0x7: {  	_ = 	snop  }
__scs_overlays_trampoline_lowered:
0x8: {  	[smem:$0x3FA7] =	sst s0  }
0x9: {  	[smem:$0x3FA8] =	sst s1  }
0xa: {  	[smem:$0x3FA9] =	sst s2  }
0xb: {  	[smem:$0x3FAA] =	sst s3  }
0xc: {  	[smem:$0x3FAB] =	sst s4  }
0xd: {  	[smem:$0x3FAC] =	sst s5  }
0xe: {  	[smem:$0x3FAD] =	sst s6  }
0xf: {  	[smem:$0x3FAE] =	sst s7  }
0x10: {  	[smem:$0x3FAF] =	sst s8  }
0x11: {  	[smem:$0x3FB0] =	sst s9;
	s0 =	simm.s32 @!p0 $0x0  }
0x12: {  	s1 =	sld [smem:$0x3F96];
	s0 =	simm.s32 @p0 $0x1  }
0x13: {  	[smem:$0x3FB1] =	sst s0;
	s0 =	simm.s32 @!p1 $0x0  }
0x14: {  	s2 =	sld [smem:$0x3F95];
	s0 =	simm.s32 @p1 $0x1  }
0x15: {  	[smem:$0x3FB2] =	sst s0;
	s0 =	simm.s32 @!p2 $0x0  }
0x16: {  	s3 =	sld [smem:$0x3FDB];
	s0 =	simm.s32 @p2 $0x1  }
0x17: {  	s4 =	simm.s32 $0x1BF5;
	[smem:$0x3FB4] =	sst s0  }
0x18: {  	s0 =	sld [smem:$0x3F97];
	_ =	swait.ge [sflag:s4], $0x0  }
0x19: {  	s7 =	sld [smem:$0x3F98]  }
0x1a: {  	s8 =	sadd.s32 $0xFFFFE003, lr  }
0x1b: {  	s9 =	sadd.s32 $0xFFFFFEF7, lr;
	s5 =	simm.s32 $0xFFFFFFFF;
	p2 =	slt.u32 s8, $0xFFFFF086  }
0x1c: {  	p1 =	slt.u32 s9, $0xF7A;
	s5 =	simm.s32 @!p2 $0x0  }
0x1d: {  	s5 =	simm.s32 @p1 $0x1;
	p0 =	seq.s32 s7, s2  }
0x1e: {  	s7 =	smul.u32 @!p0 $0xF7A, s2;
	p2 =	seq.s32 @!p0 s5, $0x0  }
0x1f: {  	s9 =	smul.u32 $0xF7A, s1;
	s8 =	simm.s32 @!p0 $0x1BF5;
	p2 =	por !p2, p0  }
0x20: {  	[sflag:s8] =	ssyncset.s32 @!p0 $0xFFFFF086;
	s6 =	sadd.s32 @!p0 s3, s7;
	s7 =	simm.s32 @!p0 $0x108  }
0x21: {  	s3 =	sadd.s32 s3, s9;
	s6 =	sadd.s32 @!p0 $0x88, s6;
	s7 =	simm.s32 @p2 $0x1082  }
0x22: {  	[simem:s7], [sflag:s8] =	dma.local @!p0 [hbm:s6], $0xF7A  }
0x23: {  	s9 =	sor.u32 $0xD0000000, s2;
	s6 =	simm.s32 $0x108;
	_ =	swait.ge @!p0 [sflag:s8], $0x0  }
0x24: {  	s3 =	sadd.s32 $0x88, s3;
	s6 =	simm.s32 @!p1 $0x1082;
	[sflag:s4] =	ssyncset.s32 $0xFFFFF086  }
0x25: {  	[simem:s6], [sflag:s4] =	dma.local [hbm:s3], $0xF7A  }
0x26: {  	[smem:$0x3F98] =	sst s1;
	(tag) =	ssettag s2;
	_ =	strace s9  }
0x27: {  	s1 =	sld [smem:$0x3FA8]  }
0x28: {  	s2 =	sld [smem:$0x3FA9]  }
0x29: {  	s4 =	sld [smem:$0x3FAB]  }
0x2a: {  	p0 =	seq.s32 s5, $0x0;
	s5 =	sld [smem:$0x3FAC]  }
0x2b: {  	s6 =	sld [smem:$0x3FAD]  }
0x2c: {  	s7 =	sld [smem:$0x3FAE]  }
0x2d: {  	s3 =	simm.s32 $0x108;
	s8 =	sld [smem:$0x3FAF]  }
0x2e: {  	s3 =	simm.s32 @!p0 $0x1082;
	s9 =	sld [smem:$0x3FB0]  }
0x2f: {  	lr =	sadd.s32 s0, s3;
	s0 =	sld [smem:$0x3FA7]  }
0x30: {  	s3 =	sld [smem:$0x3FAA]  }
0x31: {  	[smem:$0x3FB3] =	sst s10  }
0x32: {  	s10 =	sld [smem:$0x3FB1];
	_ =	sdelay $0x3  }
0x33: {  	p0 =	seq.s32 s10, $0x1;
	s10 =	sld [smem:$0x3FB3];
	_ =	sdelay $0x3  }
0x34: {  	[smem:$0x3FB3] =	sst s10  }
0x35: {  	s10 =	sld [smem:$0x3FB2];
	_ =	sdelay $0x3  }
0x36: {  	p1 =	seq.s32 s10, $0x1;
	s10 =	sld [smem:$0x3FB3];
	_ =	sdelay $0x3  }
0x37: {  	[smem:$0x3FB3] =	sst s10  }
0x38: {  	s10 =	sld [smem:$0x3FB4]  }
0x39: {  	_ = 	snop;
	(pc) =	sbr.ind lr, $3  }
0x3a: {  	_ = 	snop  }
0x3b: {  	_ = 	snop  }
0x3c: {  	p2 =	seq.s32 s10, $0x1;
	s10 =	sld [smem:$0x3FB3]  }
0x3d: {  	_ =	shalt  }
0x3e: {  	_ =	shalt  }
0x3f: {  	_ =	shalt  }
0x40: {  	_ =	shalt  }
0x41: {  	_ =	shalt  }
0x42: {  	_ =	shalt  }
0x43: {  	_ =	shalt  }
0x44: {  	_ =	shalt  }
0x45: {  	_ =	shalt  }
0x46: {  	_ =	shalt  }
0x47: {  	_ =	shalt  }
0x48: {  	_ =	shalt  }
0x49: {  	_ =	shalt  }
0x4a: {  	_ =	shalt  }
0x4b: {  	_ =	shalt  }
0x4c: {  	_ =	shalt  }
0x4d: {  	_ =	shalt  }
0x4e: {  	_ =	shalt  }
0x4f: {  	_ =	shalt  }
0x50: {  	_ =	shalt  }
0x51: {  	_ =	shalt  }
0x52: {  	_ =	shalt  }
0x53: {  	_ =	shalt  }
0x54: {  	_ =	shalt  }
0x55: {  	_ =	shalt  }
0x56: {  	_ =	shalt  }
0x57: {  	_ =	shalt  }
0x58: {  	_ =	shalt  }
0x59: {  	_ =	shalt  }
0x5a: {  	_ =	shalt  }
0x5b: {  	_ =	shalt  }
0x5c: {  	_ =	shalt  }
0x5d: {  	_ =	shalt  }
0x5e: {  	_ =	shalt  }
0x5f: {  	_ =	shalt  }
0x60: {  	_ =	shalt  }
0x61: {  	_ =	shalt  }
0x62: {  	_ =	shalt  }
0x63: {  	_ =	shalt  }
0x64: {  	_ =	shalt  }
0x65: {  	_ =	shalt  }
0x66: {  	_ =	shalt  }
0x67: {  	_ =	shalt  }
0x68: {  	_ =	shalt  }
0x69: {  	_ =	shalt  }
0x6a: {  	_ =	shalt  }
0x6b: {  	_ =	shalt  }
0x6c: {  	_ =	shalt  }
0x6d: {  	_ =	shalt  }
0x6e: {  	_ =	shalt  }
0x6f: {  	_ =	shalt  }
0x70: {  	_ =	shalt  }
0x71: {  	_ =	shalt  }
0x72: {  	_ =	shalt  }
0x73: {  	_ =	shalt  }
0x74: {  	_ =	shalt  }
0x75: {  	_ =	shalt  }
0x76: {  	_ =	shalt  }
0x77: {  	_ =	shalt  }
0x78: {  	_ =	shalt  }
0x79: {  	_ =	shalt  }
0x7a: {  	_ =	shalt  }
0x7b: {  	_ =	shalt  }
0x7c: {  	_ =	shalt  }
0x7d: {  	_ =	shalt  }
0x7e: {  	_ =	shalt  }
0x7f: {  	_ =	shalt  }
0x80: {  	_ =	shalt  }
0x81: {  	_ =	shalt  }
0x82: {  	_ =	shalt  }
0x83: {  	_ =	shalt  }
0x84: {  	_ =	shalt  }
0x85: {  	_ =	shalt  }
0x86: {  	_ =	shalt  }
0x87: {  	_ =	shalt  }
.Lfunc_end0:
.L_simem_size_0:
called_computation.1_lowered:
.L_overlay_start_0:
0x88: {  	s2 =	sld [smem:$0x3FD9]  }
0x89: {  	s3 =	sld [smem:$0x3FFE];
	_ =	sdelay $0x1  }
0x8a: {  	s1 =	srdreg.scid  }
0x8b: {  	s0 =	sand.u32 $0x1, s1  }
0x8c: {  	s14 =	sshll.u32 s0, $0xA;
	s2 =	sadd.s32 s3, s2  }
0x8d: {  	s2 =	sadd.s32 s2, s14  }
0x8e: {  	[smem:$0x3FBF] =	sst s2  }
0x8f: {  	_ = 	snop  }
0x90: {  	s2 =	sld [smem:$0x3FD0];
	_ =	sdelay $0x2  }
0x91: {  	s15 =	simm.s32 $0xA;
	s4 =	simm.s32 $0x10  }
0x92: {  	[smem:s4], [sflag:s15] =	dma.local [hbm:s2], $0x1  }
0x93: {  	_ =	swait.eq [sflag:s15], $0x1  }
0x94: {  	[sflag:s15] =	ssyncset.done $0x0  }
0x95: {  	[sflag:s15] =	ssyncadd.s32 $0xFFFFFFFF  }
0x96: {  	s16 =	sld [smem:$0x11];
	(tm) =	ssettm $0x1  }
0x97: {  	s17 =	sld [smem:$0x3FFB];
	_ =	sdelay $0x3  }
0x98: {  	_ =	strace s17  }
0x99: {  	s3 =	sld [smem:$0x3FFC];
	_ =	sdelay $0x3  }
0x9a: {  	_ =	strace s3  }
0x9b: {  	s3 =	sld [smem:$0x3FFD];
	_ =	sdelay $0x3  }
0x9c: {  	_ =	strace s3  }
0x9d: {  	_ =	strace $0x8FFFFFFF  }
0x9e: {  	s18 =	sld [smem:$0x3FDB];
	_ =	sdelay $0x1  }
0x9f: {  	s19 =	simm.s32 $_scs_section_size  }
0xa0: {  	s5 =	simm.s32 $_size__tile_overlayer_lowered;
	s6 =	simm.s32 $_tile_overlayer_lowered  }
0xa1: {  	s22 =	simm.s32 $0x1BFF;
	s21 =	sshll.u32 s6, $0x1;
	s3 =	sadd.s32 s19, s18  }
0xa2: {  	s7 =	simm.s32 $0x0;
	s20 =	sshll.u32 s5, $0x1;
	s5 =	sadd.s32 s21, s3  }
0xa3: {  	[timem:s7], [sflag:s22] =	dma.local [hbm:s5], s20  }
0xa4: {  	_ =	swait.ge [sflag:s22], s20  }
0xa5: {  	s4 =	ssub.s32 $0x0, s20;
	[sflag:s22] =	ssyncset.done $0x0  }
0xa6: {  	[sflag:s22] =	ssyncadd.s32 s4;
	_ =	sdelay $0x1  }
0xa7: {  	s23 =	simm.s32 $0x1B8B  }
0xa8: {  	_ =	swait.ge [sflag:s23], $0x1  }
0xa9: {  	[sflag:s23] =	ssyncset.done $0x0  }
0xaa: {  	s25 =	simm.s32 $0x1B8E;
	s24 =	sld [smem:$0x3FFE];
	[sflag:s23] =	ssyncadd.s32 $0xFFFFFFFF  }
0xab: {  	s26 =	simm.s32 $execute0_lowered;
	[smem:$0x3FD2] =	sst s25  }
0xac: {  	s5 =	sshll.u32 s26, $0x1;
	_ =	strace $0x80000049;
	[dreg:$0x1] =	wrdreg $0xFFFFFFFF  }
0xad: {  	s28 =	simm.s32 $_size_execute0_lowered;
	s3 =	sadd.s32 s3, s5;
	[dreg:$0x0] =	wrdreg $0x0  }
0xae: {  	s5 =	sshll.u32 s28, $0x1;
	[dreg:$0x2] =	wrdreg s3  }
0xaf: {  	[dreg:$0x3] =	wrdreg s5  }
0xb0: {  	[dreg:$0x4] =	wrdreg $0xC0  }
0xb1: {  	_ =	task [dreg:s7], $0x5FFFF  }
0xb2: {  	[dreg:$0x1] =	wrdreg $0xFFFFFFFF  }
0xb3: {  	[dreg:$0x0] =	wrdreg $0x60  }
0xb4: {  	[dreg:$0x2] =	wrdreg s24  }
0xb5: {  	[dreg:$0x3] =	wrdreg s16  }
0xb6: {  	[dreg:$0x4] =	wrdreg $0xB8000  }
0xb7: {  	[dreg:$0x5] =	wrdreg $0x9  }
0xb8: {  	_ =	task.clear_ibuf [dreg:s7], $0x6FFFF;
	_ =	strace $0x90000049  }
0xb9: {  	s29 =	simm.s32 $0x9;
	_ =	strace $0x8000004B  }
0xba: {  	_ =	swait.ge [sflag:s29], $0x1  }
0xbb: {  	[sflag:s29] =	ssyncadd.s32 $0xFFFFFFFF  }
0xbc: {  	_ =	strace $0x9000004B  }
0xbd: {  	_ =	sfence  }
0xbe: {  	s30 =	sld [smem:$0x0];
	_ =	sdelay $0x2  }
0xbf: {  	s31 =	sshll.u32 s1, $0xD;
	s1 =	sshrl.u32 s1, $0x2  }
0xc0: {  	s3 =	sand.u32 $0x4000, s31;
	s1 =	sadd.s32 s1, s30  }
0xc1: {  	s0 =	sor.u32 s3, s0;
	s1 =	sshll.u32 s1, $0x11  }
0xc2: {  	s0 =	sor.u32 s1, s0  }
0xc3: {  	s0 =	sadd.s32 $0x8F2B, s0  }
0xc4: {  	[sflag:s0] =	ssyncadd.remote.s32 $0x1  }
0xc5: {  	_ =	sfence.sel $0xFFFF  }
0xc6: {  	[dreg:$0x0] =	wrdreg $0xFFFFFFFF;
	(pc) =	sbr.abs _section_cstart, $3  }
0xc7: {  	[dreg:$0x1] =	wrdreg $0xFFFFFFFF  }
0xc8: {  	_ =	task.clear_ibuf [dreg:s7], $0x2FFFF;
	_ =	strace $0x9FFFFFFF  }
0xc9: {  	(tm) =	ssettm $0x7FFFFFFF  }
tec
execute0_lowered:
.L_overlay_start_1:
0x0: {  	(tag) =	ssettag $0x1  }
0x1: {  	s0 =	rddreg [dreg:$0x0]  }
0x2: {  	s2 =	rddreg [dreg:$0x1]  }
0x3: {  	s1 =	rddreg [dreg:$0x2]  }
0x4: {  	s3 =	simm.s32 $0x0;
	s15 =	stileid.u32;
	s5 =	srdreg.scid  }
0x5: {  	s28 =	simm.s32 $0x80;
	s29 =	simm.s32 $0x2;
	s30 =	simm.s32 $0x180  }
0x6: {  	s31 =	simm.s32 $0x4;
	[smem:$0x7FF] =	sst s3;
	s6 =	smul.u32 $0x2800, s15  }
0x7: {  	s4 =	sadd.s32 $0x22000, s0;
	s5 =	sand.u32 $0x1, s5;
	s11 =	smul.u32 $0x50000, s15  }
0x8: {  	s7 =	sadd.s32 $0xD400, s0;
	s14 =	smul.u32 $0x300, s15;
	s18 =	sshll.u32 s15, $0x6  }
0x9: {  	s21 =	sshll.u32 s15, $0x5;
	s22 =	smul.u32 $0x53, s15;
	_ =	strace $0x8000004A  }
0xa: {  	s8 =	smul.u32 $0x28000, s5;
	s9 =	sshll.u32 s5, $0x4;
	s26 =	ssub.s32 $0x2, s5  }
0xb: {  	s5 =	smul.u32 $0x530, s5;
	s10 =	sadd.s32 s6, s0;
	s9 =	sor.u32 s15, s9  }
0xc: {  	s13 =	sshrl.u32 s26, $0x1;
	s11 =	sshrl.u32 s11, $0x2;
	s17 =	sand.u32 $0x300, s14  }
0xd: {  	s6 =	sadd.s32 s6, s8;
	s12 =	smul.u32 $0x5300, s9;
	s8 =	ssub.s32 s26, s13  }
0xe: {  	s11 =	sadd.s32 s11, s1;
	s13 =	sadd.s32 $0x49200, s10;
	s9 =	sshll.u32 s9, $0x5  }
0xf: {  	s5 =	sadd.s32 s22, s5;
	s22 =	simm.s32 $0x100;
	s0 =	sadd.s32 s6, s0  }
0x10: {  	[dreg:$0x4] =	wrdreg s13;
	s6 =	sor.u32 $0x1C07, s18;
	s9 =	sand.u32 $0x380, s9  }
0x11: {  	s25 =	sshll.u32 s5, $0x5;
	s14 =	smax.u32 s8, $0x1;
	s18 =	sshrl.u32 s11, $0x3  }
0x12: {  	s5 =	simm.s32 $0x5;
	s8 =	simm.s32 $0x300;
	s16 =	sand.u32 $0xFFC00, s12  }
0x13: {  	s12 =	sshrl.u32 s12, $0x3;
	s0 =	sadd.s32 $0x71200, s0;
	s26 =	sadd.s32 s25, s7  }
0x14: {  	s25 =	simm.s32 $0x7C00;
	s10 =	sor.u32 s17, s16;
	s12 =	sadd.s32 s7, s12  }
0x15: {  	[dreg:$0xb] =	wrdreg s0;
	s15 =	sadd.s32 $0xA0, s26;
	s16 =	sadd.s32 $0x80, s26  }
0x16: {  	s17 =	sadd.s32 $0x60, s26;
	s26 =	simm.s32 $0x1;
	s19 =	sadd.s32 $0x20, s12  }
0x17: {  	s0 =	simm.s32 $0x3;
	s20 =	sadd.s32 $0x40, s12;
	[dreg:$0x6] =	wrdreg s19  }
0x18: {  	s10 =	sshrl.u32 s10, $0x3;
	s23 =	sadd.s32 $0xA20, s12;
	[dreg:$0x7] =	wrdreg s20  }
0x19: {  	s24 =	sadd.s32 $0xA40, s12;
	s10 =	sadd.s32 s7, s10;
	[dreg:$0x8] =	wrdreg s23  }
0x1a: {  	[dreg:$0x9] =	wrdreg s24;
	s19 =	simm.s32 $0x7;
	s20 =	simm.s32 $0x78  }
0x1b: {  	s23 =	simm.s32 $0x4000;
	[dreg:$0x5] =	wrdreg s10;
	s10 =	sand.u32 $0x60, s21  }
0x1c: {  	s24 =	simm.s32 $0x200;
	s7 =	simm.s32 $0x6;
	s2 =	sadd.s32 s2, s10  }
0x1d: {  	s21 =	simm.s32 $0x400;
	s10 =	simm.s32 $0x0;
	s2 =	sadd.s32 s9, s2  }
0x1e: {  	s9 =	simm.s32 $0x28;
	[dreg:$0xa] =	wrdreg s2;
	s2 =	simm.s32 $0x280  }
.LBB2_1:
0x1f: {  	s11 =	rddreg [dreg:$0x4]  }
0x20: {  	[spmem:s18], [sflag:s6] =	dma.local [hbm:s11], $0x2800  }
0x21: {  	_ =	swait.ge [sflag:s19], $0x2800  }
0x22: {  	[sflag:s19] =	ssyncset.done $0x0  }
0x23: {  	[sflag:s19] =	ssyncadd.s32 $0xFFFFD800  }
0x24: {  	[bflag:$0x0] =	sbarrier.arrive $0xFFFF  }
0x25: {  	s12 =	rddreg [dreg:$0x5]  }
0x26: {  	[tilespmem:s3], [sflag:$0x7] =	stream.linear.gather [hbm4b:s12+s3], $0x100, $0x38;
	[tilespmem:$0x1F800] =	vst v63  }
0x27: {  	_ =	swait.ge [sflag:s19], $0x100  }
0x28: {  	[sflag:s19] =	ssyncset.done $0x0  }
0x29: {  	[sflag:s19] =	ssyncadd.s32 $0xFFFFFF00  }
0x2a: {  	[tilespmem:s21], [sflag:$0x1] =	stream.indirect.gather [hbm4b:s4+s20], $0x80, s3, s20, $0xb8;
	[tilespmem:$0x1F800] =	vst v63  }
0x2b: {  	s13 =	rddreg [dreg:$0x6]  }
0x2c: {  	[tilespmem:s22], [sflag:$0x7] =	stream.linear.gather [hbm4b:s13+s3], $0x100, $0x38;
	[tilespmem:$0x1F800] =	vst v63  }
0x2d: {  	_ =	swait.ge [sflag:s19], $0x100  }
0x2e: {  	[sflag:s19] =	ssyncset.done $0x0  }
0x2f: {  	[sflag:s19] =	ssyncadd.s32 $0xFFFFFF00  }
0x30: {  	[tilespmem:s23], [sflag:$0x2] =	stream.indirect.gather [hbm4b:s4+s20], $0x80, s22, s20, $0xb8;
	[tilespmem:$0x1F800] =	vst v63  }
0x31: {  	s12 =	rddreg [dreg:$0x7]  }
0x32: {  	[tilespmem:s24], [sflag:$0x7] =	stream.linear.gather [hbm4b:s12+s3], $0x100, $0x38;
	[tilespmem:$0x1F800] =	vst v63  }
0x33: {  	_ =	swait.ge [sflag:s19], $0x100  }
0x34: {  	[sflag:s19] =	ssyncset.done $0x0  }
0x35: {  	[sflag:s19] =	ssyncadd.s32 $0xFFFFFF00  }
0x36: {  	[tilespmem:s25], [sflag:$0x3] =	stream.indirect.gather [hbm4b:s4+s20], $0x80, s24, s20, $0xb8;
	[tilespmem:$0x1F800] =	vst v63  }
0x37: {  	_ =	swait.ge [sflag:s26], $0x3C00  }
0x38: {  	[sflag:s26] =	ssyncset.done $0x0  }
0x39: {  	[sflag:s26] =	ssyncadd.s32 $0xFFFFC400  }
0x3a: {  	[spmem:s1] =	stream.indirect.scatter.add.f32 [tilespmem:s21], [sflag:$0x4], $0x80, s28, s20, $0xb8;
	[tilespmem:$0x1F800] =	vst v63  }
0x3b: {  	_ =	swait.ge [sflag:s29], $0x3C00  }
0x3c: {  	[sflag:s29] =	ssyncset.done $0x0  }
0x3d: {  	[sflag:s29] =	ssyncadd.s32 $0xFFFFC400  }
0x3e: {  	[spmem:s1] =	stream.indirect.scatter.add.f32 [tilespmem:s23], [sflag:$0x5], $0x80, s30, s20, $0xb8;
	[tilespmem:$0x1F800] =	vst v63  }
0x3f: {  	_ =	swait.ge [sflag:s31], $0x3C00  }
0x40: {  	[sflag:s31] =	ssyncset.done $0x0  }
0x41: {  	s13 =	sadd.s32 $0x0, s17;
	[sflag:s31] =	ssyncadd.s32 $0xFFFFC400  }
0x42: {  	[tilespmem:s3], [sflag:$0x7] =	stream.linear.gather [hbm4b:s13+s3], $0x100, $0x38;
	[tilespmem:$0x1F800] =	vst v63  }
0x43: {  	_ =	swait.ge [sflag:s19], $0x100  }
0x44: {  	[sflag:s19] =	ssyncset.done $0x0  }
0x45: {  	[sflag:s19] =	ssyncadd.s32 $0xFFFFFF00  }
0x46: {  	[tilespmem:s21], [sflag:$0x1] =	stream.indirect.gather [hbm4b:s4+s20], $0x80, s3, s20, $0xb8;
	[tilespmem:$0x1F800] =	vst v63  }
0x47: {  	_ =	swait.ge [sflag:s0], $0x3C00  }
0x48: {  	[sflag:s0] =	ssyncset.done $0x0  }
0x49: {  	[sflag:s0] =	ssyncadd.s32 $0xFFFFC400  }
0x4a: {  	[spmem:s1] =	stream.indirect.scatter.add.f32 [tilespmem:s25], [sflag:$0x6], $0x80, s2, s20, $0xb8;
	[tilespmem:$0x1F800] =	vst v63  }
0x4b: {  	_ =	swait.ge [sflag:s5], $0x3C00  }
0x4c: {  	[sflag:s5] =	ssyncset.done $0x0  }
0x4d: {  	s12 =	sadd.s32 $0x0, s16;
	[sflag:s5] =	ssyncadd.s32 $0xFFFFC400  }
0x4e: {  	[tilespmem:s22], [sflag:$0x7] =	stream.linear.gather [hbm4b:s12+s3], $0x100, $0x38;
	[tilespmem:$0x1F800] =	vst v63  }
0x4f: {  	_ =	swait.ge [sflag:s19], $0x100  }
0x50: {  	[sflag:s19] =	ssyncset.done $0x0  }
0x51: {  	[sflag:s19] =	ssyncadd.s32 $0xFFFFFF00  }
0x52: {  	[tilespmem:s23], [sflag:$0x2] =	stream.indirect.gather [hbm4b:s4+s20], $0x80, s22, s20, $0xb8;
	[tilespmem:$0x1F800] =	vst v63  }
0x53: {  	_ =	swait.ge [sflag:s26], $0x3C00  }
0x54: {  	[sflag:s26] =	ssyncset.done $0x0  }
0x55: {  	[sflag:s26] =	ssyncadd.s32 $0xFFFFC400  }
0x56: {  	[spmem:s1] =	stream.indirect.scatter.add.f32 [tilespmem:s21], [sflag:$0x4], $0x80, s28, s20, $0xb8;
	[tilespmem:$0x1F800] =	vst v63  }
0x57: {  	_ =	swait.ge [sflag:s7], $0x3C00  }
0x58: {  	[sflag:s7] =	ssyncset.done $0x0  }
0x59: {  	s13 =	sadd.s32 $0x0, s15;
	[sflag:s7] =	ssyncadd.s32 $0xFFFFC400  }
0x5a: {  	[tilespmem:s24], [sflag:$0x7] =	stream.linear.gather [hbm4b:s13+s3], $0x100, $0x38;
	[tilespmem:$0x1F800] =	vst v63  }
0x5b: {  	_ =	swait.ge [sflag:s19], $0x100  }
0x5c: {  	[sflag:s19] =	ssyncset.done $0x0  }
0x5d: {  	[sflag:s19] =	ssyncadd.s32 $0xFFFFFF00  }
0x5e: {  	[tilespmem:s25], [sflag:$0x3] =	stream.indirect.gather [hbm4b:s4+s20], $0x80, s24, s20, $0xb8;
	[tilespmem:$0x1F800] =	vst v63  }
0x5f: {  	_ =	swait.ge [sflag:s29], $0x3C00  }
0x60: {  	[sflag:s29] =	ssyncset.done $0x0  }
0x61: {  	s11 =	simm.s32 $0x60;
	[sflag:s29] =	ssyncadd.s32 $0xFFFFC400  }
.LBB2_2:
0x62: {  	[spmem:s1] =	stream.indirect.scatter.add.f32 [tilespmem:s23], [sflag:$0x5], $0x80, s30, s20, $0xb8;
	[tilespmem:$0x1F800] =	vst v63  }
0x63: {  	s12 =	smov.u32 s11  }
0x64: {  	p0 =	sne.s32 s11, $0x960;
	s11 =	sadd.s32 $0x60, s11;
	_ =	swait.ge [sflag:s31], $0x3C00  }
0x65: {  	[sflag:s31] =	ssyncset.done $0x0  }
0x66: {  	s13 =	sadd.s32 s12, s17;
	[sflag:s31] =	ssyncadd.s32 $0xFFFFC400  }
0x67: {  	[tilespmem:s3], [sflag:$0x7] =	stream.linear.gather [hbm4b:s13+s3], $0x100, $0x38;
	[tilespmem:$0x1F800] =	vst v63  }
0x68: {  	_ =	swait.ge [sflag:s19], $0x100  }
0x69: {  	[sflag:s19] =	ssyncset.done $0x0  }
0x6a: {  	[sflag:s19] =	ssyncadd.s32 $0xFFFFFF00  }
0x6b: {  	[tilespmem:s21], [sflag:$0x1] =	stream.indirect.gather [hbm4b:s4+s20], $0x80, s3, s20, $0xb8;
	[tilespmem:$0x1F800] =	vst v63  }
0x6c: {  	_ =	swait.ge [sflag:s0], $0x3C00  }
0x6d: {  	[sflag:s0] =	ssyncset.done $0x0  }
0x6e: {  	[sflag:s0] =	ssyncadd.s32 $0xFFFFC400  }
0x6f: {  	[spmem:s1] =	stream.indirect.scatter.add.f32 [tilespmem:s25], [sflag:$0x6], $0x80, s2, s20, $0xb8;
	[tilespmem:$0x1F800] =	vst v63  }
0x70: {  	_ =	swait.ge [sflag:s5], $0x3C00  }
0x71: {  	[sflag:s5] =	ssyncset.done $0x0  }
0x72: {  	s13 =	sadd.s32 s12, s16;
	[sflag:s5] =	ssyncadd.s32 $0xFFFFC400  }
0x73: {  	[tilespmem:s22], [sflag:$0x7] =	stream.linear.gather [hbm4b:s13+s3], $0x100, $0x38;
	[tilespmem:$0x1F800] =	vst v63  }
0x74: {  	_ =	swait.ge [sflag:s19], $0x100  }
0x75: {  	[sflag:s19] =	ssyncset.done $0x0  }
0x76: {  	[sflag:s19] =	ssyncadd.s32 $0xFFFFFF00  }
0x77: {  	[tilespmem:s23], [sflag:$0x2] =	stream.indirect.gather [hbm4b:s4+s20], $0x80, s22, s20, $0xb8;
	[tilespmem:$0x1F800] =	vst v63  }
0x78: {  	_ =	swait.ge [sflag:s26], $0x3C00  }
0x79: {  	[sflag:s26] =	ssyncset.done $0x0  }
0x7a: {  	[sflag:s26] =	ssyncadd.s32 $0xFFFFC400  }
0x7b: {  	[spmem:s1] =	stream.indirect.scatter.add.f32 [tilespmem:s21], [sflag:$0x4], $0x80, s28, s20, $0xb8;
	[tilespmem:$0x1F800] =	vst v63  }
0x7c: {  	_ =	swait.ge [sflag:s7], $0x3C00  }
0x7d: {  	[sflag:s7] =	ssyncset.done $0x0  }
0x7e: {  	s12 =	sadd.s32 s12, s15;
	[sflag:s7] =	ssyncadd.s32 $0xFFFFC400  }
0x7f: {  	[tilespmem:s24], [sflag:$0x7] =	stream.linear.gather [hbm4b:s12+s3], $0x100, $0x38;
	[tilespmem:$0x1F800] =	vst v63  }
0x80: {  	_ =	swait.ge [sflag:s19], $0x100  }
0x81: {  	[sflag:s19] =	ssyncset.done $0x0  }
.Ltmp0:
0x82: {  	[sflag:s19] =	ssyncadd.s32 $0xFFFFFF00;
	(pc) =	sbr.rel @p0 .LBB2_2-.Ltmp0, $4  }
0x83: {  	[tilespmem:s25], [sflag:$0x3] =	stream.indirect.gather [hbm4b:s4+s20], $0x80, s24, s20, $0xb8;
	[tilespmem:$0x1F800] =	vst v63  }
0x84: {  	_ =	swait.ge [sflag:s29], $0x3C00  }
0x85: {  	[sflag:s29] =	ssyncset.done $0x0  }
0x86: {  	[sflag:s29] =	ssyncadd.s32 $0xFFFFC400  }
0x87: {  	[spmem:s1] =	stream.indirect.scatter.add.f32 [tilespmem:s23], [sflag:$0x5], $0x80, s30, s20, $0xb8;
	[tilespmem:$0x1F800] =	vst v63  }
0x88: {  	_ =	swait.ge [sflag:s31], $0x3C00  }
0x89: {  	[sflag:s31] =	ssyncset.done $0x0  }
0x8a: {  	s11 =	rddreg [dreg:$0x8];
	[sflag:s31] =	ssyncadd.s32 $0xFFFFC400  }
0x8b: {  	[tilespmem:s3], [sflag:$0x7] =	stream.linear.gather [hbm4b:s11+s3], $0x100, $0x38;
	[tilespmem:$0x1F800] =	vst v63  }
0x8c: {  	_ =	swait.ge [sflag:s19], $0x100  }
0x8d: {  	[sflag:s19] =	ssyncset.done $0x0  }
0x8e: {  	[sflag:s19] =	ssyncadd.s32 $0xFFFFFF00  }
0x8f: {  	[tilespmem:s21], [sflag:$0x1] =	stream.indirect.gather [hbm4b:s4+s20], $0x80, s3, s20, $0xb8;
	[tilespmem:$0x1F800] =	vst v63  }
0x90: {  	_ =	swait.ge [sflag:s0], $0x3C00  }
0x91: {  	[sflag:s0] =	ssyncset.done $0x0  }
0x92: {  	[sflag:s0] =	ssyncadd.s32 $0xFFFFC400  }
0x93: {  	[spmem:s1] =	stream.indirect.scatter.add.f32 [tilespmem:s25], [sflag:$0x6], $0x80, s2, s20, $0xb8;
	[tilespmem:$0x1F800] =	vst v63  }
0x94: {  	_ =	swait.ge [sflag:s5], $0x3C00  }
0x95: {  	[sflag:s5] =	ssyncset.done $0x0  }
0x96: {  	s12 =	rddreg [dreg:$0x9];
	[sflag:s5] =	ssyncadd.s32 $0xFFFFC400  }
0x97: {  	[tilespmem:s22], [sflag:$0x7] =	stream.linear.gather [hbm4b:s12+s3], $0x100, $0x38;
	[tilespmem:$0x1F800] =	vst v63  }
0x98: {  	_ =	swait.ge [sflag:s19], $0x100  }
0x99: {  	[sflag:s19] =	ssyncset.done $0x0  }
0x9a: {  	[sflag:s19] =	ssyncadd.s32 $0xFFFFFF00  }
0x9b: {  	[tilespmem:s23], [sflag:$0x2] =	stream.indirect.gather [hbm4b:s4+s20], $0x80, s22, s20, $0xb8;
	[tilespmem:$0x1F800] =	vst v63  }
0x9c: {  	_ =	swait.ge [sflag:s26], $0x3C00  }
0x9d: {  	[sflag:s26] =	ssyncset.done $0x0  }
0x9e: {  	[sflag:s26] =	ssyncadd.s32 $0xFFFFC400  }
0x9f: {  	[spmem:s1] =	stream.indirect.scatter.add.f32 [tilespmem:s21], [sflag:$0x4], $0x80, s28, s20, $0xb8;
	[tilespmem:$0x1F800] =	vst v63  }
0xa0: {  	_ =	swait.ge [sflag:s29], $0x3C00  }
0xa1: {  	[sflag:s29] =	ssyncset.done $0x0  }
0xa2: {  	[sflag:s29] =	ssyncadd.s32 $0xFFFFC400  }
0xa3: {  	[spmem:s1] =	stream.indirect.scatter.add.f32 [tilespmem:s23], [sflag:$0x5], $0x80, s30, s20, $0xb8;
	[tilespmem:$0x1F800] =	vst v63  }
0xa4: {  	_ =	swait.ge [sflag:s7], $0x3C00  }
0xa5: {  	[sflag:s7] =	ssyncset.done $0x0  }
0xa6: {  	[sflag:s7] =	ssyncadd.s32 $0xFFFFC400  }
0xa7: {  	_ =	swait.ge [sflag:s31], $0x3C00  }
0xa8: {  	[sflag:s31] =	ssyncset.done $0x0  }
0xa9: {  	[sflag:s31] =	ssyncadd.s32 $0xFFFFC400  }
0xaa: {  	_ =	swait.ge [sflag:s5], $0x3C00  }
0xab: {  	[sflag:s5] =	ssyncset.done $0x0  }
0xac: {  	s13 =	rddreg [dreg:$0xa];
	[sflag:s5] =	ssyncadd.s32 $0xFFFFC400  }
0xad: {  	[tilespmem:s8], [sflag:$0x7] =	stream.linear.gather [hbm4b:s13+s3], $0x100, $0x38;
	[tilespmem:$0x1F800] =	vst v63  }
0xae: {  	_ =	swait.ge [sflag:s19], $0x100  }
0xaf: {  	[sflag:s19] =	ssyncset.done $0x0  }
0xb0: {  	[sflag:s19] =	ssyncadd.s32 $0xFFFFFF00  }
0xb1: {  	[tilespmem:s21], [sflag:$0x1] =	stream.indirect.gather [hbm4b:s4+s9], $0x80, s8, s9, $0xb8;
	[tilespmem:$0x1F800] =	vst v63  }
0xb2: {  	_ =	swait.ge [sflag:s26], $0x1400  }
0xb3: {  	[sflag:s26] =	ssyncset.done $0x0  }
0xb4: {  	s12 =	simm.s32 $0x380;
	[sflag:s26] =	ssyncadd.s32 $0xFFFFEC00  }
0xb5: {  	[spmem:s1] =	stream.indirect.scatter.add.f32 [tilespmem:s21], [sflag:$0x7], $0x80, s12, s9, $0xb8;
	[tilespmem:$0x1F800] =	vst v63  }
0xb6: {  	_ =	swait.ge [sflag:s19], $0x1400  }
0xb7: {  	[sflag:s19] =	ssyncset.done $0x0  }
0xb8: {  	s10 =	sadd.s32 $0x1, s10;
	[sflag:s19] =	ssyncadd.s32 $0xFFFFEC00  }
0xb9: {  	p0 =	sne.s32 s10, s14;
	[bflag:$0x0] =	sbarrier.arrive $0xFFFF  }
.Ltmp1:
0xba: {  	s13 =	rddreg [dreg:$0xb];
	(pc) =	sbr.rel @p0 .LBB2_1-.Ltmp1, $4  }
0xbb: {  	[hbm:s13], [sflag:s6] =	dma.local [spmem:s18], $0x2800  }
0xbc: {  	_ =	swait.ge [sflag:s19], $0x2800  }
0xbd: {  	[sflag:s19] =	ssyncset.done $0x0  }
0xbe: {  	[sflag:s19] =	ssyncadd.s32 $0xFFFFD800  }
0xbf: {  	_ =	sfence.sel $0x180000  }
0xc0: {  	[bflag:$0x0] =	sbarrier.arrive $0xFFFF  }
0xc1: {  	_ =	strace $0x9000004A  }
0xc2: {  	s0 =	stileid.u32;
	[bflag:$0x2] =	sbarrier.arrive $0xFFFF  }
0xc3: {  	p0 =	sne.s32 s0, $0x0;
	s0 =	rddreg [dreg:$0x3]  }
0xc4: {  	s0 =	sadd.s32 @!p0 $0x100000, s0  }
0xc5: {  	[sflag:s0] =	ssyncadd.tile.s32 @!p0 $0x1;
	_ =	shalt  }
.Lfunc_end2:
_tile_overlayer_lowered:
.L_overlay_start_2:
0xc6: {  	(tag) =	ssettag $0x2  }
0xc7: {  	s0 =	rddreg [dreg:$0x0];
	s2 =	stileid.u32  }
0xc8: {  	s1 =	rddreg [dreg:$0x1];
	p0 =	sne.s32 s2, $0x0  }
0xc9: {  	s3 =	rddreg [dreg:$0x2];
	[bflag:$0x3] =	sbarrier.arrive $0xFFFF;
	s2 =	simm.s32 @!p0 $0x1C07  }
0xca: {  	[timem:s3], [sflag:s2] =	dma.local @!p0 [hbm:s0], s1  }
0xcb: {  	s0 =	simm.s32 @!p0 $0x7  }
0xcc: {  	_ =	swait.ge @!p0 [sflag:s0], s1  }
0xcd: {  	s1 =	ssub.s32 @!p0 $0x0, s1;
	[sflag:s0] =	ssyncset.done @!p0 $0x0  }
0xce: {  	[sflag:s0] =	ssyncadd.s32 @!p0 s1  }
0xcf: {  	[bflag:$0x3] =	sbarrier.arrive $0xFFFF  }
0xd0: {  	_ =	shalt  }

// kernel: kernel.14.cloned.1.call-start
scs
__scs_entry_jumppad:
0x0: {  	(pc) =	sbr.rel $0x88, $3  }
0x1: {  	(tag) =	ssettag $0x0;
	lr =	simm.s32 $0x1  }
0x2: {  	[smem:$0x3F98] =	sst lr;
	_ =	strace $0xD0000000  }
0x3: {  	_ = 	snop  }
0x4: {  	_ = 	snop  }
0x5: {  	_ = 	snop  }
0x6: {  	_ = 	snop  }
0x7: {  	_ = 	snop  }
__scs_overlays_trampoline_lowered:
0x8: {  	[smem:$0x3FA7] =	sst s0  }
0x9: {  	[smem:$0x3FA8] =	sst s1  }
0xa: {  	[smem:$0x3FA9] =	sst s2  }
0xb: {  	[smem:$0x3FAA] =	sst s3  }
0xc: {  	[smem:$0x3FAB] =	sst s4  }
0xd: {  	[smem:$0x3FAC] =	sst s5  }
0xe: {  	[smem:$0x3FAD] =	sst s6  }
0xf: {  	[smem:$0x3FAE] =	sst s7  }
0x10: {  	[smem:$0x3FAF] =	sst s8  }
0x11: {  	[smem:$0x3FB0] =	sst s9;
	s0 =	simm.s32 @!p0 $0x0  }
0x12: {  	s1 =	sld [smem:$0x3F96];
	s0 =	simm.s32 @p0 $0x1  }
0x13: {  	[smem:$0x3FB1] =	sst s0;
	s0 =	simm.s32 @!p1 $0x0  }
0x14: {  	s2 =	sld [smem:$0x3F95];
	s0 =	simm.s32 @p1 $0x1  }
0x15: {  	[smem:$0x3FB2] =	sst s0;
	s0 =	simm.s32 @!p2 $0x0  }
0x16: {  	s3 =	sld [smem:$0x3FDB];
	s0 =	simm.s32 @p2 $0x1  }
0x17: {  	s4 =	simm.s32 $0x1BF5;
	[smem:$0x3FB4] =	sst s0  }
0x18: {  	s0 =	sld [smem:$0x3F97];
	_ =	swait.ge [sflag:s4], $0x0  }
0x19: {  	s7 =	sld [smem:$0x3F98]  }
0x1a: {  	s8 =	sadd.s32 $0xFFFFE003, lr  }
0x1b: {  	s9 =	sadd.s32 $0xFFFFFEF7, lr;
	s5 =	simm.s32 $0xFFFFFFFF;
	p2 =	slt.u32 s8, $0xFFFFF086  }
0x1c: {  	p1 =	slt.u32 s9, $0xF7A;
	s5 =	simm.s32 @!p2 $0x0  }
0x1d: {  	s5 =	simm.s32 @p1 $0x1;
	p0 =	seq.s32 s7, s2  }
0x1e: {  	s7 =	smul.u32 @!p0 $0xF7A, s2;
	p2 =	seq.s32 @!p0 s5, $0x0  }
0x1f: {  	s9 =	smul.u32 $0xF7A, s1;
	s8 =	simm.s32 @!p0 $0x1BF5;
	p2 =	por !p2, p0  }
0x20: {  	[sflag:s8] =	ssyncset.s32 @!p0 $0xFFFFF086;
	s6 =	sadd.s32 @!p0 s3, s7;
	s7 =	simm.s32 @!p0 $0x108  }
0x21: {  	s3 =	sadd.s32 s3, s9;
	s6 =	sadd.s32 @!p0 $0x88, s6;
	s7 =	simm.s32 @p2 $0x1082  }
0x22: {  	[simem:s7], [sflag:s8] =	dma.local @!p0 [hbm:s6], $0xF7A  }
0x23: {  	s9 =	sor.u32 $0xD0000000, s2;
	s6 =	simm.s32 $0x108;
	_ =	swait.ge @!p0 [sflag:s8], $0x0  }
0x24: {  	s3 =	sadd.s32 $0x88, s3;
	s6 =	simm.s32 @!p1 $0x1082;
	[sflag:s4] =	ssyncset.s32 $0xFFFFF086  }
0x25: {  	[simem:s6], [sflag:s4] =	dma.local [hbm:s3], $0xF7A  }
0x26: {  	[smem:$0x3F98] =	sst s1;
	(tag) =	ssettag s2;
	_ =	strace s9  }
0x27: {  	s1 =	sld [smem:$0x3FA8]  }
0x28: {  	s2 =	sld [smem:$0x3FA9]  }
0x29: {  	s4 =	sld [smem:$0x3FAB]  }
0x2a: {  	p0 =	seq.s32 s5, $0x0;
	s5 =	sld [smem:$0x3FAC]  }
0x2b: {  	s6 =	sld [smem:$0x3FAD]  }
0x2c: {  	s7 =	sld [smem:$0x3FAE]  }
0x2d: {  	s3 =	simm.s32 $0x108;
	s8 =	sld [smem:$0x3FAF]  }
0x2e: {  	s3 =	simm.s32 @!p0 $0x1082;
	s9 =	sld [smem:$0x3FB0]  }
0x2f: {  	lr =	sadd.s32 s0, s3;
	s0 =	sld [smem:$0x3FA7]  }
0x30: {  	s3 =	sld [smem:$0x3FAA]  }
0x31: {  	[smem:$0x3FB3] =	sst s10  }
0x32: {  	s10 =	sld [smem:$0x3FB1];
	_ =	sdelay $0x3  }
0x33: {  	p0 =	seq.s32 s10, $0x1;
	s10 =	sld [smem:$0x3FB3];
	_ =	sdelay $0x3  }
0x34: {  	[smem:$0x3FB3] =	sst s10  }
0x35: {  	s10 =	sld [smem:$0x3FB2];
	_ =	sdelay $0x3  }
0x36: {  	p1 =	seq.s32 s10, $0x1;
	s10 =	sld [smem:$0x3FB3];
	_ =	sdelay $0x3  }
0x37: {  	[smem:$0x3FB3] =	sst s10  }
0x38: {  	s10 =	sld [smem:$0x3FB4]  }
0x39: {  	_ = 	snop;
	(pc) =	sbr.ind lr, $3  }
0x3a: {  	_ = 	snop  }
0x3b: {  	_ = 	snop  }
0x3c: {  	p2 =	seq.s32 s10, $0x1;
	s10 =	sld [smem:$0x3FB3]  }
0x3d: {  	_ =	shalt  }
0x3e: {  	_ =	shalt  }
0x3f: {  	_ =	shalt  }
0x40: {  	_ =	shalt  }
0x41: {  	_ =	shalt  }
0x42: {  	_ =	shalt  }
0x43: {  	_ =	shalt  }
0x44: {  	_ =	shalt  }
0x45: {  	_ =	shalt  }
0x46: {  	_ =	shalt  }
0x47: {  	_ =	shalt  }
0x48: {  	_ =	shalt  }
0x49: {  	_ =	shalt  }
0x4a: {  	_ =	shalt  }
0x4b: {  	_ =	shalt  }
0x4c: {  	_ =	shalt  }
0x4d: {  	_ =	shalt  }
0x4e: {  	_ =	shalt  }
0x4f: {  	_ =	shalt  }
0x50: {  	_ =	shalt  }
0x51: {  	_ =	shalt  }
0x52: {  	_ =	shalt  }
0x53: {  	_ =	shalt  }
0x54: {  	_ =	shalt  }
0x55: {  	_ =	shalt  }
0x56: {  	_ =	shalt  }
0x57: {  	_ =	shalt  }
0x58: {  	_ =	shalt  }
0x59: {  	_ =	shalt  }
0x5a: {  	_ =	shalt  }
0x5b: {  	_ =	shalt  }
0x5c: {  	_ =	shalt  }
0x5d: {  	_ =	shalt  }
0x5e: {  	_ =	shalt  }
0x5f: {  	_ =	shalt  }
0x60: {  	_ =	shalt  }
0x61: {  	_ =	shalt  }
0x62: {  	_ =	shalt  }
0x63: {  	_ =	shalt  }
0x64: {  	_ =	shalt  }
0x65: {  	_ =	shalt  }
0x66: {  	_ =	shalt  }
0x67: {  	_ =	shalt  }
0x68: {  	_ =	shalt  }
0x69: {  	_ =	shalt  }
0x6a: {  	_ =	shalt  }
0x6b: {  	_ =	shalt  }
0x6c: {  	_ =	shalt  }
0x6d: {  	_ =	shalt  }
0x6e: {  	_ =	shalt  }
0x6f: {  	_ =	shalt  }
0x70: {  	_ =	shalt  }
0x71: {  	_ =	shalt  }
0x72: {  	_ =	shalt  }
0x73: {  	_ =	shalt  }
0x74: {  	_ =	shalt  }
0x75: {  	_ =	shalt  }
0x76: {  	_ =	shalt  }
0x77: {  	_ =	shalt  }
0x78: {  	_ =	shalt  }
0x79: {  	_ =	shalt  }
0x7a: {  	_ =	shalt  }
0x7b: {  	_ =	shalt  }
0x7c: {  	_ =	shalt  }
0x7d: {  	_ =	shalt  }
0x7e: {  	_ =	shalt  }
0x7f: {  	_ =	shalt  }
0x80: {  	_ =	shalt  }
0x81: {  	_ =	shalt  }
0x82: {  	_ =	shalt  }
0x83: {  	_ =	shalt  }
0x84: {  	_ =	shalt  }
0x85: {  	_ =	shalt  }
0x86: {  	_ =	shalt  }
0x87: {  	_ =	shalt  }
.Lfunc_end0:
.L_simem_size_0:
called_computation.2_lowered:
.L_overlay_start_0:
0x88: {  	s2 =	sld [smem:$0x3FD9]  }
0x89: {  	s3 =	sld [smem:$0x3FFE];
	_ =	sdelay $0x1  }
0x8a: {  	s1 =	srdreg.scid  }
0x8b: {  	s0 =	sand.u32 $0x1, s1  }
0x8c: {  	s14 =	sshll.u32 s0, $0xA;
	s2 =	sadd.s32 s3, s2  }
0x8d: {  	s2 =	sadd.s32 s2, s14  }
0x8e: {  	[smem:$0x3FBF] =	sst s2  }
0x8f: {  	_ = 	snop  }
0x90: {  	s2 =	sld [smem:$0x3FD0];
	_ =	sdelay $0x2  }
0x91: {  	s15 =	simm.s32 $0xA;
	s4 =	simm.s32 $0x10  }
0x92: {  	[smem:s4], [sflag:s15] =	dma.local [hbm:s2], $0x1  }
0x93: {  	_ =	swait.eq [sflag:s15], $0x1  }
0x94: {  	[sflag:s15] =	ssyncset.done $0x0  }
0x95: {  	[sflag:s15] =	ssyncadd.s32 $0xFFFFFFFF  }
0x96: {  	s16 =	sld [smem:$0x11];
	(tm) =	ssettm $0x1  }
0x97: {  	s17 =	sld [smem:$0x3FFB];
	_ =	sdelay $0x3  }
0x98: {  	_ =	strace s17  }
0x99: {  	s3 =	sld [smem:$0x3FFC];
	_ =	sdelay $0x3  }
0x9a: {  	_ =	strace s3  }
0x9b: {  	s3 =	sld [smem:$0x3FFD];
	_ =	sdelay $0x3  }
0x9c: {  	_ =	strace s3  }
0x9d: {  	_ =	strace $0x8FFFFFFF  }
0x9e: {  	s18 =	sld [smem:$0x3FDB];
	_ =	sdelay $0x1  }
0x9f: {  	s19 =	simm.s32 $_scs_section_size  }
0xa0: {  	s5 =	simm.s32 $_size__tile_overlayer_lowered;
	s6 =	simm.s32 $_tile_overlayer_lowered  }
0xa1: {  	s22 =	simm.s32 $0x1BFF;
	s21 =	sshll.u32 s6, $0x1;
	s3 =	sadd.s32 s19, s18  }
0xa2: {  	s7 =	simm.s32 $0x0;
	s20 =	sshll.u32 s5, $0x1;
	s5 =	sadd.s32 s21, s3  }
0xa3: {  	[timem:s7], [sflag:s22] =	dma.local [hbm:s5], s20  }
0xa4: {  	_ =	swait.ge [sflag:s22], s20  }
0xa5: {  	s4 =	ssub.s32 $0x0, s20;
	[sflag:s22] =	ssyncset.done $0x0  }
0xa6: {  	[sflag:s22] =	ssyncadd.s32 s4;
	_ =	sdelay $0x1  }
0xa7: {  	s23 =	simm.s32 $0x1B8B  }
0xa8: {  	_ =	swait.ge [sflag:s23], $0x1  }
0xa9: {  	[sflag:s23] =	ssyncset.done $0x0  }
0xaa: {  	s25 =	simm.s32 $0x1B8E;
	s24 =	sld [smem:$0x3FFE];
	[sflag:s23] =	ssyncadd.s32 $0xFFFFFFFF  }
0xab: {  	s26 =	simm.s32 $execute0_lowered;
	[smem:$0x3FD2] =	sst s25  }
0xac: {  	s5 =	sshll.u32 s26, $0x1;
	_ =	strace $0x8000004C;
	[dreg:$0x1] =	wrdreg $0xFFFFFFFF  }
0xad: {  	s28 =	simm.s32 $_size_execute0_lowered;
	s3 =	sadd.s32 s3, s5;
	[dreg:$0x0] =	wrdreg $0x0  }
0xae: {  	s5 =	sshll.u32 s28, $0x1;
	[dreg:$0x2] =	wrdreg s3  }
0xaf: {  	[dreg:$0x3] =	wrdreg s5  }
0xb0: {  	[dreg:$0x4] =	wrdreg $0xC0  }
0xb1: {  	_ =	task [dreg:s7], $0x5FFFF  }
0xb2: {  	[dreg:$0x1] =	wrdreg $0xFFFFFFFF  }
0xb3: {  	[dreg:$0x0] =	wrdreg $0x60  }
0xb4: {  	[dreg:$0x2] =	wrdreg s24  }
0xb5: {  	[dreg:$0x3] =	wrdreg s16  }
0xb6: {  	[dreg:$0x4] =	wrdreg $0xB8000  }
0xb7: {  	[dreg:$0x5] =	wrdreg $0x9  }
0xb8: {  	_ =	task.clear_ibuf [dreg:s7], $0x6FFFF;
	_ =	strace $0x9000004C  }
0xb9: {  	s29 =	simm.s32 $0x9;
	_ =	strace $0x8000004E  }
0xba: {  	_ =	swait.ge [sflag:s29], $0x1  }
0xbb: {  	[sflag:s29] =	ssyncadd.s32 $0xFFFFFFFF  }
0xbc: {  	_ =	strace $0x9000004E  }
0xbd: {  	_ =	sfence  }
0xbe: {  	s30 =	sld [smem:$0x0];
	_ =	sdelay $0x2  }
0xbf: {  	s31 =	sshll.u32 s1, $0xD;
	s1 =	sshrl.u32 s1, $0x2  }
0xc0: {  	s3 =	sand.u32 $0x4000, s31;
	s1 =	sadd.s32 s1, s30  }
0xc1: {  	s0 =	sor.u32 s3, s0;
	s1 =	sshll.u32 s1, $0x11  }
0xc2: {  	s0 =	sor.u32 s1, s0  }
0xc3: {  	s0 =	sadd.s32 $0x8F2B, s0  }
0xc4: {  	[sflag:s0] =	ssyncadd.remote.s32 $0x1  }
0xc5: {  	_ =	sfence.sel $0xFFFF  }
0xc6: {  	[dreg:$0x0] =	wrdreg $0xFFFFFFFF;
	(pc) =	sbr.abs _section_cstart, $3  }
0xc7: {  	[dreg:$0x1] =	wrdreg $0xFFFFFFFF  }
0xc8: {  	_ =	task.clear_ibuf [dreg:s7], $0x2FFFF;
	_ =	strace $0x9FFFFFFF  }
0xc9: {  	(tm) =	ssettm $0x7FFFFFFF  }
tec
execute0_lowered:
.L_overlay_start_1:
0x0: {  	(tag) =	ssettag $0x1  }
0x1: {  	s0 =	rddreg [dreg:$0x0]  }
0x2: {  	s2 =	rddreg [dreg:$0x1]  }
0x3: {  	s1 =	rddreg [dreg:$0x2]  }
0x4: {  	s3 =	simm.s32 $0x0;
	s15 =	stileid.u32;
	s5 =	srdreg.scid  }
0x5: {  	s28 =	simm.s32 $0x80;
	s29 =	simm.s32 $0x2;
	s30 =	simm.s32 $0x180  }
0x6: {  	s31 =	simm.s32 $0x4;
	[smem:$0x7FF] =	sst s3;
	s6 =	smul.u32 $0x2800, s15  }
0x7: {  	s4 =	sadd.s32 $0x22000, s0;
	s5 =	sand.u32 $0x1, s5;
	s11 =	smul.u32 $0x50000, s15  }
0x8: {  	s7 =	sadd.s32 $0xD400, s0;
	s14 =	smul.u32 $0x300, s15;
	s18 =	sshll.u32 s15, $0x6  }
0x9: {  	s21 =	sshll.u32 s15, $0x5;
	s22 =	smul.u32 $0x53, s15;
	_ =	strace $0x8000004D  }
0xa: {  	s8 =	smul.u32 $0x28000, s5;
	s9 =	sshll.u32 s5, $0x4;
	s26 =	ssub.s32 $0x2, s5  }
0xb: {  	s5 =	smul.u32 $0x530, s5;
	s10 =	sadd.s32 s6, s0;
	s9 =	sor.u32 s15, s9  }
0xc: {  	s13 =	sshrl.u32 s26, $0x1;
	s11 =	sshrl.u32 s11, $0x2;
	s17 =	sand.u32 $0x300, s14  }
0xd: {  	s6 =	sadd.s32 s6, s8;
	s12 =	smul.u32 $0x5300, s9;
	s8 =	ssub.s32 s26, s13  }
0xe: {  	s11 =	sadd.s32 s11, s1;
	s13 =	sadd.s32 $0x49200, s10;
	s9 =	sshll.u32 s9, $0x5  }
0xf: {  	s5 =	sadd.s32 s22, s5;
	s22 =	simm.s32 $0x100;
	s0 =	sadd.s32 s6, s0  }
0x10: {  	[dreg:$0x4] =	wrdreg s13;
	s6 =	sor.u32 $0x1C07, s18;
	s9 =	sand.u32 $0x380, s9  }
0x11: {  	s25 =	sshll.u32 s5, $0x5;
	s14 =	smax.u32 s8, $0x1;
	s18 =	sshrl.u32 s11, $0x3  }
0x12: {  	s5 =	simm.s32 $0x5;
	s8 =	simm.s32 $0x300;
	s16 =	sand.u32 $0xFFC00, s12  }
0x13: {  	s12 =	sshrl.u32 s12, $0x3;
	s0 =	sadd.s32 $0x71200, s0;
	s26 =	sadd.s32 s25, s7  }
0x14: {  	s25 =	simm.s32 $0x7C00;
	s10 =	sor.u32 s17, s16;
	s12 =	sadd.s32 s7, s12  }
0x15: {  	[dreg:$0xb] =	wrdreg s0;
	s15 =	sadd.s32 $0xA0, s26;
	s16 =	sadd.s32 $0x80, s26  }
0x16: {  	s17 =	sadd.s32 $0x60, s26;
	s26 =	simm.s32 $0x1;
	s19 =	sadd.s32 $0x20, s12  }
0x17: {  	s0 =	simm.s32 $0x3;
	s20 =	sadd.s32 $0x40, s12;
	[dreg:$0x6] =	wrdreg s19  }
0x18: {  	s10 =	sshrl.u32 s10, $0x3;
	s23 =	sadd.s32 $0xA20, s12;
	[dreg:$0x7] =	wrdreg s20  }
0x19: {  	s24 =	sadd.s32 $0xA40, s12;
	s10 =	sadd.s32 s7, s10;
	[dreg:$0x8] =	wrdreg s23  }
0x1a: {  	[dreg:$0x9] =	wrdreg s24;
	s19 =	simm.s32 $0x7;
	s20 =	simm.s32 $0x78  }
0x1b: {  	s23 =	simm.s32 $0x4000;
	[dreg:$0x5] =	wrdreg s10;
	s10 =	sand.u32 $0x60, s21  }
0x1c: {  	s24 =	simm.s32 $0x200;
	s7 =	simm.s32 $0x6;
	s2 =	sadd.s32 s2, s10  }
0x1d: {  	s21 =	simm.s32 $0x400;
	s10 =	simm.s32 $0x0;
	s2 =	sadd.s32 s9, s2  }
0x1e: {  	s9 =	simm.s32 $0x28;
	[dreg:$0xa] =	wrdreg s2;
	s2 =	simm.s32 $0x280  }
.LBB2_1:
0x1f: {  	s11 =	rddreg [dreg:$0x4]  }
0x20: {  	[spmem:s18], [sflag:s6] =	dma.local [hbm:s11], $0x2800  }
0x21: {  	_ =	swait.ge [sflag:s19], $0x2800  }
0x22: {  	[sflag:s19] =	ssyncset.done $0x0  }
0x23: {  	[sflag:s19] =	ssyncadd.s32 $0xFFFFD800  }
0x24: {  	[bflag:$0x0] =	sbarrier.arrive $0xFFFF  }
0x25: {  	s12 =	rddreg [dreg:$0x5]  }
0x26: {  	[tilespmem:s3], [sflag:$0x7] =	stream.linear.gather [hbm4b:s12+s3], $0x100, $0x38;
	[tilespmem:$0x1F800] =	vst v63  }
0x27: {  	_ =	swait.ge [sflag:s19], $0x100  }
0x28: {  	[sflag:s19] =	ssyncset.done $0x0  }
0x29: {  	[sflag:s19] =	ssyncadd.s32 $0xFFFFFF00  }
0x2a: {  	[tilespmem:s21], [sflag:$0x1] =	stream.indirect.gather [hbm4b:s4+s20], $0x80, s3, s20, $0xb8;
	[tilespmem:$0x1F800] =	vst v63  }
0x2b: {  	s13 =	rddreg [dreg:$0x6]  }
0x2c: {  	[tilespmem:s22], [sflag:$0x7] =	stream.linear.gather [hbm4b:s13+s3], $0x100, $0x38;
	[tilespmem:$0x1F800] =	vst v63  }
0x2d: {  	_ =	swait.ge [sflag:s19], $0x100  }
0x2e: {  	[sflag:s19] =	ssyncset.done $0x0  }
0x2f: {  	[sflag:s19] =	ssyncadd.s32 $0xFFFFFF00  }
0x30: {  	[tilespmem:s23], [sflag:$0x2] =	stream.indirect.gather [hbm4b:s4+s20], $0x80, s22, s20, $0xb8;
	[tilespmem:$0x1F800] =	vst v63  }
0x31: {  	s12 =	rddreg [dreg:$0x7]  }
0x32: {  	[tilespmem:s24], [sflag:$0x7] =	stream.linear.gather [hbm4b:s12+s3], $0x100, $0x38;
	[tilespmem:$0x1F800] =	vst v63  }
0x33: {  	_ =	swait.ge [sflag:s19], $0x100  }
0x34: {  	[sflag:s19] =	ssyncset.done $0x0  }
0x35: {  	[sflag:s19] =	ssyncadd.s32 $0xFFFFFF00  }
0x36: {  	[tilespmem:s25], [sflag:$0x3] =	stream.indirect.gather [hbm4b:s4+s20], $0x80, s24, s20, $0xb8;
	[tilespmem:$0x1F800] =	vst v63  }
0x37: {  	_ =	swait.ge [sflag:s26], $0x3C00  }
0x38: {  	[sflag:s26] =	ssyncset.done $0x0  }
0x39: {  	[sflag:s26] =	ssyncadd.s32 $0xFFFFC400  }
0x3a: {  	[spmem:s1] =	stream.indirect.scatter.add.f32 [tilespmem:s21], [sflag:$0x4], $0x80, s28, s20, $0xb8;
	[tilespmem:$0x1F800] =	vst v63  }
0x3b: {  	_ =	swait.ge [sflag:s29], $0x3C00  }
0x3c: {  	[sflag:s29] =	ssyncset.done $0x0  }
0x3d: {  	[sflag:s29] =	ssyncadd.s32 $0xFFFFC400  }
0x3e: {  	[spmem:s1] =	stream.indirect.scatter.add.f32 [tilespmem:s23], [sflag:$0x5], $0x80, s30, s20, $0xb8;
	[tilespmem:$0x1F800] =	vst v63  }
0x3f: {  	_ =	swait.ge [sflag:s31], $0x3C00  }
0x40: {  	[sflag:s31] =	ssyncset.done $0x0  }
0x41: {  	s13 =	sadd.s32 $0x0, s17;
	[sflag:s31] =	ssyncadd.s32 $0xFFFFC400  }
0x42: {  	[tilespmem:s3], [sflag:$0x7] =	stream.linear.gather [hbm4b:s13+s3], $0x100, $0x38;
	[tilespmem:$0x1F800] =	vst v63  }
0x43: {  	_ =	swait.ge [sflag:s19], $0x100  }
0x44: {  	[sflag:s19] =	ssyncset.done $0x0  }
0x45: {  	[sflag:s19] =	ssyncadd.s32 $0xFFFFFF00  }
0x46: {  	[tilespmem:s21], [sflag:$0x1] =	stream.indirect.gather [hbm4b:s4+s20], $0x80, s3, s20, $0xb8;
	[tilespmem:$0x1F800] =	vst v63  }
0x47: {  	_ =	swait.ge [sflag:s0], $0x3C00  }
0x48: {  	[sflag:s0] =	ssyncset.done $0x0  }
0x49: {  	[sflag:s0] =	ssyncadd.s32 $0xFFFFC400  }
0x4a: {  	[spmem:s1] =	stream.indirect.scatter.add.f32 [tilespmem:s25], [sflag:$0x6], $0x80, s2, s20, $0xb8;
	[tilespmem:$0x1F800] =	vst v63  }
0x4b: {  	_ =	swait.ge [sflag:s5], $0x3C00  }
0x4c: {  	[sflag:s5] =	ssyncset.done $0x0  }
0x4d: {  	s12 =	sadd.s32 $0x0, s16;
	[sflag:s5] =	ssyncadd.s32 $0xFFFFC400  }
0x4e: {  	[tilespmem:s22], [sflag:$0x7] =	stream.linear.gather [hbm4b:s12+s3], $0x100, $0x38;
	[tilespmem:$0x1F800] =	vst v63  }
0x4f: {  	_ =	swait.ge [sflag:s19], $0x100  }
0x50: {  	[sflag:s19] =	ssyncset.done $0x0  }
0x51: {  	[sflag:s19] =	ssyncadd.s32 $0xFFFFFF00  }
0x52: {  	[tilespmem:s23], [sflag:$0x2] =	stream.indirect.gather [hbm4b:s4+s20], $0x80, s22, s20, $0xb8;
	[tilespmem:$0x1F800] =	vst v63  }
0x53: {  	_ =	swait.ge [sflag:s26], $0x3C00  }
0x54: {  	[sflag:s26] =	ssyncset.done $0x0  }
0x55: {  	[sflag:s26] =	ssyncadd.s32 $0xFFFFC400  }
0x56: {  	[spmem:s1] =	stream.indirect.scatter.add.f32 [tilespmem:s21], [sflag:$0x4], $0x80, s28, s20, $0xb8;
	[tilespmem:$0x1F800] =	vst v63  }
0x57: {  	_ =	swait.ge [sflag:s7], $0x3C00  }
0x58: {  	[sflag:s7] =	ssyncset.done $0x0  }
0x59: {  	s13 =	sadd.s32 $0x0, s15;
	[sflag:s7] =	ssyncadd.s32 $0xFFFFC400  }
0x5a: {  	[tilespmem:s24], [sflag:$0x7] =	stream.linear.gather [hbm4b:s13+s3], $0x100, $0x38;
	[tilespmem:$0x1F800] =	vst v63  }
0x5b: {  	_ =	swait.ge [sflag:s19], $0x100  }
0x5c: {  	[sflag:s19] =	ssyncset.done $0x0  }
0x5d: {  	[sflag:s19] =	ssyncadd.s32 $0xFFFFFF00  }
0x5e: {  	[tilespmem:s25], [sflag:$0x3] =	stream.indirect.gather [hbm4b:s4+s20], $0x80, s24, s20, $0xb8;
	[tilespmem:$0x1F800] =	vst v63  }
0x5f: {  	_ =	swait.ge [sflag:s29], $0x3C00  }
0x60: {  	[sflag:s29] =	ssyncset.done $0x0  }
0x61: {  	s11 =	simm.s32 $0x60;
	[sflag:s29] =	ssyncadd.s32 $0xFFFFC400  }
.LBB2_2:
0x62: {  	[spmem:s1] =	stream.indirect.scatter.add.f32 [tilespmem:s23], [sflag:$0x5], $0x80, s30, s20, $0xb8;
	[tilespmem:$0x1F800] =	vst v63  }
0x63: {  	s12 =	smov.u32 s11  }
0x64: {  	p0 =	sne.s32 s11, $0x960;
	s11 =	sadd.s32 $0x60, s11;
	_ =	swait.ge [sflag:s31], $0x3C00  }
0x65: {  	[sflag:s31] =	ssyncset.done $0x0  }
0x66: {  	s13 =	sadd.s32 s12, s17;
	[sflag:s31] =	ssyncadd.s32 $0xFFFFC400  }
0x67: {  	[tilespmem:s3], [sflag:$0x7] =	stream.linear.gather [hbm4b:s13+s3], $0x100, $0x38;
	[tilespmem:$0x1F800] =	vst v63  }
0x68: {  	_ =	swait.ge [sflag:s19], $0x100  }
0x69: {  	[sflag:s19] =	ssyncset.done $0x0  }
0x6a: {  	[sflag:s19] =	ssyncadd.s32 $0xFFFFFF00  }
0x6b: {  	[tilespmem:s21], [sflag:$0x1] =	stream.indirect.gather [hbm4b:s4+s20], $0x80, s3, s20, $0xb8;
	[tilespmem:$0x1F800] =	vst v63  }
0x6c: {  	_ =	swait.ge [sflag:s0], $0x3C00  }
0x6d: {  	[sflag:s0] =	ssyncset.done $0x0  }
0x6e: {  	[sflag:s0] =	ssyncadd.s32 $0xFFFFC400  }
0x6f: {  	[spmem:s1] =	stream.indirect.scatter.add.f32 [tilespmem:s25], [sflag:$0x6], $0x80, s2, s20, $0xb8;
	[tilespmem:$0x1F800] =	vst v63  }
0x70: {  	_ =	swait.ge [sflag:s5], $0x3C00  }
0x71: {  	[sflag:s5] =	ssyncset.done $0x0  }
0x72: {  	s13 =	sadd.s32 s12, s16;
	[sflag:s5] =	ssyncadd.s32 $0xFFFFC400  }
0x73: {  	[tilespmem:s22], [sflag:$0x7] =	stream.linear.gather [hbm4b:s13+s3], $0x100, $0x38;
	[tilespmem:$0x1F800] =	vst v63  }
0x74: {  	_ =	swait.ge [sflag:s19], $0x100  }
0x75: {  	[sflag:s19] =	ssyncset.done $0x0  }
0x76: {  	[sflag:s19] =	ssyncadd.s32 $0xFFFFFF00  }
0x77: {  	[tilespmem:s23], [sflag:$0x2] =	stream.indirect.gather [hbm4b:s4+s20], $0x80, s22, s20, $0xb8;
	[tilespmem:$0x1F800] =	vst v63  }
0x78: {  	_ =	swait.ge [sflag:s26], $0x3C00  }
0x79: {  	[sflag:s26] =	ssyncset.done $0x0  }
0x7a: {  	[sflag:s26] =	ssyncadd.s32 $0xFFFFC400  }
0x7b: {  	[spmem:s1] =	stream.indirect.scatter.add.f32 [tilespmem:s21], [sflag:$0x4], $0x80, s28, s20, $0xb8;
	[tilespmem:$0x1F800] =	vst v63  }
0x7c: {  	_ =	swait.ge [sflag:s7], $0x3C00  }
0x7d: {  	[sflag:s7] =	ssyncset.done $0x0  }
0x7e: {  	s12 =	sadd.s32 s12, s15;
	[sflag:s7] =	ssyncadd.s32 $0xFFFFC400  }
0x7f: {  	[tilespmem:s24], [sflag:$0x7] =	stream.linear.gather [hbm4b:s12+s3], $0x100, $0x38;
	[tilespmem:$0x1F800] =	vst v63  }
0x80: {  	_ =	swait.ge [sflag:s19], $0x100  }
0x81: {  	[sflag:s19] =	ssyncset.done $0x0  }
.Ltmp0:
0x82: {  	[sflag:s19] =	ssyncadd.s32 $0xFFFFFF00;
	(pc) =	sbr.rel @p0 .LBB2_2-.Ltmp0, $4  }
0x83: {  	[tilespmem:s25], [sflag:$0x3] =	stream.indirect.gather [hbm4b:s4+s20], $0x80, s24, s20, $0xb8;
	[tilespmem:$0x1F800] =	vst v63  }
0x84: {  	_ =	swait.ge [sflag:s29], $0x3C00  }
0x85: {  	[sflag:s29] =	ssyncset.done $0x0  }
0x86: {  	[sflag:s29] =	ssyncadd.s32 $0xFFFFC400  }
0x87: {  	[spmem:s1] =	stream.indirect.scatter.add.f32 [tilespmem:s23], [sflag:$0x5], $0x80, s30, s20, $0xb8;
	[tilespmem:$0x1F800] =	vst v63  }
0x88: {  	_ =	swait.ge [sflag:s31], $0x3C00  }
0x89: {  	[sflag:s31] =	ssyncset.done $0x0  }
0x8a: {  	s11 =	rddreg [dreg:$0x8];
	[sflag:s31] =	ssyncadd.s32 $0xFFFFC400  }
0x8b: {  	[tilespmem:s3], [sflag:$0x7] =	stream.linear.gather [hbm4b:s11+s3], $0x100, $0x38;
	[tilespmem:$0x1F800] =	vst v63  }
0x8c: {  	_ =	swait.ge [sflag:s19], $0x100  }
0x8d: {  	[sflag:s19] =	ssyncset.done $0x0  }
0x8e: {  	[sflag:s19] =	ssyncadd.s32 $0xFFFFFF00  }
0x8f: {  	[tilespmem:s21], [sflag:$0x1] =	stream.indirect.gather [hbm4b:s4+s20], $0x80, s3, s20, $0xb8;
	[tilespmem:$0x1F800] =	vst v63  }
0x90: {  	_ =	swait.ge [sflag:s0], $0x3C00  }
0x91: {  	[sflag:s0] =	ssyncset.done $0x0  }
0x92: {  	[sflag:s0] =	ssyncadd.s32 $0xFFFFC400  }
0x93: {  	[spmem:s1] =	stream.indirect.scatter.add.f32 [tilespmem:s25], [sflag:$0x6], $0x80, s2, s20, $0xb8;
	[tilespmem:$0x1F800] =	vst v63  }
0x94: {  	_ =	swait.ge [sflag:s5], $0x3C00  }
0x95: {  	[sflag:s5] =	ssyncset.done $0x0  }
0x96: {  	s12 =	rddreg [dreg:$0x9];
	[sflag:s5] =	ssyncadd.s32 $0xFFFFC400  }
0x97: {  	[tilespmem:s22], [sflag:$0x7] =	stream.linear.gather [hbm4b:s12+s3], $0x100, $0x38;
	[tilespmem:$0x1F800] =	vst v63  }
0x98: {  	_ =	swait.ge [sflag:s19], $0x100  }
0x99: {  	[sflag:s19] =	ssyncset.done $0x0  }
0x9a: {  	[sflag:s19] =	ssyncadd.s32 $0xFFFFFF00  }
0x9b: {  	[tilespmem:s23], [sflag:$0x2] =	stream.indirect.gather [hbm4b:s4+s20], $0x80, s22, s20, $0xb8;
	[tilespmem:$0x1F800] =	vst v63  }
0x9c: {  	_ =	swait.ge [sflag:s26], $0x3C00  }
0x9d: {  	[sflag:s26] =	ssyncset.done $0x0  }
0x9e: {  	[sflag:s26] =	ssyncadd.s32 $0xFFFFC400  }
0x9f: {  	[spmem:s1] =	stream.indirect.scatter.add.f32 [tilespmem:s21], [sflag:$0x4], $0x80, s28, s20, $0xb8;
	[tilespmem:$0x1F800] =	vst v63  }
0xa0: {  	_ =	swait.ge [sflag:s29], $0x3C00  }
0xa1: {  	[sflag:s29] =	ssyncset.done $0x0  }
0xa2: {  	[sflag:s29] =	ssyncadd.s32 $0xFFFFC400  }
0xa3: {  	[spmem:s1] =	stream.indirect.scatter.add.f32 [tilespmem:s23], [sflag:$0x5], $0x80, s30, s20, $0xb8;
	[tilespmem:$0x1F800] =	vst v63  }
0xa4: {  	_ =	swait.ge [sflag:s7], $0x3C00  }
0xa5: {  	[sflag:s7] =	ssyncset.done $0x0  }
0xa6: {  	[sflag:s7] =	ssyncadd.s32 $0xFFFFC400  }
0xa7: {  	_ =	swait.ge [sflag:s31], $0x3C00  }
0xa8: {  	[sflag:s31] =	ssyncset.done $0x0  }
0xa9: {  	[sflag:s31] =	ssyncadd.s32 $0xFFFFC400  }
0xaa: {  	_ =	swait.ge [sflag:s5], $0x3C00  }
0xab: {  	[sflag:s5] =	ssyncset.done $0x0  }
0xac: {  	s13 =	rddreg [dreg:$0xa];
	[sflag:s5] =	ssyncadd.s32 $0xFFFFC400  }
0xad: {  	[tilespmem:s8], [sflag:$0x7] =	stream.linear.gather [hbm4b:s13+s3], $0x100, $0x38;
	[tilespmem:$0x1F800] =	vst v63  }
0xae: {  	_ =	swait.ge [sflag:s19], $0x100  }
0xaf: {  	[sflag:s19] =	ssyncset.done $0x0  }
0xb0: {  	[sflag:s19] =	ssyncadd.s32 $0xFFFFFF00  }
0xb1: {  	[tilespmem:s21], [sflag:$0x1] =	stream.indirect.gather [hbm4b:s4+s9], $0x80, s8, s9, $0xb8;
	[tilespmem:$0x1F800] =	vst v63  }
0xb2: {  	_ =	swait.ge [sflag:s26], $0x1400  }
0xb3: {  	[sflag:s26] =	ssyncset.done $0x0  }
0xb4: {  	s12 =	simm.s32 $0x380;
	[sflag:s26] =	ssyncadd.s32 $0xFFFFEC00  }
0xb5: {  	[spmem:s1] =	stream.indirect.scatter.add.f32 [tilespmem:s21], [sflag:$0x7], $0x80, s12, s9, $0xb8;
	[tilespmem:$0x1F800] =	vst v63  }
0xb6: {  	_ =	swait.ge [sflag:s19], $0x1400  }
0xb7: {  	[sflag:s19] =	ssyncset.done $0x0  }
0xb8: {  	s10 =	sadd.s32 $0x1, s10;
	[sflag:s19] =	ssyncadd.s32 $0xFFFFEC00  }
0xb9: {  	p0 =	sne.s32 s10, s14;
	[bflag:$0x0] =	sbarrier.arrive $0xFFFF  }
.Ltmp1:
0xba: {  	s13 =	rddreg [dreg:$0xb];
	(pc) =	sbr.rel @p0 .LBB2_1-.Ltmp1, $4  }
0xbb: {  	[hbm:s13], [sflag:s6] =	dma.local [spmem:s18], $0x2800  }
0xbc: {  	_ =	swait.ge [sflag:s19], $0x2800  }
0xbd: {  	[sflag:s19] =	ssyncset.done $0x0  }
0xbe: {  	[sflag:s19] =	ssyncadd.s32 $0xFFFFD800  }
0xbf: {  	_ =	sfence.sel $0x180000  }
0xc0: {  	[bflag:$0x0] =	sbarrier.arrive $0xFFFF  }
0xc1: {  	_ =	strace $0x9000004D  }
0xc2: {  	s0 =	stileid.u32;
	[bflag:$0x2] =	sbarrier.arrive $0xFFFF  }
0xc3: {  	p0 =	sne.s32 s0, $0x0;
	s0 =	rddreg [dreg:$0x3]  }
0xc4: {  	s0 =	sadd.s32 @!p0 $0x100000, s0  }
0xc5: {  	[sflag:s0] =	ssyncadd.tile.s32 @!p0 $0x1;
	_ =	shalt  }
.Lfunc_end2:
_tile_overlayer_lowered:
.L_overlay_start_2:
0xc6: {  	(tag) =	ssettag $0x2  }
0xc7: {  	s0 =	rddreg [dreg:$0x0];
	s2 =	stileid.u32  }
0xc8: {  	s1 =	rddreg [dreg:$0x1];
	p0 =	sne.s32 s2, $0x0  }
0xc9: {  	s3 =	rddreg [dreg:$0x2];
	[bflag:$0x3] =	sbarrier.arrive $0xFFFF;
	s2 =	simm.s32 @!p0 $0x1C07  }
0xca: {  	[timem:s3], [sflag:s2] =	dma.local @!p0 [hbm:s0], s1  }
0xcb: {  	s0 =	simm.s32 @!p0 $0x7  }
0xcc: {  	_ =	swait.ge @!p0 [sflag:s0], s1  }
0xcd: {  	s1 =	ssub.s32 @!p0 $0x0, s1;
	[sflag:s0] =	ssyncset.done @!p0 $0x0  }
0xce: {  	[sflag:s0] =	ssyncadd.s32 @!p0 s1  }
0xcf: {  	[bflag:$0x3] =	sbarrier.arrive $0xFFFF  }
0xd0: {  	_ =	shalt  }

// kernel: kernel.8.cloned.1.call-start
scs
__scs_entry_jumppad:
0x0: {  	(pc) =	sbr.rel $0x88, $3  }
0x1: {  	(tag) =	ssettag $0x0;
	lr =	simm.s32 $0x1  }
0x2: {  	[smem:$0x3F98] =	sst lr;
	_ =	strace $0xD0000000  }
0x3: {  	_ = 	snop  }
0x4: {  	_ = 	snop  }
0x5: {  	_ = 	snop  }
0x6: {  	_ = 	snop  }
0x7: {  	_ = 	snop  }
__scs_overlays_trampoline_lowered:
0x8: {  	[smem:$0x3FA7] =	sst s0  }
0x9: {  	[smem:$0x3FA8] =	sst s1  }
0xa: {  	[smem:$0x3FA9] =	sst s2  }
0xb: {  	[smem:$0x3FAA] =	sst s3  }
0xc: {  	[smem:$0x3FAB] =	sst s4  }
0xd: {  	[smem:$0x3FAC] =	sst s5  }
0xe: {  	[smem:$0x3FAD] =	sst s6  }
0xf: {  	[smem:$0x3FAE] =	sst s7  }
0x10: {  	[smem:$0x3FAF] =	sst s8  }
0x11: {  	[smem:$0x3FB0] =	sst s9;
	s0 =	simm.s32 @!p0 $0x0  }
0x12: {  	s1 =	sld [smem:$0x3F96];
	s0 =	simm.s32 @p0 $0x1  }
0x13: {  	[smem:$0x3FB1] =	sst s0;
	s0 =	simm.s32 @!p1 $0x0  }
0x14: {  	s2 =	sld [smem:$0x3F95];
	s0 =	simm.s32 @p1 $0x1  }
0x15: {  	[smem:$0x3FB2] =	sst s0;
	s0 =	simm.s32 @!p2 $0x0  }
0x16: {  	s3 =	sld [smem:$0x3FDB];
	s0 =	simm.s32 @p2 $0x1  }
0x17: {  	s4 =	simm.s32 $0x1BF5;
	[smem:$0x3FB4] =	sst s0  }
0x18: {  	s0 =	sld [smem:$0x3F97];
	_ =	swait.ge [sflag:s4], $0x0  }
0x19: {  	s7 =	sld [smem:$0x3F98]  }
0x1a: {  	s8 =	sadd.s32 $0xFFFFE003, lr  }
0x1b: {  	s9 =	sadd.s32 $0xFFFFFEF7, lr;
	s5 =	simm.s32 $0xFFFFFFFF;
	p2 =	slt.u32 s8, $0xFFFFF086  }
0x1c: {  	p1 =	slt.u32 s9, $0xF7A;
	s5 =	simm.s32 @!p2 $0x0  }
0x1d: {  	s5 =	simm.s32 @p1 $0x1;
	p0 =	seq.s32 s7, s2  }
0x1e: {  	s7 =	smul.u32 @!p0 $0xF7A, s2;
	p2 =	seq.s32 @!p0 s5, $0x0  }
0x1f: {  	s9 =	smul.u32 $0xF7A, s1;
	s8 =	simm.s32 @!p0 $0x1BF5;
	p2 =	por !p2, p0  }
0x20: {  	[sflag:s8] =	ssyncset.s32 @!p0 $0xFFFFF086;
	s6 =	sadd.s32 @!p0 s3, s7;
	s7 =	simm.s32 @!p0 $0x108  }
0x21: {  	s3 =	sadd.s32 s3, s9;
	s6 =	sadd.s32 @!p0 $0x88, s6;
	s7 =	simm.s32 @p2 $0x1082  }
0x22: {  	[simem:s7], [sflag:s8] =	dma.local @!p0 [hbm:s6], $0xF7A  }
0x23: {  	s9 =	sor.u32 $0xD0000000, s2;
	s6 =	simm.s32 $0x108;
	_ =	swait.ge @!p0 [sflag:s8], $0x0  }
0x24: {  	s3 =	sadd.s32 $0x88, s3;
	s6 =	simm.s32 @!p1 $0x1082;
	[sflag:s4] =	ssyncset.s32 $0xFFFFF086  }
0x25: {  	[simem:s6], [sflag:s4] =	dma.local [hbm:s3], $0xF7A  }
0x26: {  	[smem:$0x3F98] =	sst s1;
	(tag) =	ssettag s2;
	_ =	strace s9  }
0x27: {  	s1 =	sld [smem:$0x3FA8]  }
0x28: {  	s2 =	sld [smem:$0x3FA9]  }
0x29: {  	s4 =	sld [smem:$0x3FAB]  }
0x2a: {  	p0 =	seq.s32 s5, $0x0;
	s5 =	sld [smem:$0x3FAC]  }
0x2b: {  	s6 =	sld [smem:$0x3FAD]  }
0x2c: {  	s7 =	sld [smem:$0x3FAE]  }
0x2d: {  	s3 =	simm.s32 $0x108;
	s8 =	sld [smem:$0x3FAF]  }
0x2e: {  	s3 =	simm.s32 @!p0 $0x1082;
	s9 =	sld [smem:$0x3FB0]  }
0x2f: {  	lr =	sadd.s32 s0, s3;
	s0 =	sld [smem:$0x3FA7]  }
0x30: {  	s3 =	sld [smem:$0x3FAA]  }
0x31: {  	[smem:$0x3FB3] =	sst s10  }
0x32: {  	s10 =	sld [smem:$0x3FB1];
	_ =	sdelay $0x3  }
0x33: {  	p0 =	seq.s32 s10, $0x1;
	s10 =	sld [smem:$0x3FB3];
	_ =	sdelay $0x3  }
0x34: {  	[smem:$0x3FB3] =	sst s10  }
0x35: {  	s10 =	sld [smem:$0x3FB2];
	_ =	sdelay $0x3  }
0x36: {  	p1 =	seq.s32 s10, $0x1;
	s10 =	sld [smem:$0x3FB3];
	_ =	sdelay $0x3  }
0x37: {  	[smem:$0x3FB3] =	sst s10  }
0x38: {  	s10 =	sld [smem:$0x3FB4]  }
0x39: {  	_ = 	snop;
	(pc) =	sbr.ind lr, $3  }
0x3a: {  	_ = 	snop  }
0x3b: {  	_ = 	snop  }
0x3c: {  	p2 =	seq.s32 s10, $0x1;
	s10 =	sld [smem:$0x3FB3]  }
0x3d: {  	_ =	shalt  }
0x3e: {  	_ =	shalt  }
0x3f: {  	_ =	shalt  }
0x40: {  	_ =	shalt  }
0x41: {  	_ =	shalt  }
0x42: {  	_ =	shalt  }
0x43: {  	_ =	shalt  }
0x44: {  	_ =	shalt  }
0x45: {  	_ =	shalt  }
0x46: {  	_ =	shalt  }
0x47: {  	_ =	shalt  }
0x48: {  	_ =	shalt  }
0x49: {  	_ =	shalt  }
0x4a: {  	_ =	shalt  }
0x4b: {  	_ =	shalt  }
0x4c: {  	_ =	shalt  }
0x4d: {  	_ =	shalt  }
0x4e: {  	_ =	shalt  }
0x4f: {  	_ =	shalt  }
0x50: {  	_ =	shalt  }
0x51: {  	_ =	shalt  }
0x52: {  	_ =	shalt  }
0x53: {  	_ =	shalt  }
0x54: {  	_ =	shalt  }
0x55: {  	_ =	shalt  }
0x56: {  	_ =	shalt  }
0x57: {  	_ =	shalt  }
0x58: {  	_ =	shalt  }
0x59: {  	_ =	shalt  }
0x5a: {  	_ =	shalt  }
0x5b: {  	_ =	shalt  }
0x5c: {  	_ =	shalt  }
0x5d: {  	_ =	shalt  }
0x5e: {  	_ =	shalt  }
0x5f: {  	_ =	shalt  }
0x60: {  	_ =	shalt  }
0x61: {  	_ =	shalt  }
0x62: {  	_ =	shalt  }
0x63: {  	_ =	shalt  }
0x64: {  	_ =	shalt  }
0x65: {  	_ =	shalt  }
0x66: {  	_ =	shalt  }
0x67: {  	_ =	shalt  }
0x68: {  	_ =	shalt  }
0x69: {  	_ =	shalt  }
0x6a: {  	_ =	shalt  }
0x6b: {  	_ =	shalt  }
0x6c: {  	_ =	shalt  }
0x6d: {  	_ =	shalt  }
0x6e: {  	_ =	shalt  }
0x6f: {  	_ =	shalt  }
0x70: {  	_ =	shalt  }
0x71: {  	_ =	shalt  }
0x72: {  	_ =	shalt  }
0x73: {  	_ =	shalt  }
0x74: {  	_ =	shalt  }
0x75: {  	_ =	shalt  }
0x76: {  	_ =	shalt  }
0x77: {  	_ =	shalt  }
0x78: {  	_ =	shalt  }
0x79: {  	_ =	shalt  }
0x7a: {  	_ =	shalt  }
0x7b: {  	_ =	shalt  }
0x7c: {  	_ =	shalt  }
0x7d: {  	_ =	shalt  }
0x7e: {  	_ =	shalt  }
0x7f: {  	_ =	shalt  }
0x80: {  	_ =	shalt  }
0x81: {  	_ =	shalt  }
0x82: {  	_ =	shalt  }
0x83: {  	_ =	shalt  }
0x84: {  	_ =	shalt  }
0x85: {  	_ =	shalt  }
0x86: {  	_ =	shalt  }
0x87: {  	_ =	shalt  }
.Lfunc_end0:
.L_simem_size_0:
called_computation_lowered:
.L_overlay_start_0:
0x88: {  	s2 =	sld [smem:$0x3FD9]  }
0x89: {  	s3 =	sld [smem:$0x3FFE];
	_ =	sdelay $0x1  }
0x8a: {  	s1 =	srdreg.scid  }
0x8b: {  	s0 =	sand.u32 $0x1, s1  }
0x8c: {  	s16 =	sshll.u32 s0, $0xA;
	s2 =	sadd.s32 s3, s2  }
0x8d: {  	s2 =	sadd.s32 s2, s16  }
0x8e: {  	[smem:$0x3FBF] =	sst s2  }
0x8f: {  	_ = 	snop  }
0x90: {  	(tm) =	ssettm $0x1  }
0x91: {  	s17 =	sld [smem:$0x3FFB];
	_ =	sdelay $0x3  }
0x92: {  	_ =	strace s17  }
0x93: {  	s2 =	sld [smem:$0x3FFC];
	_ =	sdelay $0x3  }
0x94: {  	_ =	strace s2  }
0x95: {  	s2 =	sld [smem:$0x3FFD];
	_ =	sdelay $0x3  }
0x96: {  	_ =	strace s2  }
0x97: {  	_ =	strace $0x8FFFFFFF  }
0x98: {  	s18 =	sld [smem:$0x3FDB];
	_ =	sdelay $0x1  }
0x99: {  	s19 =	simm.s32 $_scs_section_size  }
0x9a: {  	s4 =	simm.s32 $_size__tile_overlayer_lowered;
	s5 =	simm.s32 $_tile_overlayer_lowered  }
0x9b: {  	s22 =	simm.s32 $0x1BFF;
	s21 =	sshll.u32 s5, $0x1;
	s2 =	sadd.s32 s19, s18  }
0x9c: {  	s6 =	simm.s32 $0x0;
	s20 =	sshll.u32 s4, $0x1;
	s4 =	sadd.s32 s21, s2  }
0x9d: {  	[timem:s6], [sflag:s22] =	dma.local [hbm:s4], s20  }
0x9e: {  	_ =	swait.ge [sflag:s22], s20  }
0x9f: {  	s3 =	ssub.s32 $0x0, s20;
	[sflag:s22] =	ssyncset.done $0x0  }
0xa0: {  	[sflag:s22] =	ssyncadd.s32 s3;
	_ =	sdelay $0x1  }
0xa1: {  	s23 =	simm.s32 $0x1B8B  }
0xa2: {  	_ =	swait.ge [sflag:s23], $0x1  }
0xa3: {  	[sflag:s23] =	ssyncset.done $0x0  }
0xa4: {  	s25 =	simm.s32 $0x1B8E;
	s24 =	sld [smem:$0x3FFE];
	[sflag:s23] =	ssyncadd.s32 $0xFFFFFFFF  }
0xa5: {  	s26 =	simm.s32 $execute0_lowered;
	[smem:$0x3FD2] =	sst s25  }
0xa6: {  	s4 =	sshll.u32 s26, $0x1;
	_ =	strace $0x80000046;
	[dreg:$0x1] =	wrdreg $0xFFFFFFFF  }
0xa7: {  	s28 =	simm.s32 $_size_execute0_lowered;
	s2 =	sadd.s32 s2, s4;
	[dreg:$0x0] =	wrdreg $0x0  }
0xa8: {  	s4 =	sshll.u32 s28, $0x1;
	[dreg:$0x2] =	wrdreg s2  }
0xa9: {  	[dreg:$0x3] =	wrdreg s4  }
0xaa: {  	[dreg:$0x4] =	wrdreg $0xC0  }
0xab: {  	_ =	task [dreg:s6], $0x5FFFF  }
0xac: {  	[dreg:$0x1] =	wrdreg $0xFFFFFFFF  }
0xad: {  	[dreg:$0x0] =	wrdreg $0x60  }
0xae: {  	[dreg:$0x2] =	wrdreg s24  }
0xaf: {  	[dreg:$0x3] =	wrdreg $0x7A000  }
0xb0: {  	[dreg:$0x4] =	wrdreg $0x9  }
0xb1: {  	_ =	task.clear_ibuf [dreg:s6], $0x5FFFF;
	_ =	strace $0x90000046  }
0xb2: {  	s29 =	simm.s32 $0x9;
	_ =	strace $0x80000048  }
0xb3: {  	_ =	swait.ge [sflag:s29], $0x1  }
0xb4: {  	[sflag:s29] =	ssyncadd.s32 $0xFFFFFFFF  }
0xb5: {  	_ =	strace $0x90000048  }
0xb6: {  	_ =	sfence  }
0xb7: {  	s30 =	sld [smem:$0x0];
	_ =	sdelay $0x2  }
0xb8: {  	s31 =	sshll.u32 s1, $0xD;
	s1 =	sshrl.u32 s1, $0x2  }
0xb9: {  	s3 =	sand.u32 $0x4000, s31;
	s1 =	sadd.s32 s1, s30  }
0xba: {  	s0 =	sor.u32 s3, s0;
	s1 =	sshll.u32 s1, $0x11  }
0xbb: {  	s0 =	sor.u32 s1, s0  }
0xbc: {  	s0 =	sadd.s32 $0x8F2B, s0  }
0xbd: {  	[sflag:s0] =	ssyncadd.remote.s32 $0x1  }
0xbe: {  	_ =	sfence.sel $0xFFFF  }
0xbf: {  	[dreg:$0x0] =	wrdreg $0xFFFFFFFF;
	(pc) =	sbr.abs _section_cstart, $3  }
0xc0: {  	[dreg:$0x1] =	wrdreg $0xFFFFFFFF  }
0xc1: {  	_ =	task.clear_ibuf [dreg:s6], $0x2FFFF;
	_ =	strace $0x9FFFFFFF  }
0xc2: {  	(tm) =	ssettm $0x7FFFFFFF  }
0xc3: {  	_ =	shalt  }
tec
execute0_lowered:
.L_overlay_start_1:
0x0: {  	(tag) =	ssettag $0x1  }
0x1: {  	s3 =	rddreg [dreg:$0x0]  }
0x2: {  	s0 =	srdreg.scid;
	s6 =	rddreg [dreg:$0x1]  }
0x3: {  	s1 =	rddreg [dreg:$0x2];
	s4 =	sand.u32 $0x1, s0  }
0x4: {  	s2 =	simm.s32 $0x0;
	s0 =	stileid.u32;
	s5 =	smul.u32 $0x27100, s4  }
0x5: {  	s12 =	simm.s32 $0x1400;
	s13 =	simm.s32 $0x14000;
	s7 =	smul.u32 $0x2710, s0  }
0x6: {  	s14 =	simm.s32 $0x4F80;
	s15 =	simm.s32 $0x7780;
	s8 =	smul.u32 $0x280, s0  }
0x7: {  	s16 =	simm.s32 $0x0;
	[smem:$0x7FF] =	sst s2;
	s9 =	smul.u32 $0x2800, s4  }
0x8: {  	_ =	strace $0x80000047;
	s26 =	sshrl.u32 s0, $0x3;
	s4 =	ssub.s32 $0x2, s4  }
0x9: {  	s29 =	sshll.u32 s0, $0x7;
	s10 =	smul.u32 $0x5000, s0;
	s28 =	sshrl.u32 s4, $0x1  }
0xa: {  	s30 =	sand.u32 $0x380, s29;
	s5 =	sadd.s32 s7, s5;
	s25 =	sadd.s32 s8, s9  }
0xb: {  	s8 =	smul.u32 $0x50000, s26;
	s11 =	ssub.s32 s4, s28;
	s31 =	sshrl.u32 s10, $0x2  }
0xc: {  	s9 =	simm.s32 $0x2780;
	s10 =	simm.s32 $0x80;
	s5 =	sshrl.u32 s5, $0x3  }
0xd: {  	s7 =	sshrl.u32 s25, $0x3;
	s5 =	sadd.s32 s5, s3;
	s8 =	sshrl.u32 s8, $0x2  }
0xe: {  	s7 =	sadd.s32 s7, s3;
	s8 =	sadd.s32 s8, s6;
	s3 =	sadd.s32 $0x2C00, s5  }
0xf: {  	s5 =	sadd.s32 s31, s6;
	s6 =	sadd.s32 $0xCA00, s7;
	s7 =	smax.u32 s11, $0x1  }
0x10: {  	v0 =	vimm.f32 $0.0e+00;
	v1 =	vimm.f32 $1.000000000e+00;
	s11 =	simm.s32 $0x400;
	s4 =	sadd.s32 s30, s8;
	s8 =	simm.s32 $0x1  }
.LBB2_1:
0x11: {  	[tilespmem:s2], [sflag:$0x1] =	stream.linear.gather [hbm4b:s3+s2], $0x2710, $0x38;
	[tilespmem:$0xA200] =	vst v63  }
0x12: {  	_ =	swait.ge [sflag:s8], $0x2710  }
0x13: {  	[sflag:s8] =	ssyncset.done $0x0  }
0x14: {  	s17 =	simm.s32 $0x0;
	[sflag:s8] =	ssyncadd.s32 $0xFFFFD8F0  }
.LBB2_2:
0x15: {  	p0 =	sne.s32 s17, $0x9FC0  }
.Ltmp0:
0x16: {  	_ = 	snop;
	(pc) =	sbr.rel @p0 .LBB2_2-.Ltmp0, $3  }
0x17: {  	_ =	sdelay $0x1  }
0x18: {  	s18 =	sshra.s32 s17, $0x2  }
0x19: {  	s17 =	sadd.s32 $0x40, s17;
	[tilespmem:s18+$0x2780] =	vst v0  }
0x1a: {  	s18 =	simm.s32 $0x0;
	s17 =	simm.s32 $0x40  }
.LBB2_4:
0x1b: {  	p0 =	sne.s32 s17, $0x9C00;
	v2 =	vld [tilespmem:s18+$0x0];
	_ =	sdelay $0x3  }
.Ltmp1:
0x1c: {  	(pc) =	sbr.rel @p0 .LBB2_4-.Ltmp1, $2  }
0x1d: {  	_ =	sdelay $0x2  }
0x1e: {  	s18 =	sshra.s32 s17, $0x2;
	s17 =	sadd.s32 $0x40, s17;
	[tilespmem:v2+s9+$0x0] =	vst.idx.add.f32.msk $0xffff, v1  }
0x1f: {  	v2 =	vld [tilespmem:s18+$0x0];
	_ =	sdelay $0x7  }
0x20: {  	[tilespmem:v2+s9+$0x0] =	vst.idx.add.f32.msk $0xffff, v1  }
0x21: {  	[spmem:s4] =	stream.strided.scatter [tilespmem:s9], [sflag:$0x1], $0x2800, s11, s10, $0x38;
	[tilespmem:$0xA200] =	vst v63  }
0x22: {  	_ =	swait.ge [sflag:s8], $0x2800  }
0x23: {  	[sflag:s8] =	ssyncset.done $0x0  }
0x24: {  	[sflag:s8] =	ssyncadd.s32 $0xFFFFD800  }
0x25: {  	[bflag:$0x0] =	sbarrier.arrive $0xFFFF  }
0x26: {  	[tilespmem:s14], [sflag:$0x1] =	stream.strided.gather [spmem:s5], $0x2800, s13, s12, $0x38;
	[tilespmem:$0xA200] =	vst v63  }
0x27: {  	s17 =	simm.s32 $0x0;
	_ =	swait.ge [sflag:s8], $0x2800  }
0x28: {  	s31 =	sand.u32 $0x70, s17;
	s17 =	sand.u32 $0x1C00, s17;
	[sflag:s8] =	ssyncset.done $0x0  }
0x29: {  	s17 =	sor.u32 s31, s17;
	[sflag:s8] =	ssyncadd.s32 $0xFFFFD800  }
0x2a: {  	v2 =	vld [tilespmem:s17+$0x4F80];
	_ =	sdelay $0x1  }
0x2b: {  	v3 =	vld [tilespmem:s17+$0x5000];
	_ =	sdelay $0x1  }
0x2c: {  	v4 =	vld [tilespmem:s17+$0x5080]  }
0x2d: {  	v2 =	vadd.f32 $0.0e+00, v2  }
0x2e: {  	v5 =	vld [tilespmem:s17+$0x5100]  }
0x2f: {  	v2 =	vadd.f32 v3, v2  }
0x30: {  	v3 =	vld [tilespmem:s17+$0x5180]  }
0x31: {  	v2 =	vadd.f32 v4, v2  }
0x32: {  	v56 =	vld [tilespmem:s17+$0x5200]  }
0x33: {  	v2 =	vadd.f32 v5, v2  }
0x34: {  	v57 =	vld [tilespmem:s17+$0x5280]  }
0x35: {  	v2 =	vadd.f32 v3, v2  }
0x36: {  	v3 =	vld [tilespmem:s17+$0x5300]  }
0x37: {  	v2 =	vadd.f32 v56, v2  }
0x38: {  	v58 =	vld [tilespmem:s17+$0x6380]  }
0x39: {  	v2 =	vadd.f32 v57, v2  }
0x3a: {  	v59 =	vld [tilespmem:s17+$0x6400]  }
0x3b: {  	v2 =	vadd.f32 v3, v2  }
0x3c: {  	v3 =	vld [tilespmem:s17+$0x6480]  }
0x3d: {  	v2 =	vadd.f32 v58, v2  }
0x3e: {  	v60 =	vld [tilespmem:s17+$0x6500]  }
0x3f: {  	v2 =	vadd.f32 v59, v2  }
0x40: {  	v61 =	vld [tilespmem:s17+$0x6580]  }
0x41: {  	v2 =	vadd.f32 v3, v2  }
0x42: {  	v3 =	vld [tilespmem:s17+$0x6600]  }
0x43: {  	v2 =	vadd.f32 v60, v2  }
0x44: {  	v62 =	vld [tilespmem:s17+$0x6680]  }
0x45: {  	v2 =	vadd.f32 v61, v2  }
0x46: {  	v63 =	vld [tilespmem:s17+$0x6700]  }
0x47: {  	v2 =	vadd.f32 v3, v2;
	_ =	sdelay $0x1  }
0x48: {  	v2 =	vadd.f32 v62, v2  }
0x49: {  	s19 =	simm.s32 $0x10  }
0x4a: {  	s18 =	simm.s32 $0x80;
	s20 =	sand.u32 $0x70, s19;
	v2 =	vadd.f32 v63, v2  }
0x4b: {  	s21 =	sand.u32 $0x1C00, s18;
	s19 =	simm.s32 $0x20;
	s17 =	simm.s32 $0x7780  }
.LBB2_6:
0x4c: {  	p0 =	sne.s32 s19, $0x270;
	s20 =	sor.u32 s20, s21;
	[tilespmem:s17+$0x0] =	vst v2  }
0x4d: {  	v2 =	vld [tilespmem:s20+$0x4F80];
	_ =	sdelay $0x1  }
0x4e: {  	v3 =	vld [tilespmem:s20+$0x5000];
	_ =	sdelay $0x1  }
0x4f: {  	v4 =	vld [tilespmem:s20+$0x5080]  }
0x50: {  	v2 =	vadd.f32 $0.0e+00, v2  }
0x51: {  	v5 =	vld [tilespmem:s20+$0x5100]  }
0x52: {  	v2 =	vadd.f32 v3, v2  }
0x53: {  	v3 =	vld [tilespmem:s20+$0x5180]  }
0x54: {  	v2 =	vadd.f32 v4, v2  }
0x55: {  	v4 =	vld [tilespmem:s20+$0x5200]  }
0x56: {  	v2 =	vadd.f32 v5, v2  }
0x57: {  	v5 =	vld [tilespmem:s20+$0x5280]  }
0x58: {  	v2 =	vadd.f32 v3, v2  }
0x59: {  	v3 =	vld [tilespmem:s20+$0x5300]  }
0x5a: {  	v2 =	vadd.f32 v4, v2  }
0x5b: {  	v4 =	vld [tilespmem:s20+$0x6380]  }
0x5c: {  	v2 =	vadd.f32 v5, v2  }
0x5d: {  	v5 =	vld [tilespmem:s20+$0x6400]  }
0x5e: {  	v2 =	vadd.f32 v3, v2  }
0x5f: {  	v3 =	vld [tilespmem:s20+$0x6480]  }
0x60: {  	v2 =	vadd.f32 v4, v2  }
0x61: {  	v4 =	vld [tilespmem:s20+$0x6500]  }
0x62: {  	v2 =	vadd.f32 v5, v2  }
0x63: {  	v5 =	vld [tilespmem:s20+$0x6580]  }
0x64: {  	v2 =	vadd.f32 v3, v2  }
0x65: {  	v3 =	vld [tilespmem:s20+$0x6600]  }
0x66: {  	v2 =	vadd.f32 v4, v2  }
0x67: {  	v4 =	vld [tilespmem:s20+$0x6680]  }
0x68: {  	v2 =	vadd.f32 v5, v2  }
0x69: {  	v5 =	vld [tilespmem:s20+$0x6700]  }
0x6a: {  	v2 =	vadd.f32 v3, v2  }
.Ltmp2:
0x6b: {  	(pc) =	sbr.rel @p0 .LBB2_6-.Ltmp2, $3  }
0x6c: {  	v2 =	vadd.f32 v4, v2;
	_ =	sdelay $0x1  }
0x6d: {  	s18 =	sadd.s32 $0x80, s18;
	s17 =	sadd.s32 $0x10, s17;
	v2 =	vadd.f32 v5, v2  }
0x6e: {  	s21 =	sand.u32 $0x1C00, s18;
	s20 =	sand.u32 $0x70, s19;
	s19 =	sadd.s32 $0x10, s19  }
0x6f: {  	s18 =	sor.u32 s20, s21;
	[tilespmem:s17+$0x0] =	vst v2  }
0x70: {  	v2 =	vld [tilespmem:s18+$0x4F80];
	_ =	sdelay $0x1  }
0x71: {  	v3 =	vld [tilespmem:s18+$0x5000];
	_ =	sdelay $0x1  }
0x72: {  	v4 =	vld [tilespmem:s18+$0x5080]  }
0x73: {  	v2 =	vadd.f32 $0.0e+00, v2  }
0x74: {  	v5 =	vld [tilespmem:s18+$0x5100]  }
0x75: {  	v2 =	vadd.f32 v3, v2  }
0x76: {  	v3 =	vld [tilespmem:s18+$0x5180]  }
0x77: {  	v2 =	vadd.f32 v4, v2  }
0x78: {  	v56 =	vld [tilespmem:s18+$0x5200]  }
0x79: {  	v2 =	vadd.f32 v5, v2  }
0x7a: {  	v57 =	vld [tilespmem:s18+$0x5280]  }
0x7b: {  	v2 =	vadd.f32 v3, v2  }
0x7c: {  	v3 =	vld [tilespmem:s18+$0x5300]  }
0x7d: {  	v2 =	vadd.f32 v56, v2  }
0x7e: {  	v58 =	vld [tilespmem:s18+$0x6380]  }
0x7f: {  	v2 =	vadd.f32 v57, v2  }
0x80: {  	v59 =	vld [tilespmem:s18+$0x6400]  }
0x81: {  	v2 =	vadd.f32 v3, v2  }
0x82: {  	v3 =	vld [tilespmem:s18+$0x6480]  }
0x83: {  	v2 =	vadd.f32 v58, v2  }
0x84: {  	v60 =	vld [tilespmem:s18+$0x6500]  }
0x85: {  	v2 =	vadd.f32 v59, v2  }
0x86: {  	v61 =	vld [tilespmem:s18+$0x6580]  }
0x87: {  	v2 =	vadd.f32 v3, v2  }
0x88: {  	v3 =	vld [tilespmem:s18+$0x6600]  }
0x89: {  	v2 =	vadd.f32 v60, v2  }
0x8a: {  	v62 =	vld [tilespmem:s18+$0x6680]  }
0x8b: {  	v2 =	vadd.f32 v61, v2  }
0x8c: {  	v63 =	vld [tilespmem:s18+$0x6700]  }
0x8d: {  	v2 =	vadd.f32 v3, v2;
	_ =	sdelay $0x1  }
0x8e: {  	v2 =	vadd.f32 v62, v2;
	_ =	sdelay $0x1  }
0x8f: {  	s16 =	sadd.s32 $0x1, s16;
	v2 =	vadd.f32 v63, v2  }
0x90: {  	s31 =	sadd.s32 $0x10, s17;
	p0 =	sne.s32 s16, s7  }
.Ltmp3:
0x91: {  	[tilespmem:s31+$0x0] =	vst v2;
	(pc) =	sbr.rel @p0 .LBB2_1-.Ltmp3, $4  }
0x92: {  	[hbm4b:s6+s2] =	stream.linear.scatter [tilespmem:s15], [sflag:$0x1], $0x280, $0x38;
	[tilespmem:$0xA200] =	vst v63  }
0x93: {  	_ =	swait.ge [sflag:s8], $0x280  }
0x94: {  	[sflag:s8] =	ssyncset.done $0x0  }
0x95: {  	[sflag:s8] =	ssyncadd.s32 $0xFFFFFD80  }
0x96: {  	_ =	sfence.sel $0x180000  }
0x97: {  	[bflag:$0x0] =	sbarrier.arrive $0xFFFF  }
0x98: {  	p0 =	sne.s32 s0, $0x0;
	_ =	strace $0x90000047  }
0x99: {  	s0 =	sadd.s32 @!p0 $0x100000, s1;
	[bflag:$0x2] =	sbarrier.arrive $0xFFFF  }
0x9a: {  	[sflag:s0] =	ssyncadd.tile.s32 @!p0 $0x1;
	_ =	shalt  }
.Lfunc_end2:
_tile_overlayer_lowered:
.L_overlay_start_2:
0x9b: {  	(tag) =	ssettag $0x2  }
0x9c: {  	s0 =	rddreg [dreg:$0x0];
	s2 =	stileid.u32  }
0x9d: {  	s1 =	rddreg [dreg:$0x1];
	p0 =	sne.s32 s2, $0x0  }
0x9e: {  	s3 =	rddreg [dreg:$0x2];
	[bflag:$0x3] =	sbarrier.arrive $0xFFFF;
	s2 =	simm.s32 @!p0 $0x1C01  }
0x9f: {  	[timem:s3], [sflag:s2] =	dma.local @!p0 [hbm:s0], s1  }
0xa0: {  	s0 =	simm.s32 @!p0 $0x1  }
0xa1: {  	_ =	swait.ge @!p0 [sflag:s0], s1  }
0xa2: {  	s1 =	ssub.s32 @!p0 $0x0, s1;
	[sflag:s0] =	ssyncset.done @!p0 $0x0  }
0xa3: {  	[sflag:s0] =	ssyncadd.s32 @!p0 s1  }
0xa4: {  	[bflag:$0x3] =	sbarrier.arrive $0xFFFF  }
0xa5: {  	_ =	shalt  }

</sc_bundles>
